<compile_context>
chip_gen: v7x
topology: tpu7x:2x2x1
jax: 0.10.2.dev20260603
libtpu: 0.0.44.dev20260713+nightly
codegen_flags: <defaults>
</compile_context>

<pallas_src>
import functools

import jax
import jax.numpy as jnp
from jax import lax
from jax.experimental import pallas as pl
from jax.experimental.pallas import tpu as pltpu
from jax.experimental.pallas import tpu_sc as plsc

NC = 2
NS = 16
LANES = 16
CHUNK = 80
BCH = 128
SEG = 2000
NFULL = (SEG - CHUNK) // BCH


def _make_sc_count(n, r, e):
    ept = e // (NC * NS)
    c_per_tile = (r * n) // NS
    c_zchunk = (c_per_tile + LANES - 1) // LANES * LANES
    seg_cnt = ept // SEG
    assert seg_cnt * SEG == ept
    mesh = plsc.VectorSubcoreMesh(core_axis_name="c", subcore_axis_name="s")

    @functools.partial(
        pl.kernel,
        out_type=jax.ShapeDtypeStruct((NC * r * n,), jnp.float32),
        mesh=mesh,
        compiler_params=pltpu.CompilerParams(needs_layout_passes=False),
        scratch_types=[
            pltpu.VMEM_SHARED((r * n,), jnp.float32),
            pltpu.VMEM((SEG,), jnp.int32),
            pltpu.VMEM((SEG,), jnp.int32),
            pltpu.VMEM((BCH,), jnp.float32),
            pltpu.VMEM((c_zchunk,), jnp.float32),
            pltpu.VMEM((BCH,), jnp.int32),
            pltpu.VMEM((CHUNK,), jnp.int32),
        ],
    )
    def sc_count(etype_hbm, ei_hbm, out_hbm, c_sh, t_v, d_v, ones_v,
                 zv_v, rc2_v, rc_v):
        cid = lax.axis_index("c")
        sid = lax.axis_index("s")

        def zero_zv(i, _):
            zv_v[pl.ds(i * LANES, LANES)] = jnp.zeros((LANES,), jnp.float32)
            return ()

        lax.fori_loop(0, c_zchunk // LANES, zero_zv, ())
        zc = sid * c_per_tile
        pltpu.sync_copy(zv_v.at[pl.ds(0, c_per_tile)],
                        c_sh.at[pl.ds(zc, c_per_tile)])
        for j in range(BCH // LANES):
            ones_v[pl.ds(j * LANES, LANES)] = jnp.ones((LANES,), jnp.float32)
        plsc.subcore_barrier()

        cnt_base = (cid * NS + sid) * ept

        def count_seg(g, _):
            e0 = cnt_base + g * SEG
            pltpu.sync_copy(etype_hbm.at[pl.ds(e0, SEG)], t_v)
            pltpu.sync_copy(ei_hbm.at[pl.ds(e + e0, SEG)], d_v)

            def count_chunk(k, _):
                for j in range(BCH // LANES):
                    sl = pl.ds(k * BCH + j * LANES, LANES)
                    ob = pl.ds(j * LANES, LANES)
                    rc2_v[ob] = t_v[sl] * n + d_v[sl]
                pltpu.sync_copy(ones_v, c_sh.at[rc2_v], add=True)
                return ()

            lax.fori_loop(0, NFULL, count_chunk, ())
            for j in range(CHUNK // LANES):
                sl = pl.ds(NFULL * BCH + j * LANES, LANES)
                ob = pl.ds(j * LANES, LANES)
                rc_v[ob] = t_v[sl] * n + d_v[sl]
            pltpu.sync_copy(ones_v.at[pl.ds(0, CHUNK)], c_sh.at[rc_v],
                            add=True)
            return ()

        lax.fori_loop(0, seg_cnt, count_seg, ())
        plsc.subcore_barrier()
        wc = sid * c_per_tile
        pltpu.sync_copy(c_sh.at[pl.ds(wc, c_per_tile)],
                        zv_v.at[pl.ds(0, c_per_tile)])
        pltpu.sync_copy(zv_v.at[pl.ds(0, c_per_tile)],
                        out_hbm.at[pl.ds(cid * r * n + wc, c_per_tile)])

    return sc_count


def _make_sc_aggregate(n, h, r, e):
    ept_cnt = e // NS
    ept_agg = e // (NC * NS)
    rows_main = (n // NS) // 8 * 8
    rows_rem = n - NS * rows_main
    c_per_tile = (r * n) // NS
    c_zchunk = (c_per_tile + LANES - 1) // LANES * LANES
    seg_agg = ept_agg // SEG
    assert NFULL * BCH + CHUNK == SEG
    assert seg_agg * SEG == ept_agg
    mesh = plsc.VectorSubcoreMesh(core_axis_name="c", subcore_axis_name="s")

    @functools.partial(
        pl.kernel,
        out_type=jax.ShapeDtypeStruct((NC * n, h), jnp.float32),
        mesh=mesh,
        compiler_params=pltpu.CompilerParams(needs_layout_passes=False),
        scratch_types=[
            pltpu.VMEM_SHARED((n, h), jnp.float32),
            pltpu.VMEM_SHARED((r * n,), jnp.float32),
            pltpu.VMEM((SEG,), jnp.int32),
            pltpu.VMEM((SEG,), jnp.int32),
            pltpu.VMEM((SEG,), jnp.int32),
            pltpu.VMEM((BCH,), jnp.float32),
            pltpu.VMEM((c_zchunk,), jnp.float32),
            pltpu.VMEM((c_zchunk,), jnp.float32),
        ] + [pltpu.VMEM((CHUNK, h), jnp.float32),
             pltpu.VMEM((CHUNK,), jnp.int32),
             pltpu.VMEM((CHUNK,), jnp.int32),
             pltpu.VMEM((CHUNK,), jnp.int32),
             pltpu.VMEM((CHUNK,), jnp.float32)]
          + [pltpu.VMEM((BCH, h), jnp.float32),
             pltpu.VMEM((BCH,), jnp.int32),
             pltpu.VMEM((BCH,), jnp.int32),
             pltpu.VMEM((BCH,), jnp.int32),
             pltpu.VMEM((BCH,), jnp.float32)],
    )
    def sc_aggregate(etype_hbm, ei_hbm, trans_hbm, cpart_hbm,
                     out_hbm, agg_sh, c_sh, t_v, s_v, d_v, ones_v, zv_v,
                     cz_v, rw_v, gx_v, rc_v, dd_v, cv_v,
                     rw2_v, gx2_v, rc2_v, dd2_v, cv2_v):
        cid = lax.axis_index("c")
        sid = lax.axis_index("s")

        def zero_rw2(i, _):
            for v in range(h // LANES):
                rw2_v[i, pl.ds(v * LANES, LANES)] = jnp.zeros(
                    (LANES,), jnp.float32)
            return ()

        lax.fori_loop(0, BCH, zero_rw2, ())
        zr = sid * rows_main
        nfull_z = rows_main // BCH
        zrem = rows_main - nfull_z * BCH
        for q in range(nfull_z):
            pltpu.sync_copy(rw2_v, agg_sh.at[pl.ds(zr + q * BCH, BCH)])
        if zrem:
            pltpu.sync_copy(rw2_v.at[pl.ds(0, zrem)],
                            agg_sh.at[pl.ds(zr + nfull_z * BCH, zrem)])

        @pl.when(sid == 0)
        def _zero_tail():
            pltpu.sync_copy(rw2_v.at[pl.ds(0, rows_rem)],
                            agg_sh.at[pl.ds(NS * rows_main, rows_rem)])

        def zero_zv(i, _):
            zv_v[pl.ds(i * LANES, LANES)] = jnp.zeros((LANES,), jnp.float32)
            return ()

        zc = sid * c_per_tile
        pltpu.sync_copy(cpart_hbm.at[pl.ds(zc, c_per_tile)],
                        zv_v.at[pl.ds(0, c_per_tile)])
        pltpu.sync_copy(cpart_hbm.at[pl.ds(r * n + zc, c_per_tile)],
                        cz_v.at[pl.ds(0, c_per_tile)])

        def sum_counts(i, _):
            sl = pl.ds(i * LANES, LANES)
            zv_v[sl] = zv_v[sl] + cz_v[sl]
            return ()

        lax.fori_loop(0, c_zchunk // LANES, sum_counts, ())
        pltpu.sync_copy(zv_v.at[pl.ds(0, c_per_tile)],
                        c_sh.at[pl.ds(zc, c_per_tile)])
        plsc.subcore_barrier()

        agg_base = (cid * NS + sid) * ept_agg

        def agg_seg(g, _):
            e0 = agg_base + g * SEG
            pltpu.sync_copy(etype_hbm.at[pl.ds(e0, SEG)], t_v)
            pltpu.sync_copy(ei_hbm.at[pl.ds(e0, SEG)], s_v)
            pltpu.sync_copy(ei_hbm.at[pl.ds(e + e0, SEG)], d_v)

            def do_chunk(base, sz, gxb, rcb, ddb, cvb, rwb):
                for j in range(sz // LANES):
                    sl = pl.ds(base + j * LANES, LANES)
                    ob = pl.ds(j * LANES, LANES)
                    t16 = t_v[sl]
                    d16 = d_v[sl]
                    gxb[ob] = t16 * n + s_v[sl]
                    rcb[ob] = t16 * n + d16
                    ddb[ob] = d16
                pltpu.sync_copy(trans_hbm.at[gxb], rwb)
                pltpu.sync_copy(c_sh.at[rcb], cvb)

                @plsc.parallel_loop(0, sz, 1, unroll=4)
                def scale_row(i):
                    cw = plsc.load_gather(
                        cvb, [jnp.full((LANES,), i, jnp.int32)])
                    w = 1.0 / jnp.maximum(cw, 1.0)
                    for v in range(h // LANES):
                        sl = pl.ds(v * LANES, LANES)
                        rwb[i, sl] = rwb[i, sl] * w
                pltpu.sync_copy(rwb, agg_sh.at[ddb], add=True)

            def agg_chunk(k, _):
                do_chunk(k * BCH, BCH, gx2_v, rc2_v, dd2_v, cv2_v, rw2_v)
                return ()

            lax.fori_loop(0, NFULL, agg_chunk, ())
            do_chunk(NFULL * BCH, CHUNK, gx_v, rc_v, dd_v, cv_v, rw_v)
            return ()

        lax.fori_loop(0, seg_agg, agg_seg, ())
        plsc.subcore_barrier()

        wr = sid * rows_main
        pltpu.sync_copy(agg_sh.at[pl.ds(wr, rows_main)],
                        out_hbm.at[pl.ds(cid * n + wr, rows_main)])

        @pl.when(sid == 0)
        def _write_tail():
            pltpu.sync_copy(agg_sh.at[pl.ds(NS * rows_main, rows_rem)],
                            out_hbm.at[pl.ds(cid * n + NS * rows_main,
                                             rows_rem)])

    return sc_aggregate


def _tc_trans_body(x_ref, w_ref, o_ref):
    o_ref[0] = jnp.dot(x_ref[...], w_ref[0],
                       preferred_element_type=jnp.float32)


def _tc_head_body(p0_ref, p1_ref, xw_ref, resid_ref, muw_ref, mub_ref,
                  lvw_ref, lvb_ref, mu_ref, lv_ref):
    hid = p0_ref[...] + p1_ref[...] + xw_ref[0] + resid_ref[0, 0]
    hid = jnp.maximum(hid, 0.0)
    mu_ref[...] = jnp.dot(hid, muw_ref[...],
                          preferred_element_type=jnp.float32) + mub_ref[...]
    lv_ref[...] = jnp.dot(hid, lvw_ref[...],
                          preferred_element_type=jnp.float32) + lvb_ref[...]


def kernel(edge_index, edge_type, num_nodes, node_emb, W_rel, W_self,
           mu_W, mu_b, lv_W, lv_b):
    n, h = node_emb.shape
    r = W_rel.shape[0]
    e = edge_type.shape[0]
    lat = mu_W.shape[1]
    nb = 1000
    ngrid = n // nb

    w_all = jnp.concatenate([W_rel, W_self[None]], axis=0)
    trans = pl.pallas_call(
        _tc_trans_body,
        grid=(r + 1, ngrid),
        in_specs=[
            pl.BlockSpec((nb, h), lambda i, j: (j, 0)),
            pl.BlockSpec((1, h, h), lambda i, j: (i, 0, 0)),
        ],
        out_specs=pl.BlockSpec((1, nb, h), lambda i, j: (i, j, 0)),
        out_shape=jax.ShapeDtypeStruct((r + 1, n, h), jnp.float32),
    )(node_emb, w_all)

    ei_flat = edge_index.reshape(2 * e)
    cpart = _make_sc_count(n, r, e)(edge_type, ei_flat)
    sc_fn = _make_sc_aggregate(n, h, r, e)
    partials = sc_fn(edge_type, ei_flat, trans.reshape((r + 1) * n, h),
                     cpart)

    resid = (jnp.asarray(num_nodes) - n).astype(jnp.float32).reshape(1, 1)
    mu, lv = pl.pallas_call(
        _tc_head_body,
        grid=(ngrid,),
        in_specs=[
            pl.BlockSpec((nb, h), lambda j: (j, 0)),
            pl.BlockSpec((nb, h), lambda j: (ngrid + j, 0)),
            pl.BlockSpec((1, nb, h), lambda j: (r, j, 0)),
            pl.BlockSpec((1, 1), lambda j: (0, 0)),
            pl.BlockSpec((h, lat), lambda j: (0, 0)),
            pl.BlockSpec((1, lat), lambda j: (0, 0)),
            pl.BlockSpec((h, lat), lambda j: (0, 0)),
            pl.BlockSpec((1, lat), lambda j: (0, 0)),
        ],
        out_specs=[
            pl.BlockSpec((nb, lat), lambda j: (j, 0)),
            pl.BlockSpec((nb, lat), lambda j: (j, 0)),
        ],
        out_shape=[
            jax.ShapeDtypeStruct((n, lat), jnp.float32),
            jax.ShapeDtypeStruct((n, lat), jnp.float32),
        ],
    )(partials, partials, trans, resid, mu_W, mu_b.reshape(1, lat),
      lv_W, lv_b.reshape(1, lat))

    return (mu, mu, lv)

# --- scband reference (transcript-rebuilt; emitter-appended) ---
"""Pipeline reference for scband-vgae-46866683134594 (READ-ONLY COPY).

The authoritative reference and input builder live on the scoring server;
editing this copy changes nothing except your own understanding.
"""

import jax, jax.numpy as jnp
import numpy as np

N_NODES = 10000
N_EDGES = 320000
N_REL = 8
HIDDEN = 128
LATENT = 64


def setup_inputs(seed: int = 0) -> dict:
    key = jax.random.key(seed)
    ks = jax.random.split(key, 10)
    edge_index = jax.random.randint(ks[0], (2, N_EDGES), 0, N_NODES, dtype=jnp.int32)
    edge_type = jax.random.randint(ks[1], (N_EDGES,), 0, N_REL, dtype=jnp.int32)
    # learned parameters (feat_dim=None -> encoder uses a learned node embedding table)
    node_emb = jax.random.normal(ks[2], (N_NODES, HIDDEN), dtype=jnp.float32) * 0.05
    W_rel = jax.random.normal(ks[3], (N_REL, HIDDEN, HIDDEN), dtype=jnp.float32) * (1.0 / np.sqrt(HIDDEN))
    W_self = jax.random.normal(ks[4], (HIDDEN, HIDDEN), dtype=jnp.float32) * (1.0 / np.sqrt(HIDDEN))
    mu_W = jax.random.normal(ks[5], (HIDDEN, LATENT), dtype=jnp.float32) * (1.0 / np.sqrt(HIDDEN))
    mu_b = jnp.zeros((LATENT,), dtype=jnp.float32)
    lv_W = jax.random.normal(ks[6], (HIDDEN, LATENT), dtype=jnp.float32) * (1.0 / np.sqrt(HIDDEN))
    lv_b = jnp.zeros((LATENT,), dtype=jnp.float32)
    return {
        'edge_index': edge_index,
        'edge_type': edge_type,
        'num_nodes': N_NODES,
        'node_emb': node_emb,
        'W_rel': W_rel,
        'W_self': W_self,
        'mu_W': mu_W,
        'mu_b': mu_b,
        'lv_W': lv_W,
        'lv_b': lv_b,
    }


def reference(edge_index, edge_type, num_nodes, node_emb, W_rel, W_self, mu_W, mu_b, lv_W, lv_b):
    # RGCNScratch encoder: learned node embeddings (feat_dim=None), one R-GCN layer
    src = edge_index[0]
    dst = edge_index[1]
    R = W_rel.shape[0]
    x = node_emb  # [N, H]
    n = node_emb.shape[0]
    num_nodes_residual = (jnp.asarray(num_nodes) - n).astype(jnp.float32)
    # relation-specific transform of all nodes: [R, N, H]
    trans = jnp.einsum('nd,rdh->rnh', x, W_rel)
    # per-edge message gather (SparseCore-style gather)
    msg = trans[edge_type, src]  # [E, H]
    # RGCN normalization 1/c_{i,r}: count of incoming edges per (relation, dst)
    cnt = jnp.zeros((R, n), dtype=jnp.float32).at[edge_type, dst].add(1.0)
    norm = 1.0 / jnp.maximum(cnt, 1.0)
    msg = msg * norm[edge_type, dst][:, None]
    # scatter-add aggregation into destination nodes
    agg = jnp.zeros((n, x.shape[1]), dtype=jnp.float32).at[dst].add(msg)
    h = jax.nn.relu(agg + x @ W_self + num_nodes_residual)
    # variational heads
    mu = h @ mu_W + mu_b
    log_var = h @ lv_W + lv_b
    # eval mode: z = mu (no reparameterization noise)
    z = mu
    return (z, mu, log_var)

if __name__ == "__main__":
    import jax
    _d = setup_inputs()
    print(jax.jit(kernel)(*tuple(_d.values())))

</pallas_src>

<mosaic_0001>
#map = affine_map<(d0, d1) -> (0)>
module attributes {stable_mosaic.version = 14 : i64} {
  func.func @sc_count(%arg0: i32, %arg1: i32, %arg2: memref<320000xi32, #tpu.memory_space<hbm>>, %arg3: memref<640000xi32, #tpu.memory_space<hbm>>, %arg4: memref<160000xf32, #tpu.memory_space<hbm>>, %arg5: memref<80000xf32, #tpu.memory_space<vmem_shared>>, %arg6: memref<2000xi32, #tpu.memory_space<vmem>>, %arg7: memref<2000xi32, #tpu.memory_space<vmem>>, %arg8: memref<128xf32, #tpu.memory_space<vmem>>, %arg9: memref<5008xf32, #tpu.memory_space<vmem>>, %arg10: memref<128xi32, #tpu.memory_space<vmem>>, %arg11: memref<80xi32, #tpu.memory_space<vmem>>) attributes {dimension_semantics = [#tpu.dimension_semantics<core_parallel>, #tpu.dimension_semantics<subcore_parallel>], iteration_bounds = array<i64: 2, 16>, scalar_prefetch = 0 : i64, scratch_operands = 7 : i64, tpu.core_type = #tpu.core_type<sc_vector_subcore>, window_params = [{transform_indices = #map}, {transform_indices = #map}, {transform_indices = #map}]} {
    %scan3A = arith.constant 0 : i32
    %scan3A_0 = arith.constant 313 : i32
    %scan3A_1 = arith.addi %scan3A, %scan3A_0 : i32
    %scan3A_2 = arith.constant 1 : i32
    scf.for %scan3A_52 = %scan3A to %scan3A_1 step %scan3A_2  : i32 {
      %broadcast_in_dim3A_53 = arith.constant 0.000000e+00 : f32
      %broadcast_in_dim3A_54 = vector.broadcast %broadcast_in_dim3A_53 : f32 to vector<16xf32>
      %mul3A_55 = arith.constant 16 : i32
      %mul3A_56 = arith.muli %scan3A_52, %mul3A_55 : i32
      %swap3A_57 = arith.index_cast %mul3A_56 : i32 to index
      %swap3A_58 = tpu.vector_load %arg9[%swap3A_57] {strides = array<i32>} : memref<5008xf32, #tpu.memory_space<vmem>>, vector<16xf32>,
      tpu.vector_store %arg9[%swap3A_57], %broadcast_in_dim3A_54 {strides = array<i32>} : memref<5008xf32, #tpu.memory_space<vmem>>, vector<16xf32>,
    }
    %scan3A_3 = arith.constant 313 : i32
    %mul3A = arith.constant 5000 : i32
    %mul3A_4 = arith.muli %arg1, %mul3A : i32
    "tpu.region"() ({
      %run_scoped3A = tpu.sem_alloc : memref<!tpu.dma_semaphore, #tpu.memory_space<semaphore_mem>>
      %dma_start3A = arith.constant 0 : i32
      %dma_start3A_52 = tpu.memref_slice %arg9[%dma_start3A] : memref<5008xf32, #tpu.memory_space<vmem>> -> memref<5000xf32, #tpu.memory_space<vmem>>
      %dma_start3A_53 = tpu.memref_slice %arg5[%mul3A_4] : memref<80000xf32, #tpu.memory_space<vmem_shared>> -> memref<5000xf32, #tpu.memory_space<vmem_shared>>
      %dma_start3A_54 = tpu.memref_slice %arg5[%mul3A_4] : memref<80000xf32, #tpu.memory_space<vmem_shared>> -> memref<5000xf32, #tpu.memory_space<vmem_shared>>
      %dma_start3A_55 = arith.constant 0 : i32
      %dma_start3A_56 = tpu.memref_slice %arg9[%dma_start3A_55] : memref<5008xf32, #tpu.memory_space<vmem>> -> memref<5000xf32, #tpu.memory_space<vmem>>
      tpu.enqueue_dma source(%dma_start3A_56 : memref<5000xf32, #tpu.memory_space<vmem>>) target(%dma_start3A_54 : memref<5000xf32, #tpu.memory_space<vmem_shared>>) target_semaphore(%run_scoped3A : memref<!tpu.dma_semaphore, #tpu.memory_space<semaphore_mem>>)
      %dma_wait3A = arith.constant 0 : i32
      %dma_wait3A_57 = tpu.memref_slice %arg9[%dma_wait3A] : memref<5008xf32, #tpu.memory_space<vmem>> -> memref<5000xf32, #tpu.memory_space<vmem>>
      %dma_wait3A_58 = tpu.memref_slice %arg5[%mul3A_4] : memref<80000xf32, #tpu.memory_space<vmem_shared>> -> memref<5000xf32, #tpu.memory_space<vmem_shared>>
      %dma_wait3A_59 = tpu.memref_slice %arg5[%mul3A_4] : memref<80000xf32, #tpu.memory_space<vmem_shared>> -> memref<5000xf32, #tpu.memory_space<vmem_shared>>
      %dma_wait3A_60 = arith.constant 0 : i32
      %dma_wait3A_61 = tpu.memref_slice %arg9[%dma_wait3A_60] : memref<5008xf32, #tpu.memory_space<vmem>> -> memref<5000xf32, #tpu.memory_space<vmem>>
      tpu.wait_dma2 semaphore(%run_scoped3A : memref<!tpu.dma_semaphore, #tpu.memory_space<semaphore_mem>>) src(%dma_wait3A_61 : memref<5000xf32, #tpu.memory_space<vmem>>) dst(%dma_wait3A_59 : memref<5000xf32, #tpu.memory_space<vmem_shared>>)
      tpu.yield
    }) : () -> ()
    %broadcast_in_dim3A = arith.constant 1.000000e+00 : f32
    %broadcast_in_dim3A_5 = vector.broadcast %broadcast_in_dim3A : f32 to vector<16xf32>
    %swap3A = arith.constant 0 : index
    %swap3A_6 = tpu.vector_load %arg8[%swap3A] {strides = array<i32>} : memref<128xf32, #tpu.memory_space<vmem>>, vector<16xf32>,
    tpu.vector_store %arg8[%swap3A], %broadcast_in_dim3A_5 {strides = array<i32>} : memref<128xf32, #tpu.memory_space<vmem>>, vector<16xf32>,
    %broadcast_in_dim3A_7 = arith.constant 1.000000e+00 : f32
    %broadcast_in_dim3A_8 = vector.broadcast %broadcast_in_dim3A_7 : f32 to vector<16xf32>
    %swap3A_9 = arith.constant 16 : index
    %swap3A_10 = tpu.vector_load %arg8[%swap3A_9] {strides = array<i32>} : memref<128xf32, #tpu.memory_space<vmem>>, vector<16xf32>,
    tpu.vector_store %arg8[%swap3A_9], %broadcast_in_dim3A_8 {strides = array<i32>} : memref<128xf32, #tpu.memory_space<vmem>>, vector<16xf32>,
    %broadcast_in_dim3A_11 = arith.constant 1.000000e+00 : f32
    %broadcast_in_dim3A_12 = vector.broadcast %broadcast_in_dim3A_11 : f32 to vector<16xf32>
    %swap3A_13 = arith.constant 32 : index
    %swap3A_14 = tpu.vector_load %arg8[%swap3A_13] {strides = array<i32>} : memref<128xf32, #tpu.memory_space<vmem>>, vector<16xf32>,
    tpu.vector_store %arg8[%swap3A_13], %broadcast_in_dim3A_12 {strides = array<i32>} : memref<128xf32, #tpu.memory_space<vmem>>, vector<16xf32>,
    %broadcast_in_dim3A_15 = arith.constant 1.000000e+00 : f32
    %broadcast_in_dim3A_16 = vector.broadcast %broadcast_in_dim3A_15 : f32 to vector<16xf32>
    %swap3A_17 = arith.constant 48 : index
    %swap3A_18 = tpu.vector_load %arg8[%swap3A_17] {strides = array<i32>} : memref<128xf32, #tpu.memory_space<vmem>>, vector<16xf32>,
    tpu.vector_store %arg8[%swap3A_17], %broadcast_in_dim3A_16 {strides = array<i32>} : memref<128xf32, #tpu.memory_space<vmem>>, vector<16xf32>,
    %broadcast_in_dim3A_19 = arith.constant 1.000000e+00 : f32
    %broadcast_in_dim3A_20 = vector.broadcast %broadcast_in_dim3A_19 : f32 to vector<16xf32>
    %swap3A_21 = arith.constant 64 : index
    %swap3A_22 = tpu.vector_load %arg8[%swap3A_21] {strides = array<i32>} : memref<128xf32, #tpu.memory_space<vmem>>, vector<16xf32>,
    tpu.vector_store %arg8[%swap3A_21], %broadcast_in_dim3A_20 {strides = array<i32>} : memref<128xf32, #tpu.memory_space<vmem>>, vector<16xf32>,
    %broadcast_in_dim3A_23 = arith.constant 1.000000e+00 : f32
    %broadcast_in_dim3A_24 = vector.broadcast %broadcast_in_dim3A_23 : f32 to vector<16xf32>
    %swap3A_25 = arith.constant 80 : index
    %swap3A_26 = tpu.vector_load %arg8[%swap3A_25] {strides = array<i32>} : memref<128xf32, #tpu.memory_space<vmem>>, vector<16xf32>,
    tpu.vector_store %arg8[%swap3A_25], %broadcast_in_dim3A_24 {strides = array<i32>} : memref<128xf32, #tpu.memory_space<vmem>>, vector<16xf32>,
    %broadcast_in_dim3A_27 = arith.constant 1.000000e+00 : f32
    %broadcast_in_dim3A_28 = vector.broadcast %broadcast_in_dim3A_27 : f32 to vector<16xf32>
    %swap3A_29 = arith.constant 96 : index
    %swap3A_30 = tpu.vector_load %arg8[%swap3A_29] {strides = array<i32>} : memref<128xf32, #tpu.memory_space<vmem>>, vector<16xf32>,
    tpu.vector_store %arg8[%swap3A_29], %broadcast_in_dim3A_28 {strides = array<i32>} : memref<128xf32, #tpu.memory_space<vmem>>, vector<16xf32>,
    %broadcast_in_dim3A_31 = arith.constant 1.000000e+00 : f32
    %broadcast_in_dim3A_32 = vector.broadcast %broadcast_in_dim3A_31 : f32 to vector<16xf32>
    %swap3A_33 = arith.constant 112 : index
    %swap3A_34 = tpu.vector_load %arg8[%swap3A_33] {strides = array<i32>} : memref<128xf32, #tpu.memory_space<vmem>>, vector<16xf32>,
    tpu.vector_store %arg8[%swap3A_33], %broadcast_in_dim3A_32 {strides = array<i32>} : memref<128xf32, #tpu.memory_space<vmem>>, vector<16xf32>,
    %barrier3A = arith.constant 0 : index
    tpu.barrier barrier_id(%barrier3A)
    %mul3A_35 = arith.constant 16 : i32
    %mul3A_36 = arith.muli %arg0, %mul3A_35 : i32
    %add3A = arith.addi %mul3A_36, %arg1 : i32
    %mul3A_37 = arith.constant 10000 : i32
    %mul3A_38 = arith.muli %add3A, %mul3A_37 : i32
    %scan3A_39 = arith.constant 0 : i32
    %scan3A_40 = arith.constant 5 : i32
    %scan3A_41 = arith.addi %scan3A_39, %scan3A_40 : i32
    %scan3A_42 = arith.constant 1 : i32
    scf.for %scan3A_52 = %scan3A_39 to %scan3A_41 step %scan3A_42  : i32 {
      %mul3A_53 = arith.constant 2000 : i32
      %mul3A_54 = arith.muli %scan3A_52, %mul3A_53 : i32
      %add3A_55 = arith.addi %mul3A_38, %mul3A_54 : i32
      "tpu.region"() ({
        %run_scoped3A = tpu.sem_alloc : memref<!tpu.dma_semaphore, #tpu.memory_space<semaphore_mem>>
        %dma_start3A = tpu.memref_slice %arg2[%add3A_55] : memref<320000xi32, #tpu.memory_space<hbm>> -> memref<2000xi32, #tpu.memory_space<hbm>>
        %dma_start3A_112 = tpu.memref_slice %arg2[%add3A_55] : memref<320000xi32, #tpu.memory_space<hbm>> -> memref<2000xi32, #tpu.memory_space<hbm>>
        tpu.enqueue_dma source(%dma_start3A_112 : memref<2000xi32, #tpu.memory_space<hbm>>) target(%arg6 : memref<2000xi32, #tpu.memory_space<vmem>>) target_semaphore(%run_scoped3A : memref<!tpu.dma_semaphore, #tpu.memory_space<semaphore_mem>>)
        %dma_wait3A = tpu.memref_slice %arg2[%add3A_55] : memref<320000xi32, #tpu.memory_space<hbm>> -> memref<2000xi32, #tpu.memory_space<hbm>>
        %dma_wait3A_113 = tpu.memref_slice %arg2[%add3A_55] : memref<320000xi32, #tpu.memory_space<hbm>> -> memref<2000xi32, #tpu.memory_space<hbm>>
        tpu.wait_dma2 semaphore(%run_scoped3A : memref<!tpu.dma_semaphore, #tpu.memory_space<semaphore_mem>>) src(%dma_wait3A_113 : memref<2000xi32, #tpu.memory_space<hbm>>) dst(%arg6 : memref<2000xi32, #tpu.memory_space<vmem>>)
        tpu.yield
      }) : () -> ()
      %add3A_56 = arith.constant 320000 : i32
      %add3A_57 = arith.addi %add3A_56, %add3A_55 : i32
      "tpu.region"() ({
        %run_scoped3A = tpu.sem_alloc : memref<!tpu.dma_semaphore, #tpu.memory_space<semaphore_mem>>
        %dma_start3A = tpu.memref_slice %arg3[%add3A_57] : memref<640000xi32, #tpu.memory_space<hbm>> -> memref<2000xi32, #tpu.memory_space<hbm>>
        %dma_start3A_112 = tpu.memref_slice %arg3[%add3A_57] : memref<640000xi32, #tpu.memory_space<hbm>> -> memref<2000xi32, #tpu.memory_space<hbm>>
        tpu.enqueue_dma source(%dma_start3A_112 : memref<2000xi32, #tpu.memory_space<hbm>>) target(%arg7 : memref<2000xi32, #tpu.memory_space<vmem>>) target_semaphore(%run_scoped3A : memref<!tpu.dma_semaphore, #tpu.memory_space<semaphore_mem>>)
        %dma_wait3A = tpu.memref_slice %arg3[%add3A_57] : memref<640000xi32, #tpu.memory_space<hbm>> -> memref<2000xi32, #tpu.memory_space<hbm>>
        %dma_wait3A_113 = tpu.memref_slice %arg3[%add3A_57] : memref<640000xi32, #tpu.memory_space<hbm>> -> memref<2000xi32, #tpu.memory_space<hbm>>
        tpu.wait_dma2 semaphore(%run_scoped3A : memref<!tpu.dma_semaphore, #tpu.memory_space<semaphore_mem>>) src(%dma_wait3A_113 : memref<2000xi32, #tpu.memory_space<hbm>>) dst(%arg7 : memref<2000xi32, #tpu.memory_space<vmem>>)
        tpu.yield
      }) : () -> ()
      %scan3A_58 = arith.constant 0 : i32
      %scan3A_59 = arith.constant 15 : i32
      %scan3A_60 = arith.addi %scan3A_58, %scan3A_59 : i32
      %scan3A_61 = arith.constant 1 : i32
      scf.for %scan3A_112 = %scan3A_58 to %scan3A_60 step %scan3A_61  : i32 {
        %mul3A_113 = arith.constant 128 : i32
        %mul3A_114 = arith.muli %scan3A_112, %mul3A_113 : i32
        %add3A_115 = arith.constant 0 : i32
        %add3A_116 = arith.addi %mul3A_114, %add3A_115 : i32
        %get3A_117 = arith.index_cast %add3A_116 : i32 to index
        %get3A_118 = tpu.vector_load %arg6[%get3A_117] {strides = array<i32>} : memref<2000xi32, #tpu.memory_space<vmem>>, vector<16xi32>,
        %mul3A_119 = arith.constant 10000 : i32
        %mul3A_120 = vector.broadcast %mul3A_119 : i32 to vector<16xi32>
        %mul3A_121 = arith.muli %get3A_118, %mul3A_120 : vector<16xi32>
        %get3A_122 = arith.index_cast %add3A_116 : i32 to index
        %get3A_123 = tpu.vector_load %arg7[%get3A_122] {strides = array<i32>} : memref<2000xi32, #tpu.memory_space<vmem>>, vector<16xi32>,
        %add3A_124 = arith.addi %mul3A_121, %get3A_123 : vector<16xi32>
        %swap3A_125 = arith.constant 0 : index
        %swap3A_126 = tpu.vector_load %arg10[%swap3A_125] {strides = array<i32>} : memref<128xi32, #tpu.memory_space<vmem>>, vector<16xi32>,
        tpu.vector_store %arg10[%swap3A_125], %add3A_124 {strides = array<i32>} : memref<128xi32, #tpu.memory_space<vmem>>, vector<16xi32>,
        %mul3A_127 = arith.constant 128 : i32
        %mul3A_128 = arith.muli %scan3A_112, %mul3A_127 : i32
        %add3A_129 = arith.constant 16 : i32
        %add3A_130 = arith.addi %mul3A_128, %add3A_129 : i32
        %get3A_131 = arith.index_cast %add3A_130 : i32 to index
        %get3A_132 = tpu.vector_load %arg6[%get3A_131] {strides = array<i32>} : memref<2000xi32, #tpu.memory_space<vmem>>, vector<16xi32>,
        %mul3A_133 = arith.constant 10000 : i32
        %mul3A_134 = vector.broadcast %mul3A_133 : i32 to vector<16xi32>
        %mul3A_135 = arith.muli %get3A_132, %mul3A_134 : vector<16xi32>
        %get3A_136 = arith.index_cast %add3A_130 : i32 to index
        %get3A_137 = tpu.vector_load %arg7[%get3A_136] {strides = array<i32>} : memref<2000xi32, #tpu.memory_space<vmem>>, vector<16xi32>,
        %add3A_138 = arith.addi %mul3A_135, %get3A_137 : vector<16xi32>
        %swap3A_139 = arith.constant 16 : index
        %swap3A_140 = tpu.vector_load %arg10[%swap3A_139] {strides = array<i32>} : memref<128xi32, #tpu.memory_space<vmem>>, vector<16xi32>,
        tpu.vector_store %arg10[%swap3A_139], %add3A_138 {strides = array<i32>} : memref<128xi32, #tpu.memory_space<vmem>>, vector<16xi32>,
        %mul3A_141 = arith.constant 128 : i32
        %mul3A_142 = arith.muli %scan3A_112, %mul3A_141 : i32
        %add3A_143 = arith.constant 32 : i32
        %add3A_144 = arith.addi %mul3A_142, %add3A_143 : i32
        %get3A_145 = arith.index_cast %add3A_144 : i32 to index
        %get3A_146 = tpu.vector_load %arg6[%get3A_145] {strides = array<i32>} : memref<2000xi32, #tpu.memory_space<vmem>>, vector<16xi32>,
        %mul3A_147 = arith.constant 10000 : i32
        %mul3A_148 = vector.broadcast %mul3A_147 : i32 to vector<16xi32>
        %mul3A_149 = arith.muli %get3A_146, %mul3A_148 : vector<16xi32>
        %get3A_150 = arith.index_cast %add3A_144 : i32 to index
        %get3A_151 = tpu.vector_load %arg7[%get3A_150] {strides = array<i32>} : memref<2000xi32, #tpu.memory_space<vmem>>, vector<16xi32>,
        %add3A_152 = arith.addi %mul3A_149, %get3A_151 : vector<16xi32>
        %swap3A_153 = arith.constant 32 : index
        %swap3A_154 = tpu.vector_load %arg10[%swap3A_153] {strides = array<i32>} : memref<128xi32, #tpu.memory_space<vmem>>, vector<16xi32>,
        tpu.vector_store %arg10[%swap3A_153], %add3A_152 {strides = array<i32>} : memref<128xi32, #tpu.memory_space<vmem>>, vector<16xi32>,
        %mul3A_155 = arith.constant 128 : i32
        %mul3A_156 = arith.muli %scan3A_112, %mul3A_155 : i32
        %add3A_157 = arith.constant 48 : i32
        %add3A_158 = arith.addi %mul3A_156, %add3A_157 : i32
        %get3A_159 = arith.index_cast %add3A_158 : i32 to index
        %get3A_160 = tpu.vector_load %arg6[%get3A_159] {strides = array<i32>} : memref<2000xi32, #tpu.memory_space<vmem>>, vector<16xi32>,
        %mul3A_161 = arith.constant 10000 : i32
        %mul3A_162 = vector.broadcast %mul3A_161 : i32 to vector<16xi32>
        %mul3A_163 = arith.muli %get3A_160, %mul3A_162 : vector<16xi32>
        %get3A_164 = arith.index_cast %add3A_158 : i32 to index
        %get3A_165 = tpu.vector_load %arg7[%get3A_164] {strides = array<i32>} : memref<2000xi32, #tpu.memory_space<vmem>>, vector<16xi32>,
        %add3A_166 = arith.addi %mul3A_163, %get3A_165 : vector<16xi32>
        %swap3A_167 = arith.constant 48 : index
        %swap3A_168 = tpu.vector_load %arg10[%swap3A_167] {strides = array<i32>} : memref<128xi32, #tpu.memory_space<vmem>>, vector<16xi32>,
        tpu.vector_store %arg10[%swap3A_167], %add3A_166 {strides = array<i32>} : memref<128xi32, #tpu.memory_space<vmem>>, vector<16xi32>,
        %mul3A_169 = arith.constant 128 : i32
        %mul3A_170 = arith.muli %scan3A_112, %mul3A_169 : i32
        %add3A_171 = arith.constant 64 : i32
        %add3A_172 = arith.addi %mul3A_170, %add3A_171 : i32
        %get3A_173 = arith.index_cast %add3A_172 : i32 to index
        %get3A_174 = tpu.vector_load %arg6[%get3A_173] {strides = array<i32>} : memref<2000xi32, #tpu.memory_space<vmem>>, vector<16xi32>,
        %mul3A_175 = arith.constant 10000 : i32
        %mul3A_176 = vector.broadcast %mul3A_175 : i32 to vector<16xi32>
        %mul3A_177 = arith.muli %get3A_174, %mul3A_176 : vector<16xi32>
        %get3A_178 = arith.index_cast %add3A_172 : i32 to index
        %get3A_179 = tpu.vector_load %arg7[%get3A_178] {strides = array<i32>} : memref<2000xi32, #tpu.memory_space<vmem>>, vector<16xi32>,
        %add3A_180 = arith.addi %mul3A_177, %get3A_179 : vector<16xi32>
        %swap3A_181 = arith.constant 64 : index
        %swap3A_182 = tpu.vector_load %arg10[%swap3A_181] {strides = array<i32>} : memref<128xi32, #tpu.memory_space<vmem>>, vector<16xi32>,
        tpu.vector_store %arg10[%swap3A_181], %add3A_180 {strides = array<i32>} : memref<128xi32, #tpu.memory_space<vmem>>, vector<16xi32>,
        %mul3A_183 = arith.constant 128 : i32
        %mul3A_184 = arith.muli %scan3A_112, %mul3A_183 : i32
        %add3A_185 = arith.constant 80 : i32
        %add3A_186 = arith.addi %mul3A_184, %add3A_185 : i32
        %get3A_187 = arith.index_cast %add3A_186 : i32 to index
        %get3A_188 = tpu.vector_load %arg6[%get3A_187] {strides = array<i32>} : memref<2000xi32, #tpu.memory_space<vmem>>, vector<16xi32>,
        %mul3A_189 = arith.constant 10000 : i32
        %mul3A_190 = vector.broadcast %mul3A_189 : i32 to vector<16xi32>
        %mul3A_191 = arith.muli %get3A_188, %mul3A_190 : vector<16xi32>
        %get3A_192 = arith.index_cast %add3A_186 : i32 to index
        %get3A_193 = tpu.vector_load %arg7[%get3A_192] {strides = array<i32>} : memref<2000xi32, #tpu.memory_space<vmem>>, vector<16xi32>,
        %add3A_194 = arith.addi %mul3A_191, %get3A_193 : vector<16xi32>
        %swap3A_195 = arith.constant 80 : index
        %swap3A_196 = tpu.vector_load %arg10[%swap3A_195] {strides = array<i32>} : memref<128xi32, #tpu.memory_space<vmem>>, vector<16xi32>,
        tpu.vector_store %arg10[%swap3A_195], %add3A_194 {strides = array<i32>} : memref<128xi32, #tpu.memory_space<vmem>>, vector<16xi32>,
        %mul3A_197 = arith.constant 128 : i32
        %mul3A_198 = arith.muli %scan3A_112, %mul3A_197 : i32
        %add3A_199 = arith.constant 96 : i32
        %add3A_200 = arith.addi %mul3A_198, %add3A_199 : i32
        %get3A_201 = arith.index_cast %add3A_200 : i32 to index
        %get3A_202 = tpu.vector_load %arg6[%get3A_201] {strides = array<i32>} : memref<2000xi32, #tpu.memory_space<vmem>>, vector<16xi32>,
        %mul3A_203 = arith.constant 10000 : i32
        %mul3A_204 = vector.broadcast %mul3A_203 : i32 to vector<16xi32>
        %mul3A_205 = arith.muli %get3A_202, %mul3A_204 : vector<16xi32>
        %get3A_206 = arith.index_cast %add3A_200 : i32 to index
        %get3A_207 = tpu.vector_load %arg7[%get3A_206] {strides = array<i32>} : memref<2000xi32, #tpu.memory_space<vmem>>, vector<16xi32>,
        %add3A_208 = arith.addi %mul3A_205, %get3A_207 : vector<16xi32>
        %swap3A_209 = arith.constant 96 : index
        %swap3A_210 = tpu.vector_load %arg10[%swap3A_209] {strides = array<i32>} : memref<128xi32, #tpu.memory_space<vmem>>, vector<16xi32>,
        tpu.vector_store %arg10[%swap3A_209], %add3A_208 {strides = array<i32>} : memref<128xi32, #tpu.memory_space<vmem>>, vector<16xi32>,
        %mul3A_211 = arith.constant 128 : i32
        %mul3A_212 = arith.muli %scan3A_112, %mul3A_211 : i32
        %add3A_213 = arith.constant 112 : i32
        %add3A_214 = arith.addi %mul3A_212, %add3A_213 : i32
        %get3A_215 = arith.index_cast %add3A_214 : i32 to index
        %get3A_216 = tpu.vector_load %arg6[%get3A_215] {strides = array<i32>} : memref<2000xi32, #tpu.memory_space<vmem>>, vector<16xi32>,
        %mul3A_217 = arith.constant 10000 : i32
        %mul3A_218 = vector.broadcast %mul3A_217 : i32 to vector<16xi32>
        %mul3A_219 = arith.muli %get3A_216, %mul3A_218 : vector<16xi32>
        %get3A_220 = arith.index_cast %add3A_214 : i32 to index
        %get3A_221 = tpu.vector_load %arg7[%get3A_220] {strides = array<i32>} : memref<2000xi32, #tpu.memory_space<vmem>>, vector<16xi32>,
        %add3A_222 = arith.addi %mul3A_219, %get3A_221 : vector<16xi32>
        %swap3A_223 = arith.constant 112 : index
        %swap3A_224 = tpu.vector_load %arg10[%swap3A_223] {strides = array<i32>} : memref<128xi32, #tpu.memory_space<vmem>>, vector<16xi32>,
        tpu.vector_store %arg10[%swap3A_223], %add3A_222 {strides = array<i32>} : memref<128xi32, #tpu.memory_space<vmem>>, vector<16xi32>,
        "tpu.region"() ({
          %run_scoped3A = tpu.sem_alloc : memref<!tpu.dma_semaphore, #tpu.memory_space<semaphore_mem>>
          %dma_start3A = arith.constant 0 : i32
          %dma_start3A_225 = tpu.memref_slice %arg5[%dma_start3A] : memref<80000xf32, #tpu.memory_space<vmem_shared>> -> memref<80000xf32, #tpu.memory_space<vmem_shared>>
          tpu.enqueue_indirect_dma source(%arg8 : memref<128xf32, #tpu.memory_space<vmem>>) target(%dma_start3A_225 : memref<80000xf32, #tpu.memory_space<vmem_shared>>) offsets(%arg10 : memref<128xi32, #tpu.memory_space<vmem>>) semaphore(%run_scoped3A : memref<!tpu.dma_semaphore, #tpu.memory_space<semaphore_mem>>) {add = true}
          %dma_wait3A = arith.constant 0 : i32
          %dma_wait3A_226 = tpu.memref_slice %arg5[%dma_wait3A] : memref<80000xf32, #tpu.memory_space<vmem_shared>> -> memref<80000xf32, #tpu.memory_space<vmem_shared>>
          tpu.wait_indirect_dma semaphore(%run_scoped3A : memref<!tpu.dma_semaphore, #tpu.memory_space<semaphore_mem>>) src(%arg8 : memref<128xf32, #tpu.memory_space<vmem>>) dst(%dma_wait3A_226 : memref<80000xf32, #tpu.memory_space<vmem_shared>>)
          tpu.yield
        }) : () -> ()
      }
      %scan3A_62 = arith.constant 15 : i32
      %get3A = arith.constant 1920 : index
      %get3A_63 = tpu.vector_load %arg6[%get3A] {strides = array<i32>} : memref<2000xi32, #tpu.memory_space<vmem>>, vector<16xi32>,
      %mul3A_64 = arith.constant 10000 : i32
      %mul3A_65 = vector.broadcast %mul3A_64 : i32 to vector<16xi32>
      %mul3A_66 = arith.muli %get3A_63, %mul3A_65 : vector<16xi32>
      %get3A_67 = arith.constant 1920 : index
      %get3A_68 = tpu.vector_load %arg7[%get3A_67] {strides = array<i32>} : memref<2000xi32, #tpu.memory_space<vmem>>, vector<16xi32>,
      %add3A_69 = arith.addi %mul3A_66, %get3A_68 : vector<16xi32>
      %swap3A_70 = arith.constant 0 : index
      %swap3A_71 = tpu.vector_load %arg11[%swap3A_70] {strides = array<i32>} : memref<80xi32, #tpu.memory_space<vmem>>, vector<16xi32>,
      tpu.vector_store %arg11[%swap3A_70], %add3A_69 {strides = array<i32>} : memref<80xi32, #tpu.memory_space<vmem>>, vector<16xi32>,
      %get3A_72 = arith.constant 1936 : index
      %get3A_73 = tpu.vector_load %arg6[%get3A_72] {strides = array<i32>} : memref<2000xi32, #tpu.memory_space<vmem>>, vector<16xi32>,
      %mul3A_74 = arith.constant 10000 : i32
      %mul3A_75 = vector.broadcast %mul3A_74 : i32 to vector<16xi32>
      %mul3A_76 = arith.muli %get3A_73, %mul3A_75 : vector<16xi32>
      %get3A_77 = arith.constant 1936 : index
      %get3A_78 = tpu.vector_load %arg7[%get3A_77] {strides = array<i32>} : memref<2000xi32, #tpu.memory_space<vmem>>, vector<16xi32>,
      %add3A_79 = arith.addi %mul3A_76, %get3A_78 : vector<16xi32>
      %swap3A_80 = arith.constant 16 : index
      %swap3A_81 = tpu.vector_load %arg11[%swap3A_80] {strides = array<i32>} : memref<80xi32, #tpu.memory_space<vmem>>, vector<16xi32>,
      tpu.vector_store %arg11[%swap3A_80], %add3A_79 {strides = array<i32>} : memref<80xi32, #tpu.memory_space<vmem>>, vector<16xi32>,
      %get3A_82 = arith.constant 1952 : index
      %get3A_83 = tpu.vector_load %arg6[%get3A_82] {strides = array<i32>} : memref<2000xi32, #tpu.memory_space<vmem>>, vector<16xi32>,
      %mul3A_84 = arith.constant 10000 : i32
      %mul3A_85 = vector.broadcast %mul3A_84 : i32 to vector<16xi32>
      %mul3A_86 = arith.muli %get3A_83, %mul3A_85 : vector<16xi32>
      %get3A_87 = arith.constant 1952 : index
      %get3A_88 = tpu.vector_load %arg7[%get3A_87] {strides = array<i32>} : memref<2000xi32, #tpu.memory_space<vmem>>, vector<16xi32>,
      %add3A_89 = arith.addi %mul3A_86, %get3A_88 : vector<16xi32>
      %swap3A_90 = arith.constant 32 : index
      %swap3A_91 = tpu.vector_load %arg11[%swap3A_90] {strides = array<i32>} : memref<80xi32, #tpu.memory_space<vmem>>, vector<16xi32>,
      tpu.vector_store %arg11[%swap3A_90], %add3A_89 {strides = array<i32>} : memref<80xi32, #tpu.memory_space<vmem>>, vector<16xi32>,
      %get3A_92 = arith.constant 1968 : index
      %get3A_93 = tpu.vector_load %arg6[%get3A_92] {strides = array<i32>} : memref<2000xi32, #tpu.memory_space<vmem>>, vector<16xi32>,
      %mul3A_94 = arith.constant 10000 : i32
      %mul3A_95 = vector.broadcast %mul3A_94 : i32 to vector<16xi32>
      %mul3A_96 = arith.muli %get3A_93, %mul3A_95 : vector<16xi32>
      %get3A_97 = arith.constant 1968 : index
      %get3A_98 = tpu.vector_load %arg7[%get3A_97] {strides = array<i32>} : memref<2000xi32, #tpu.memory_space<vmem>>, vector<16xi32>,
      %add3A_99 = arith.addi %mul3A_96, %get3A_98 : vector<16xi32>
      %swap3A_100 = arith.constant 48 : index
      %swap3A_101 = tpu.vector_load %arg11[%swap3A_100] {strides = array<i32>} : memref<80xi32, #tpu.memory_space<vmem>>, vector<16xi32>,
      tpu.vector_store %arg11[%swap3A_100], %add3A_99 {strides = array<i32>} : memref<80xi32, #tpu.memory_space<vmem>>, vector<16xi32>,
      %get3A_102 = arith.constant 1984 : index
      %get3A_103 = tpu.vector_load %arg6[%get3A_102] {strides = array<i32>} : memref<2000xi32, #tpu.memory_space<vmem>>, vector<16xi32>,
      %mul3A_104 = arith.constant 10000 : i32
      %mul3A_105 = vector.broadcast %mul3A_104 : i32 to vector<16xi32>
      %mul3A_106 = arith.muli %get3A_103, %mul3A_105 : vector<16xi32>
      %get3A_107 = arith.constant 1984 : index
      %get3A_108 = tpu.vector_load %arg7[%get3A_107] {strides = array<i32>} : memref<2000xi32, #tpu.memory_space<vmem>>, vector<16xi32>,
      %add3A_109 = arith.addi %mul3A_106, %get3A_108 : vector<16xi32>
      %swap3A_110 = arith.constant 64 : index
      %swap3A_111 = tpu.vector_load %arg11[%swap3A_110] {strides = array<i32>} : memref<80xi32, #tpu.memory_space<vmem>>, vector<16xi32>,
      tpu.vector_store %arg11[%swap3A_110], %add3A_109 {strides = array<i32>} : memref<80xi32, #tpu.memory_space<vmem>>, vector<16xi32>,
      "tpu.region"() ({
        %run_scoped3A = tpu.sem_alloc : memref<!tpu.dma_semaphore, #tpu.memory_space<semaphore_mem>>
        %dma_start3A = arith.constant 0 : i32
        %dma_start3A_112 = tpu.memref_slice %arg8[%dma_start3A] : memref<128xf32, #tpu.memory_space<vmem>> -> memref<80xf32, #tpu.memory_space<vmem>>
        %dma_start3A_113 = arith.constant 0 : i32
        %dma_start3A_114 = tpu.memref_slice %arg5[%dma_start3A_113] : memref<80000xf32, #tpu.memory_space<vmem_shared>> -> memref<80000xf32, #tpu.memory_space<vmem_shared>>
        tpu.enqueue_indirect_dma source(%dma_start3A_112 : memref<80xf32, #tpu.memory_space<vmem>>) target(%dma_start3A_114 : memref<80000xf32, #tpu.memory_space<vmem_shared>>) offsets(%arg11 : memref<80xi32, #tpu.memory_space<vmem>>) semaphore(%run_scoped3A : memref<!tpu.dma_semaphore, #tpu.memory_space<semaphore_mem>>) {add = true}
        %dma_wait3A = arith.constant 0 : i32
        %dma_wait3A_115 = tpu.memref_slice %arg8[%dma_wait3A] : memref<128xf32, #tpu.memory_space<vmem>> -> memref<80xf32, #tpu.memory_space<vmem>>
        %dma_wait3A_116 = arith.constant 0 : i32
        %dma_wait3A_117 = tpu.memref_slice %arg5[%dma_wait3A_116] : memref<80000xf32, #tpu.memory_space<vmem_shared>> -> memref<80000xf32, #tpu.memory_space<vmem_shared>>
        tpu.wait_indirect_dma semaphore(%run_scoped3A : memref<!tpu.dma_semaphore, #tpu.memory_space<semaphore_mem>>) src(%dma_wait3A_115 : memref<80xf32, #tpu.memory_space<vmem>>) dst(%dma_wait3A_117 : memref<80000xf32, #tpu.memory_space<vmem_shared>>)
        tpu.yield
      }) : () -> ()
    }
    %scan3A_43 = arith.constant 5 : i32
    %barrier3A_44 = arith.constant 0 : index
    tpu.barrier barrier_id(%barrier3A_44)
    %mul3A_45 = arith.constant 5000 : i32
    %mul3A_46 = arith.muli %arg1, %mul3A_45 : i32
    "tpu.region"() ({
      %run_scoped3A = tpu.sem_alloc : memref<!tpu.dma_semaphore, #tpu.memory_space<semaphore_mem>>
      %dma_start3A = arith.constant 0 : i32
      %dma_start3A_52 = tpu.memref_slice %arg9[%dma_start3A] : memref<5008xf32, #tpu.memory_space<vmem>> -> memref<5000xf32, #tpu.memory_space<vmem>>
      %dma_start3A_53 = tpu.memref_slice %arg5[%mul3A_46] : memref<80000xf32, #tpu.memory_space<vmem_shared>> -> memref<5000xf32, #tpu.memory_space<vmem_shared>>
      %dma_start3A_54 = arith.constant 0 : i32
      %dma_start3A_55 = tpu.memref_slice %arg9[%dma_start3A_54] : memref<5008xf32, #tpu.memory_space<vmem>> -> memref<5000xf32, #tpu.memory_space<vmem>>
      %dma_start3A_56 = tpu.memref_slice %arg5[%mul3A_46] : memref<80000xf32, #tpu.memory_space<vmem_shared>> -> memref<5000xf32, #tpu.memory_space<vmem_shared>>
      tpu.enqueue_dma source(%dma_start3A_56 : memref<5000xf32, #tpu.memory_space<vmem_shared>>) target(%dma_start3A_55 : memref<5000xf32, #tpu.memory_space<vmem>>) target_semaphore(%run_scoped3A : memref<!tpu.dma_semaphore, #tpu.memory_space<semaphore_mem>>)
      %dma_wait3A = arith.constant 0 : i32
      %dma_wait3A_57 = tpu.memref_slice %arg9[%dma_wait3A] : memref<5008xf32, #tpu.memory_space<vmem>> -> memref<5000xf32, #tpu.memory_space<vmem>>
      %dma_wait3A_58 = tpu.memref_slice %arg5[%mul3A_46] : memref<80000xf32, #tpu.memory_space<vmem_shared>> -> memref<5000xf32, #tpu.memory_space<vmem_shared>>
      %dma_wait3A_59 = arith.constant 0 : i32
      %dma_wait3A_60 = tpu.memref_slice %arg9[%dma_wait3A_59] : memref<5008xf32, #tpu.memory_space<vmem>> -> memref<5000xf32, #tpu.memory_space<vmem>>
      %dma_wait3A_61 = tpu.memref_slice %arg5[%mul3A_46] : memref<80000xf32, #tpu.memory_space<vmem_shared>> -> memref<5000xf32, #tpu.memory_space<vmem_shared>>
      tpu.wait_dma2 semaphore(%run_scoped3A : memref<!tpu.dma_semaphore, #tpu.memory_space<semaphore_mem>>) src(%dma_wait3A_61 : memref<5000xf32, #tpu.memory_space<vmem_shared>>) dst(%dma_wait3A_60 : memref<5000xf32, #tpu.memory_space<vmem>>)
      tpu.yield
    }) : () -> ()
    %mul3A_47 = arith.constant 8 : i32
    %mul3A_48 = arith.muli %arg0, %mul3A_47 : i32
    %mul3A_49 = arith.constant 10000 : i32
    %mul3A_50 = arith.muli %mul3A_48, %mul3A_49 : i32
    %add3A_51 = arith.addi %mul3A_50, %mul3A_46 : i32
    "tpu.region"() ({
      %run_scoped3A = tpu.sem_alloc : memref<!tpu.dma_semaphore, #tpu.memory_space<semaphore_mem>>
      %dma_start3A = arith.constant 0 : i32
      %dma_start3A_52 = tpu.memref_slice %arg9[%dma_start3A] : memref<5008xf32, #tpu.memory_space<vmem>> -> memref<5000xf32, #tpu.memory_space<vmem>>
      %dma_start3A_53 = tpu.memref_slice %arg4[%add3A_51] : memref<160000xf32, #tpu.memory_space<hbm>> -> memref<5000xf32, #tpu.memory_space<hbm>>
      %dma_start3A_54 = tpu.memref_slice %arg4[%add3A_51] : memref<160000xf32, #tpu.memory_space<hbm>> -> memref<5000xf32, #tpu.memory_space<hbm>>
      %dma_start3A_55 = arith.constant 0 : i32
      %dma_start3A_56 = tpu.memref_slice %arg9[%dma_start3A_55] : memref<5008xf32, #tpu.memory_space<vmem>> -> memref<5000xf32, #tpu.memory_space<vmem>>
      tpu.enqueue_dma source(%dma_start3A_56 : memref<5000xf32, #tpu.memory_space<vmem>>) target(%dma_start3A_54 : memref<5000xf32, #tpu.memory_space<hbm>>) target_semaphore(%run_scoped3A : memref<!tpu.dma_semaphore, #tpu.memory_space<semaphore_mem>>)
      %dma_wait3A = arith.constant 0 : i32
      %dma_wait3A_57 = tpu.memref_slice %arg9[%dma_wait3A] : memref<5008xf32, #tpu.memory_space<vmem>> -> memref<5000xf32, #tpu.memory_space<vmem>>
      %dma_wait3A_58 = tpu.memref_slice %arg4[%add3A_51] : memref<160000xf32, #tpu.memory_space<hbm>> -> memref<5000xf32, #tpu.memory_space<hbm>>
      %dma_wait3A_59 = tpu.memref_slice %arg4[%add3A_51] : memref<160000xf32, #tpu.memory_space<hbm>> -> memref<5000xf32, #tpu.memory_space<hbm>>
      %dma_wait3A_60 = arith.constant 0 : i32
      %dma_wait3A_61 = tpu.memref_slice %arg9[%dma_wait3A_60] : memref<5008xf32, #tpu.memory_space<vmem>> -> memref<5000xf32, #tpu.memory_space<vmem>>
      tpu.wait_dma2 semaphore(%run_scoped3A : memref<!tpu.dma_semaphore, #tpu.memory_space<semaphore_mem>>) src(%dma_wait3A_61 : memref<5000xf32, #tpu.memory_space<vmem>>) dst(%dma_wait3A_59 : memref<5000xf32, #tpu.memory_space<hbm>>)
      tpu.yield
    }) : () -> ()
    return
  }
}

#map = affine_map<(d0, d1) -> (0)>
#map1 = affine_map<(d0, d1) -> (0, 0)>
module attributes {stable_mosaic.version = 14 : i64} {
  func.func @sc_aggregate(%arg0: i32, %arg1: i32, %arg2: memref<320000xi32, #tpu.memory_space<hbm>>, %arg3: memref<640000xi32, #tpu.memory_space<hbm>>, %arg4: memref<90000x128xf32, #tpu.memory_space<hbm>>, %arg5: memref<160000xf32, #tpu.memory_space<hbm>>, %arg6: memref<20000x128xf32, #tpu.memory_space<hbm>>, %arg7: memref<10000x128xf32, #tpu.memory_space<vmem_shared>>, %arg8: memref<80000xf32, #tpu.memory_space<vmem_shared>>, %arg9: memref<2000xi32, #tpu.memory_space<vmem>>, %arg10: memref<2000xi32, #tpu.memory_space<vmem>>, %arg11: memref<2000xi32, #tpu.memory_space<vmem>>, %arg12: memref<128xf32, #tpu.memory_space<vmem>>, %arg13: memref<5008xf32, #tpu.memory_space<vmem>>, %arg14: memref<5008xf32, #tpu.memory_space<vmem>>, %arg15: memref<80x128xf32, #tpu.memory_space<vmem>>, %arg16: memref<80xi32, #tpu.memory_space<vmem>>, %arg17: memref<80xi32, #tpu.memory_space<vmem>>, %arg18: memref<80xi32, #tpu.memory_space<vmem>>, %arg19: memref<80xf32, #tpu.memory_space<vmem>>, %arg20: memref<128x128xf32, #tpu.memory_space<vmem>>, %arg21: memref<128xi32, #tpu.memory_space<vmem>>, %arg22: memref<128xi32, #tpu.memory_space<vmem>>, %arg23: memref<128xi32, #tpu.memory_space<vmem>>, %arg24: memref<128xf32, #tpu.memory_space<vmem>>) attributes {dimension_semantics = [#tpu.dimension_semantics<core_parallel>, #tpu.dimension_semantics<subcore_parallel>], iteration_bounds = array<i64: 2, 16>, scalar_prefetch = 0 : i64, scratch_operands = 18 : i64, tpu.core_type = #tpu.core_type<sc_vector_subcore>, window_params = [{transform_indices = #map}, {transform_indices = #map}, {transform_indices = #map1}, {transform_indices = #map}, {transform_indices = #map1}]} {
    %scan3A = arith.constant 0 : i32
    %scan3A_0 = arith.constant 128 : i32
    %scan3A_1 = arith.addi %scan3A, %scan3A_0 : i32
    %scan3A_2 = arith.constant 1 : i32
    scf.for %scan3A_46 = %scan3A to %scan3A_1 step %scan3A_2  : i32 {
      %broadcast_in_dim3A = arith.constant 0.000000e+00 : f32
      %broadcast_in_dim3A_47 = vector.broadcast %broadcast_in_dim3A : f32 to vector<16xf32>
      %swap3A = arith.index_cast %scan3A_46 : i32 to index
      %swap3A_48 = arith.constant 0 : index
      %swap3A_49 = tpu.vector_load %arg20[%swap3A, %swap3A_48] {strides = array<i32>} : memref<128x128xf32, #tpu.memory_space<vmem>>, vector<16xf32>,
      tpu.vector_store %arg20[%swap3A, %swap3A_48], %broadcast_in_dim3A_47 {strides = array<i32>} : memref<128x128xf32, #tpu.memory_space<vmem>>, vector<16xf32>,
      %broadcast_in_dim3A_50 = arith.constant 0.000000e+00 : f32
      %broadcast_in_dim3A_51 = vector.broadcast %broadcast_in_dim3A_50 : f32 to vector<16xf32>
      %swap3A_52 = arith.index_cast %scan3A_46 : i32 to index
      %swap3A_53 = arith.constant 16 : index
      %swap3A_54 = tpu.vector_load %arg20[%swap3A_52, %swap3A_53] {strides = array<i32>} : memref<128x128xf32, #tpu.memory_space<vmem>>, vector<16xf32>,
      tpu.vector_store %arg20[%swap3A_52, %swap3A_53], %broadcast_in_dim3A_51 {strides = array<i32>} : memref<128x128xf32, #tpu.memory_space<vmem>>, vector<16xf32>,
      %broadcast_in_dim3A_55 = arith.constant 0.000000e+00 : f32
      %broadcast_in_dim3A_56 = vector.broadcast %broadcast_in_dim3A_55 : f32 to vector<16xf32>
      %swap3A_57 = arith.index_cast %scan3A_46 : i32 to index
      %swap3A_58 = arith.constant 32 : index
      %swap3A_59 = tpu.vector_load %arg20[%swap3A_57, %swap3A_58] {strides = array<i32>} : memref<128x128xf32, #tpu.memory_space<vmem>>, vector<16xf32>,
      tpu.vector_store %arg20[%swap3A_57, %swap3A_58], %broadcast_in_dim3A_56 {strides = array<i32>} : memref<128x128xf32, #tpu.memory_space<vmem>>, vector<16xf32>,
      %broadcast_in_dim3A_60 = arith.constant 0.000000e+00 : f32
      %broadcast_in_dim3A_61 = vector.broadcast %broadcast_in_dim3A_60 : f32 to vector<16xf32>
      %swap3A_62 = arith.index_cast %scan3A_46 : i32 to index
      %swap3A_63 = arith.constant 48 : index
      %swap3A_64 = tpu.vector_load %arg20[%swap3A_62, %swap3A_63] {strides = array<i32>} : memref<128x128xf32, #tpu.memory_space<vmem>>, vector<16xf32>,
      tpu.vector_store %arg20[%swap3A_62, %swap3A_63], %broadcast_in_dim3A_61 {strides = array<i32>} : memref<128x128xf32, #tpu.memory_space<vmem>>, vector<16xf32>,
      %broadcast_in_dim3A_65 = arith.constant 0.000000e+00 : f32
      %broadcast_in_dim3A_66 = vector.broadcast %broadcast_in_dim3A_65 : f32 to vector<16xf32>
      %swap3A_67 = arith.index_cast %scan3A_46 : i32 to index
      %swap3A_68 = arith.constant 64 : index
      %swap3A_69 = tpu.vector_load %arg20[%swap3A_67, %swap3A_68] {strides = array<i32>} : memref<128x128xf32, #tpu.memory_space<vmem>>, vector<16xf32>,
      tpu.vector_store %arg20[%swap3A_67, %swap3A_68], %broadcast_in_dim3A_66 {strides = array<i32>} : memref<128x128xf32, #tpu.memory_space<vmem>>, vector<16xf32>,
      %broadcast_in_dim3A_70 = arith.constant 0.000000e+00 : f32
      %broadcast_in_dim3A_71 = vector.broadcast %broadcast_in_dim3A_70 : f32 to vector<16xf32>
      %swap3A_72 = arith.index_cast %scan3A_46 : i32 to index
      %swap3A_73 = arith.constant 80 : index
      %swap3A_74 = tpu.vector_load %arg20[%swap3A_72, %swap3A_73] {strides = array<i32>} : memref<128x128xf32, #tpu.memory_space<vmem>>, vector<16xf32>,
      tpu.vector_store %arg20[%swap3A_72, %swap3A_73], %broadcast_in_dim3A_71 {strides = array<i32>} : memref<128x128xf32, #tpu.memory_space<vmem>>, vector<16xf32>,
      %broadcast_in_dim3A_75 = arith.constant 0.000000e+00 : f32
      %broadcast_in_dim3A_76 = vector.broadcast %broadcast_in_dim3A_75 : f32 to vector<16xf32>
      %swap3A_77 = arith.index_cast %scan3A_46 : i32 to index
      %swap3A_78 = arith.constant 96 : index
      %swap3A_79 = tpu.vector_load %arg20[%swap3A_77, %swap3A_78] {strides = array<i32>} : memref<128x128xf32, #tpu.memory_space<vmem>>, vector<16xf32>,
      tpu.vector_store %arg20[%swap3A_77, %swap3A_78], %broadcast_in_dim3A_76 {strides = array<i32>} : memref<128x128xf32, #tpu.memory_space<vmem>>, vector<16xf32>,
      %broadcast_in_dim3A_80 = arith.constant 0.000000e+00 : f32
      %broadcast_in_dim3A_81 = vector.broadcast %broadcast_in_dim3A_80 : f32 to vector<16xf32>
      %swap3A_82 = arith.index_cast %scan3A_46 : i32 to index
      %swap3A_83 = arith.constant 112 : index
      %swap3A_84 = tpu.vector_load %arg20[%swap3A_82, %swap3A_83] {strides = array<i32>} : memref<128x128xf32, #tpu.memory_space<vmem>>, vector<16xf32>,
      tpu.vector_store %arg20[%swap3A_82, %swap3A_83], %broadcast_in_dim3A_81 {strides = array<i32>} : memref<128x128xf32, #tpu.memory_space<vmem>>, vector<16xf32>,
    }
    %scan3A_3 = arith.constant 128 : i32
    %mul3A = arith.constant 624 : i32
    %mul3A_4 = arith.muli %arg1, %mul3A : i32
    %add3A = arith.constant 0 : i32
    %add3A_5 = arith.addi %mul3A_4, %add3A : i32
    "tpu.region"() ({
      %run_scoped3A = tpu.sem_alloc : memref<!tpu.dma_semaphore, #tpu.memory_space<semaphore_mem>>
      %dma_start3A = arith.constant 0 : i32
      %dma_start3A_46 = tpu.memref_slice %arg7[%add3A_5, %dma_start3A] : memref<10000x128xf32, #tpu.memory_space<vmem_shared>> -> memref<128x128xf32, #tpu.memory_space<vmem_shared>>
      %dma_start3A_47 = arith.constant 0 : i32
      %dma_start3A_48 = tpu.memref_slice %arg7[%add3A_5, %dma_start3A_47] : memref<10000x128xf32, #tpu.memory_space<vmem_shared>> -> memref<128x128xf32, #tpu.memory_space<vmem_shared>>
      tpu.enqueue_dma source(%arg20 : memref<128x128xf32, #tpu.memory_space<vmem>>) target(%dma_start3A_48 : memref<128x128xf32, #tpu.memory_space<vmem_shared>>) target_semaphore(%run_scoped3A : memref<!tpu.dma_semaphore, #tpu.memory_space<semaphore_mem>>)
      %dma_wait3A = arith.constant 0 : i32
      %dma_wait3A_49 = tpu.memref_slice %arg7[%add3A_5, %dma_wait3A] : memref<10000x128xf32, #tpu.memory_space<vmem_shared>> -> memref<128x128xf32, #tpu.memory_space<vmem_shared>>
      %dma_wait3A_50 = arith.constant 0 : i32
      %dma_wait3A_51 = tpu.memref_slice %arg7[%add3A_5, %dma_wait3A_50] : memref<10000x128xf32, #tpu.memory_space<vmem_shared>> -> memref<128x128xf32, #tpu.memory_space<vmem_shared>>
      tpu.wait_dma2 semaphore(%run_scoped3A : memref<!tpu.dma_semaphore, #tpu.memory_space<semaphore_mem>>) src(%arg20 : memref<128x128xf32, #tpu.memory_space<vmem>>) dst(%dma_wait3A_51 : memref<128x128xf32, #tpu.memory_space<vmem_shared>>)
      tpu.yield
    }) : () -> ()
    %add3A_6 = arith.constant 128 : i32
    %add3A_7 = arith.addi %mul3A_4, %add3A_6 : i32
    "tpu.region"() ({
      %run_scoped3A = tpu.sem_alloc : memref<!tpu.dma_semaphore, #tpu.memory_space<semaphore_mem>>
      %dma_start3A = arith.constant 0 : i32
      %dma_start3A_46 = tpu.memref_slice %arg7[%add3A_7, %dma_start3A] : memref<10000x128xf32, #tpu.memory_space<vmem_shared>> -> memref<128x128xf32, #tpu.memory_space<vmem_shared>>
      %dma_start3A_47 = arith.constant 0 : i32
      %dma_start3A_48 = tpu.memref_slice %arg7[%add3A_7, %dma_start3A_47] : memref<10000x128xf32, #tpu.memory_space<vmem_shared>> -> memref<128x128xf32, #tpu.memory_space<vmem_shared>>
      tpu.enqueue_dma source(%arg20 : memref<128x128xf32, #tpu.memory_space<vmem>>) target(%dma_start3A_48 : memref<128x128xf32, #tpu.memory_space<vmem_shared>>) target_semaphore(%run_scoped3A : memref<!tpu.dma_semaphore, #tpu.memory_space<semaphore_mem>>)
      %dma_wait3A = arith.constant 0 : i32
      %dma_wait3A_49 = tpu.memref_slice %arg7[%add3A_7, %dma_wait3A] : memref<10000x128xf32, #tpu.memory_space<vmem_shared>> -> memref<128x128xf32, #tpu.memory_space<vmem_shared>>
      %dma_wait3A_50 = arith.constant 0 : i32
      %dma_wait3A_51 = tpu.memref_slice %arg7[%add3A_7, %dma_wait3A_50] : memref<10000x128xf32, #tpu.memory_space<vmem_shared>> -> memref<128x128xf32, #tpu.memory_space<vmem_shared>>
      tpu.wait_dma2 semaphore(%run_scoped3A : memref<!tpu.dma_semaphore, #tpu.memory_space<semaphore_mem>>) src(%arg20 : memref<128x128xf32, #tpu.memory_space<vmem>>) dst(%dma_wait3A_51 : memref<128x128xf32, #tpu.memory_space<vmem_shared>>)
      tpu.yield
    }) : () -> ()
    %add3A_8 = arith.constant 256 : i32
    %add3A_9 = arith.addi %mul3A_4, %add3A_8 : i32
    "tpu.region"() ({
      %run_scoped3A = tpu.sem_alloc : memref<!tpu.dma_semaphore, #tpu.memory_space<semaphore_mem>>
      %dma_start3A = arith.constant 0 : i32
      %dma_start3A_46 = tpu.memref_slice %arg7[%add3A_9, %dma_start3A] : memref<10000x128xf32, #tpu.memory_space<vmem_shared>> -> memref<128x128xf32, #tpu.memory_space<vmem_shared>>
      %dma_start3A_47 = arith.constant 0 : i32
      %dma_start3A_48 = tpu.memref_slice %arg7[%add3A_9, %dma_start3A_47] : memref<10000x128xf32, #tpu.memory_space<vmem_shared>> -> memref<128x128xf32, #tpu.memory_space<vmem_shared>>
      tpu.enqueue_dma source(%arg20 : memref<128x128xf32, #tpu.memory_space<vmem>>) target(%dma_start3A_48 : memref<128x128xf32, #tpu.memory_space<vmem_shared>>) target_semaphore(%run_scoped3A : memref<!tpu.dma_semaphore, #tpu.memory_space<semaphore_mem>>)
      %dma_wait3A = arith.constant 0 : i32
      %dma_wait3A_49 = tpu.memref_slice %arg7[%add3A_9, %dma_wait3A] : memref<10000x128xf32, #tpu.memory_space<vmem_shared>> -> memref<128x128xf32, #tpu.memory_space<vmem_shared>>
      %dma_wait3A_50 = arith.constant 0 : i32
      %dma_wait3A_51 = tpu.memref_slice %arg7[%add3A_9, %dma_wait3A_50] : memref<10000x128xf32, #tpu.memory_space<vmem_shared>> -> memref<128x128xf32, #tpu.memory_space<vmem_shared>>
      tpu.wait_dma2 semaphore(%run_scoped3A : memref<!tpu.dma_semaphore, #tpu.memory_space<semaphore_mem>>) src(%arg20 : memref<128x128xf32, #tpu.memory_space<vmem>>) dst(%dma_wait3A_51 : memref<128x128xf32, #tpu.memory_space<vmem_shared>>)
      tpu.yield
    }) : () -> ()
    %add3A_10 = arith.constant 384 : i32
    %add3A_11 = arith.addi %mul3A_4, %add3A_10 : i32
    "tpu.region"() ({
      %run_scoped3A = tpu.sem_alloc : memref<!tpu.dma_semaphore, #tpu.memory_space<semaphore_mem>>
      %dma_start3A = arith.constant 0 : i32
      %dma_start3A_46 = tpu.memref_slice %arg7[%add3A_11, %dma_start3A] : memref<10000x128xf32, #tpu.memory_space<vmem_shared>> -> memref<128x128xf32, #tpu.memory_space<vmem_shared>>
      %dma_start3A_47 = arith.constant 0 : i32
      %dma_start3A_48 = tpu.memref_slice %arg7[%add3A_11, %dma_start3A_47] : memref<10000x128xf32, #tpu.memory_space<vmem_shared>> -> memref<128x128xf32, #tpu.memory_space<vmem_shared>>
      tpu.enqueue_dma source(%arg20 : memref<128x128xf32, #tpu.memory_space<vmem>>) target(%dma_start3A_48 : memref<128x128xf32, #tpu.memory_space<vmem_shared>>) target_semaphore(%run_scoped3A : memref<!tpu.dma_semaphore, #tpu.memory_space<semaphore_mem>>)
      %dma_wait3A = arith.constant 0 : i32
      %dma_wait3A_49 = tpu.memref_slice %arg7[%add3A_11, %dma_wait3A] : memref<10000x128xf32, #tpu.memory_space<vmem_shared>> -> memref<128x128xf32, #tpu.memory_space<vmem_shared>>
      %dma_wait3A_50 = arith.constant 0 : i32
      %dma_wait3A_51 = tpu.memref_slice %arg7[%add3A_11, %dma_wait3A_50] : memref<10000x128xf32, #tpu.memory_space<vmem_shared>> -> memref<128x128xf32, #tpu.memory_space<vmem_shared>>
      tpu.wait_dma2 semaphore(%run_scoped3A : memref<!tpu.dma_semaphore, #tpu.memory_space<semaphore_mem>>) src(%arg20 : memref<128x128xf32, #tpu.memory_space<vmem>>) dst(%dma_wait3A_51 : memref<128x128xf32, #tpu.memory_space<vmem_shared>>)
      tpu.yield
    }) : () -> ()
    %add3A_12 = arith.constant 512 : i32
    %add3A_13 = arith.addi %mul3A_4, %add3A_12 : i32
    "tpu.region"() ({
      %run_scoped3A = tpu.sem_alloc : memref<!tpu.dma_semaphore, #tpu.memory_space<semaphore_mem>>
      %dma_start3A = arith.constant 0 : i32
      %dma_start3A_46 = arith.constant 0 : i32
      %dma_start3A_47 = tpu.memref_slice %arg20[%dma_start3A, %dma_start3A_46] : memref<128x128xf32, #tpu.memory_space<vmem>> -> memref<112x128xf32, #tpu.memory_space<vmem>>
      %dma_start3A_48 = arith.constant 0 : i32
      %dma_start3A_49 = tpu.memref_slice %arg7[%add3A_13, %dma_start3A_48] : memref<10000x128xf32, #tpu.memory_space<vmem_shared>> -> memref<112x128xf32, #tpu.memory_space<vmem_shared>>
      %dma_start3A_50 = arith.constant 0 : i32
      %dma_start3A_51 = tpu.memref_slice %arg7[%add3A_13, %dma_start3A_50] : memref<10000x128xf32, #tpu.memory_space<vmem_shared>> -> memref<112x128xf32, #tpu.memory_space<vmem_shared>>
      %dma_start3A_52 = arith.constant 0 : i32
      %dma_start3A_53 = arith.constant 0 : i32
      %dma_start3A_54 = tpu.memref_slice %arg20[%dma_start3A_52, %dma_start3A_53] : memref<128x128xf32, #tpu.memory_space<vmem>> -> memref<112x128xf32, #tpu.memory_space<vmem>>
      tpu.enqueue_dma source(%dma_start3A_54 : memref<112x128xf32, #tpu.memory_space<vmem>>) target(%dma_start3A_51 : memref<112x128xf32, #tpu.memory_space<vmem_shared>>) target_semaphore(%run_scoped3A : memref<!tpu.dma_semaphore, #tpu.memory_space<semaphore_mem>>)
      %dma_wait3A = arith.constant 0 : i32
      %dma_wait3A_55 = arith.constant 0 : i32
      %dma_wait3A_56 = tpu.memref_slice %arg20[%dma_wait3A, %dma_wait3A_55] : memref<128x128xf32, #tpu.memory_space<vmem>> -> memref<112x128xf32, #tpu.memory_space<vmem>>
      %dma_wait3A_57 = arith.constant 0 : i32
      %dma_wait3A_58 = tpu.memref_slice %arg7[%add3A_13, %dma_wait3A_57] : memref<10000x128xf32, #tpu.memory_space<vmem_shared>> -> memref<112x128xf32, #tpu.memory_space<vmem_shared>>
      %dma_wait3A_59 = arith.constant 0 : i32
      %dma_wait3A_60 = tpu.memref_slice %arg7[%add3A_13, %dma_wait3A_59] : memref<10000x128xf32, #tpu.memory_space<vmem_shared>> -> memref<112x128xf32, #tpu.memory_space<vmem_shared>>
      %dma_wait3A_61 = arith.constant 0 : i32
      %dma_wait3A_62 = arith.constant 0 : i32
      %dma_wait3A_63 = tpu.memref_slice %arg20[%dma_wait3A_61, %dma_wait3A_62] : memref<128x128xf32, #tpu.memory_space<vmem>> -> memref<112x128xf32, #tpu.memory_space<vmem>>
      tpu.wait_dma2 semaphore(%run_scoped3A : memref<!tpu.dma_semaphore, #tpu.memory_space<semaphore_mem>>) src(%dma_wait3A_63 : memref<112x128xf32, #tpu.memory_space<vmem>>) dst(%dma_wait3A_60 : memref<112x128xf32, #tpu.memory_space<vmem_shared>>)
      tpu.yield
    }) : () -> ()
    %eq3A = arith.constant 0 : i32
    %eq3A_14 = arith.cmpi eq, %arg1, %eq3A : i32
    %convert_element_type3A = arith.extui %eq3A_14 : i1 to i32
    %cond3A = arith.constant 0 : i32
    %cond3A_15 = arith.cmpi ne, %convert_element_type3A, %cond3A : i32
    scf.if %cond3A_15 {
      "tpu.region"() ({
        %run_scoped3A = tpu.sem_alloc : memref<!tpu.dma_semaphore, #tpu.memory_space<semaphore_mem>>
        %dma_start3A = arith.constant 0 : i32
        %dma_start3A_46 = arith.constant 0 : i32
        %dma_start3A_47 = tpu.memref_slice %arg20[%dma_start3A, %dma_start3A_46] : memref<128x128xf32, #tpu.memory_space<vmem>> -> memref<16x128xf32, #tpu.memory_space<vmem>>
        %dma_start3A_48 = arith.constant 9984 : i32
        %dma_start3A_49 = arith.constant 0 : i32
        %dma_start3A_50 = tpu.memref_slice %arg7[%dma_start3A_48, %dma_start3A_49] : memref<10000x128xf32, #tpu.memory_space<vmem_shared>> -> memref<16x128xf32, #tpu.memory_space<vmem_shared>>
        %dma_start3A_51 = arith.constant 9984 : i32
        %dma_start3A_52 = arith.constant 0 : i32
        %dma_start3A_53 = tpu.memref_slice %arg7[%dma_start3A_51, %dma_start3A_52] : memref<10000x128xf32, #tpu.memory_space<vmem_shared>> -> memref<16x128xf32, #tpu.memory_space<vmem_shared>>
        %dma_start3A_54 = arith.constant 0 : i32
        %dma_start3A_55 = arith.constant 0 : i32
        %dma_start3A_56 = tpu.memref_slice %arg20[%dma_start3A_54, %dma_start3A_55] : memref<128x128xf32, #tpu.memory_space<vmem>> -> memref<16x128xf32, #tpu.memory_space<vmem>>
        tpu.enqueue_dma source(%dma_start3A_56 : memref<16x128xf32, #tpu.memory_space<vmem>>) target(%dma_start3A_53 : memref<16x128xf32, #tpu.memory_space<vmem_shared>>) target_semaphore(%run_scoped3A : memref<!tpu.dma_semaphore, #tpu.memory_space<semaphore_mem>>)
        %dma_wait3A = arith.constant 0 : i32
        %dma_wait3A_57 = arith.constant 0 : i32
        %dma_wait3A_58 = tpu.memref_slice %arg20[%dma_wait3A, %dma_wait3A_57] : memref<128x128xf32, #tpu.memory_space<vmem>> -> memref<16x128xf32, #tpu.memory_space<vmem>>
        %dma_wait3A_59 = arith.constant 9984 : i32
        %dma_wait3A_60 = arith.constant 0 : i32
        %dma_wait3A_61 = tpu.memref_slice %arg7[%dma_wait3A_59, %dma_wait3A_60] : memref<10000x128xf32, #tpu.memory_space<vmem_shared>> -> memref<16x128xf32, #tpu.memory_space<vmem_shared>>
        %dma_wait3A_62 = arith.constant 9984 : i32
        %dma_wait3A_63 = arith.constant 0 : i32
        %dma_wait3A_64 = tpu.memref_slice %arg7[%dma_wait3A_62, %dma_wait3A_63] : memref<10000x128xf32, #tpu.memory_space<vmem_shared>> -> memref<16x128xf32, #tpu.memory_space<vmem_shared>>
        %dma_wait3A_65 = arith.constant 0 : i32
        %dma_wait3A_66 = arith.constant 0 : i32
        %dma_wait3A_67 = tpu.memref_slice %arg20[%dma_wait3A_65, %dma_wait3A_66] : memref<128x128xf32, #tpu.memory_space<vmem>> -> memref<16x128xf32, #tpu.memory_space<vmem>>
        tpu.wait_dma2 semaphore(%run_scoped3A : memref<!tpu.dma_semaphore, #tpu.memory_space<semaphore_mem>>) src(%dma_wait3A_67 : memref<16x128xf32, #tpu.memory_space<vmem>>) dst(%dma_wait3A_64 : memref<16x128xf32, #tpu.memory_space<vmem_shared>>)
        tpu.yield
      }) : () -> ()
    } else {
    }
    %mul3A_16 = arith.constant 5000 : i32
    %mul3A_17 = arith.muli %arg1, %mul3A_16 : i32
    "tpu.region"() ({
      %run_scoped3A = tpu.sem_alloc : memref<!tpu.dma_semaphore, #tpu.memory_space<semaphore_mem>>
      %dma_start3A = arith.constant 0 : i32
      %dma_start3A_46 = tpu.memref_slice %arg13[%dma_start3A] : memref<5008xf32, #tpu.memory_space<vmem>> -> memref<5000xf32, #tpu.memory_space<vmem>>
      %dma_start3A_47 = tpu.memref_slice %arg5[%mul3A_17] : memref<160000xf32, #tpu.memory_space<hbm>> -> memref<5000xf32, #tpu.memory_space<hbm>>
      %dma_start3A_48 = arith.constant 0 : i32
      %dma_start3A_49 = tpu.memref_slice %arg13[%dma_start3A_48] : memref<5008xf32, #tpu.memory_space<vmem>> -> memref<5000xf32, #tpu.memory_space<vmem>>
      %dma_start3A_50 = tpu.memref_slice %arg5[%mul3A_17] : memref<160000xf32, #tpu.memory_space<hbm>> -> memref<5000xf32, #tpu.memory_space<hbm>>
      tpu.enqueue_dma source(%dma_start3A_50 : memref<5000xf32, #tpu.memory_space<hbm>>) target(%dma_start3A_49 : memref<5000xf32, #tpu.memory_space<vmem>>) target_semaphore(%run_scoped3A : memref<!tpu.dma_semaphore, #tpu.memory_space<semaphore_mem>>)
      %dma_wait3A = arith.constant 0 : i32
      %dma_wait3A_51 = tpu.memref_slice %arg13[%dma_wait3A] : memref<5008xf32, #tpu.memory_space<vmem>> -> memref<5000xf32, #tpu.memory_space<vmem>>
      %dma_wait3A_52 = tpu.memref_slice %arg5[%mul3A_17] : memref<160000xf32, #tpu.memory_space<hbm>> -> memref<5000xf32, #tpu.memory_space<hbm>>
      %dma_wait3A_53 = arith.constant 0 : i32
      %dma_wait3A_54 = tpu.memref_slice %arg13[%dma_wait3A_53] : memref<5008xf32, #tpu.memory_space<vmem>> -> memref<5000xf32, #tpu.memory_space<vmem>>
      %dma_wait3A_55 = tpu.memref_slice %arg5[%mul3A_17] : memref<160000xf32, #tpu.memory_space<hbm>> -> memref<5000xf32, #tpu.memory_space<hbm>>
      tpu.wait_dma2 semaphore(%run_scoped3A : memref<!tpu.dma_semaphore, #tpu.memory_space<semaphore_mem>>) src(%dma_wait3A_55 : memref<5000xf32, #tpu.memory_space<hbm>>) dst(%dma_wait3A_54 : memref<5000xf32, #tpu.memory_space<vmem>>)
      tpu.yield
    }) : () -> ()
    %add3A_18 = arith.constant 80000 : i32
    %add3A_19 = arith.addi %add3A_18, %mul3A_17 : i32
    "tpu.region"() ({
      %run_scoped3A = tpu.sem_alloc : memref<!tpu.dma_semaphore, #tpu.memory_space<semaphore_mem>>
      %dma_start3A = arith.constant 0 : i32
      %dma_start3A_46 = tpu.memref_slice %arg14[%dma_start3A] : memref<5008xf32, #tpu.memory_space<vmem>> -> memref<5000xf32, #tpu.memory_space<vmem>>
      %dma_start3A_47 = tpu.memref_slice %arg5[%add3A_19] : memref<160000xf32, #tpu.memory_space<hbm>> -> memref<5000xf32, #tpu.memory_space<hbm>>
      %dma_start3A_48 = arith.constant 0 : i32
      %dma_start3A_49 = tpu.memref_slice %arg14[%dma_start3A_48] : memref<5008xf32, #tpu.memory_space<vmem>> -> memref<5000xf32, #tpu.memory_space<vmem>>
      %dma_start3A_50 = tpu.memref_slice %arg5[%add3A_19] : memref<160000xf32, #tpu.memory_space<hbm>> -> memref<5000xf32, #tpu.memory_space<hbm>>
      tpu.enqueue_dma source(%dma_start3A_50 : memref<5000xf32, #tpu.memory_space<hbm>>) target(%dma_start3A_49 : memref<5000xf32, #tpu.memory_space<vmem>>) target_semaphore(%run_scoped3A : memref<!tpu.dma_semaphore, #tpu.memory_space<semaphore_mem>>)
      %dma_wait3A = arith.constant 0 : i32
      %dma_wait3A_51 = tpu.memref_slice %arg14[%dma_wait3A] : memref<5008xf32, #tpu.memory_space<vmem>> -> memref<5000xf32, #tpu.memory_space<vmem>>
      %dma_wait3A_52 = tpu.memref_slice %arg5[%add3A_19] : memref<160000xf32, #tpu.memory_space<hbm>> -> memref<5000xf32, #tpu.memory_space<hbm>>
      %dma_wait3A_53 = arith.constant 0 : i32
      %dma_wait3A_54 = tpu.memref_slice %arg14[%dma_wait3A_53] : memref<5008xf32, #tpu.memory_space<vmem>> -> memref<5000xf32, #tpu.memory_space<vmem>>
      %dma_wait3A_55 = tpu.memref_slice %arg5[%add3A_19] : memref<160000xf32, #tpu.memory_space<hbm>> -> memref<5000xf32, #tpu.memory_space<hbm>>
      tpu.wait_dma2 semaphore(%run_scoped3A : memref<!tpu.dma_semaphore, #tpu.memory_space<semaphore_mem>>) src(%dma_wait3A_55 : memref<5000xf32, #tpu.memory_space<hbm>>) dst(%dma_wait3A_54 : memref<5000xf32, #tpu.memory_space<vmem>>)
      tpu.yield
    }) : () -> ()
    %scan3A_20 = arith.constant 0 : i32
    %scan3A_21 = arith.constant 313 : i32
    %scan3A_22 = arith.addi %scan3A_20, %scan3A_21 : i32
    %scan3A_23 = arith.constant 1 : i32
    scf.for %scan3A_46 = %scan3A_20 to %scan3A_22 step %scan3A_23  : i32 {
      %mul3A_47 = arith.constant 16 : i32
      %mul3A_48 = arith.muli %scan3A_46, %mul3A_47 : i32
      %get3A = arith.index_cast %mul3A_48 : i32 to index
      %get3A_49 = tpu.vector_load %arg13[%get3A] {strides = array<i32>} : memref<5008xf32, #tpu.memory_space<vmem>>, vector<16xf32>,
      %get3A_50 = arith.index_cast %mul3A_48 : i32 to index
      %get3A_51 = tpu.vector_load %arg14[%get3A_50] {strides = array<i32>} : memref<5008xf32, #tpu.memory_space<vmem>>, vector<16xf32>,
      %add3A_52 = arith.addf %get3A_49, %get3A_51 : vector<16xf32>
      %swap3A = arith.index_cast %mul3A_48 : i32 to index
      %swap3A_53 = tpu.vector_load %arg13[%swap3A] {strides = array<i32>} : memref<5008xf32, #tpu.memory_space<vmem>>, vector<16xf32>,
      tpu.vector_store %arg13[%swap3A], %add3A_52 {strides = array<i32>} : memref<5008xf32, #tpu.memory_space<vmem>>, vector<16xf32>,
    }
    %scan3A_24 = arith.constant 313 : i32
    "tpu.region"() ({
      %run_scoped3A = tpu.sem_alloc : memref<!tpu.dma_semaphore, #tpu.memory_space<semaphore_mem>>
      %dma_start3A = arith.constant 0 : i32
      %dma_start3A_46 = tpu.memref_slice %arg13[%dma_start3A] : memref<5008xf32, #tpu.memory_space<vmem>> -> memref<5000xf32, #tpu.memory_space<vmem>>
      %dma_start3A_47 = tpu.memref_slice %arg8[%mul3A_17] : memref<80000xf32, #tpu.memory_space<vmem_shared>> -> memref<5000xf32, #tpu.memory_space<vmem_shared>>
      %dma_start3A_48 = tpu.memref_slice %arg8[%mul3A_17] : memref<80000xf32, #tpu.memory_space<vmem_shared>> -> memref<5000xf32, #tpu.memory_space<vmem_shared>>
      %dma_start3A_49 = arith.constant 0 : i32
      %dma_start3A_50 = tpu.memref_slice %arg13[%dma_start3A_49] : memref<5008xf32, #tpu.memory_space<vmem>> -> memref<5000xf32, #tpu.memory_space<vmem>>
      tpu.enqueue_dma source(%dma_start3A_50 : memref<5000xf32, #tpu.memory_space<vmem>>) target(%dma_start3A_48 : memref<5000xf32, #tpu.memory_space<vmem_shared>>) target_semaphore(%run_scoped3A : memref<!tpu.dma_semaphore, #tpu.memory_space<semaphore_mem>>)
      %dma_wait3A = arith.constant 0 : i32
      %dma_wait3A_51 = tpu.memref_slice %arg13[%dma_wait3A] : memref<5008xf32, #tpu.memory_space<vmem>> -> memref<5000xf32, #tpu.memory_space<vmem>>
      %dma_wait3A_52 = tpu.memref_slice %arg8[%mul3A_17] : memref<80000xf32, #tpu.memory_space<vmem_shared>> -> memref<5000xf32, #tpu.memory_space<vmem_shared>>
      %dma_wait3A_53 = tpu.memref_slice %arg8[%mul3A_17] : memref<80000xf32, #tpu.memory_space<vmem_shared>> -> memref<5000xf32, #tpu.memory_space<vmem_shared>>
      %dma_wait3A_54 = arith.constant 0 : i32
      %dma_wait3A_55 = tpu.memref_slice %arg13[%dma_wait3A_54] : memref<5008xf32, #tpu.memory_space<vmem>> -> memref<5000xf32, #tpu.memory_space<vmem>>
      tpu.wait_dma2 semaphore(%run_scoped3A : memref<!tpu.dma_semaphore, #tpu.memory_space<semaphore_mem>>) src(%dma_wait3A_55 : memref<5000xf32, #tpu.memory_space<vmem>>) dst(%dma_wait3A_53 : memref<5000xf32, #tpu.memory_space<vmem_shared>>)
      tpu.yield
    }) : () -> ()
    %barrier3A = arith.constant 0 : index
    tpu.barrier barrier_id(%barrier3A)
    %mul3A_25 = arith.constant 16 : i32
    %mul3A_26 = arith.muli %arg0, %mul3A_25 : i32
    %add3A_27 = arith.addi %mul3A_26, %arg1 : i32
    %mul3A_28 = arith.constant 10000 : i32
    %mul3A_29 = arith.muli %add3A_27, %mul3A_28 : i32
    %scan3A_30 = arith.constant 0 : i32
    %scan3A_31 = arith.constant 5 : i32
    %scan3A_32 = arith.addi %scan3A_30, %scan3A_31 : i32
    %scan3A_33 = arith.constant 1 : i32
    scf.for %scan3A_46 = %scan3A_30 to %scan3A_32 step %scan3A_33  : i32 {
      %mul3A_47 = arith.constant 2000 : i32
      %mul3A_48 = arith.muli %scan3A_46, %mul3A_47 : i32
      %add3A_49 = arith.addi %mul3A_29, %mul3A_48 : i32
      "tpu.region"() ({
        %run_scoped3A = tpu.sem_alloc : memref<!tpu.dma_semaphore, #tpu.memory_space<semaphore_mem>>
        %dma_start3A = tpu.memref_slice %arg2[%add3A_49] : memref<320000xi32, #tpu.memory_space<hbm>> -> memref<2000xi32, #tpu.memory_space<hbm>>
        %dma_start3A_157 = tpu.memref_slice %arg2[%add3A_49] : memref<320000xi32, #tpu.memory_space<hbm>> -> memref<2000xi32, #tpu.memory_space<hbm>>
        tpu.enqueue_dma source(%dma_start3A_157 : memref<2000xi32, #tpu.memory_space<hbm>>) target(%arg9 : memref<2000xi32, #tpu.memory_space<vmem>>) target_semaphore(%run_scoped3A : memref<!tpu.dma_semaphore, #tpu.memory_space<semaphore_mem>>)
        %dma_wait3A = tpu.memref_slice %arg2[%add3A_49] : memref<320000xi32, #tpu.memory_space<hbm>> -> memref<2000xi32, #tpu.memory_space<hbm>>
        %dma_wait3A_158 = tpu.memref_slice %arg2[%add3A_49] : memref<320000xi32, #tpu.memory_space<hbm>> -> memref<2000xi32, #tpu.memory_space<hbm>>
        tpu.wait_dma2 semaphore(%run_scoped3A : memref<!tpu.dma_semaphore, #tpu.memory_space<semaphore_mem>>) src(%dma_wait3A_158 : memref<2000xi32, #tpu.memory_space<hbm>>) dst(%arg9 : memref<2000xi32, #tpu.memory_space<vmem>>)
        tpu.yield
      }) : () -> ()
      "tpu.region"() ({
        %run_scoped3A = tpu.sem_alloc : memref<!tpu.dma_semaphore, #tpu.memory_space<semaphore_mem>>
        %dma_start3A = tpu.memref_slice %arg3[%add3A_49] : memref<640000xi32, #tpu.memory_space<hbm>> -> memref<2000xi32, #tpu.memory_space<hbm>>
        %dma_start3A_157 = tpu.memref_slice %arg3[%add3A_49] : memref<640000xi32, #tpu.memory_space<hbm>> -> memref<2000xi32, #tpu.memory_space<hbm>>
        tpu.enqueue_dma source(%dma_start3A_157 : memref<2000xi32, #tpu.memory_space<hbm>>) target(%arg10 : memref<2000xi32, #tpu.memory_space<vmem>>) target_semaphore(%run_scoped3A : memref<!tpu.dma_semaphore, #tpu.memory_space<semaphore_mem>>)
        %dma_wait3A = tpu.memref_slice %arg3[%add3A_49] : memref<640000xi32, #tpu.memory_space<hbm>> -> memref<2000xi32, #tpu.memory_space<hbm>>
        %dma_wait3A_158 = tpu.memref_slice %arg3[%add3A_49] : memref<640000xi32, #tpu.memory_space<hbm>> -> memref<2000xi32, #tpu.memory_space<hbm>>
        tpu.wait_dma2 semaphore(%run_scoped3A : memref<!tpu.dma_semaphore, #tpu.memory_space<semaphore_mem>>) src(%dma_wait3A_158 : memref<2000xi32, #tpu.memory_space<hbm>>) dst(%arg10 : memref<2000xi32, #tpu.memory_space<vmem>>)
        tpu.yield
      }) : () -> ()
      %add3A_50 = arith.constant 320000 : i32
      %add3A_51 = arith.addi %add3A_50, %add3A_49 : i32
      "tpu.region"() ({
        %run_scoped3A = tpu.sem_alloc : memref<!tpu.dma_semaphore, #tpu.memory_space<semaphore_mem>>
        %dma_start3A = tpu.memref_slice %arg3[%add3A_51] : memref<640000xi32, #tpu.memory_space<hbm>> -> memref<2000xi32, #tpu.memory_space<hbm>>
        %dma_start3A_157 = tpu.memref_slice %arg3[%add3A_51] : memref<640000xi32, #tpu.memory_space<hbm>> -> memref<2000xi32, #tpu.memory_space<hbm>>
        tpu.enqueue_dma source(%dma_start3A_157 : memref<2000xi32, #tpu.memory_space<hbm>>) target(%arg11 : memref<2000xi32, #tpu.memory_space<vmem>>) target_semaphore(%run_scoped3A : memref<!tpu.dma_semaphore, #tpu.memory_space<semaphore_mem>>)
        %dma_wait3A = tpu.memref_slice %arg3[%add3A_51] : memref<640000xi32, #tpu.memory_space<hbm>> -> memref<2000xi32, #tpu.memory_space<hbm>>
        %dma_wait3A_158 = tpu.memref_slice %arg3[%add3A_51] : memref<640000xi32, #tpu.memory_space<hbm>> -> memref<2000xi32, #tpu.memory_space<hbm>>
        tpu.wait_dma2 semaphore(%run_scoped3A : memref<!tpu.dma_semaphore, #tpu.memory_space<semaphore_mem>>) src(%dma_wait3A_158 : memref<2000xi32, #tpu.memory_space<hbm>>) dst(%arg11 : memref<2000xi32, #tpu.memory_space<vmem>>)
        tpu.yield
      }) : () -> ()
      %scan3A_52 = arith.constant 0 : i32
      %scan3A_53 = arith.constant 15 : i32
      %scan3A_54 = arith.addi %scan3A_52, %scan3A_53 : i32
      %scan3A_55 = arith.constant 1 : i32
      scf.for %scan3A_157 = %scan3A_52 to %scan3A_54 step %scan3A_55  : i32 {
        %mul3A_158 = arith.constant 128 : i32
        %mul3A_159 = arith.muli %scan3A_157, %mul3A_158 : i32
        %add3A_160 = arith.constant 0 : i32
        %add3A_161 = arith.addi %mul3A_159, %add3A_160 : i32
        %get3A_162 = arith.index_cast %add3A_161 : i32 to index
        %get3A_163 = tpu.vector_load %arg9[%get3A_162] {strides = array<i32>} : memref<2000xi32, #tpu.memory_space<vmem>>, vector<16xi32>,
        %get3A_164 = arith.index_cast %add3A_161 : i32 to index
        %get3A_165 = tpu.vector_load %arg11[%get3A_164] {strides = array<i32>} : memref<2000xi32, #tpu.memory_space<vmem>>, vector<16xi32>,
        %mul3A_166 = arith.constant 10000 : i32
        %mul3A_167 = vector.broadcast %mul3A_166 : i32 to vector<16xi32>
        %mul3A_168 = arith.muli %get3A_163, %mul3A_167 : vector<16xi32>
        %get3A_169 = arith.index_cast %add3A_161 : i32 to index
        %get3A_170 = tpu.vector_load %arg10[%get3A_169] {strides = array<i32>} : memref<2000xi32, #tpu.memory_space<vmem>>, vector<16xi32>,
        %add3A_171 = arith.addi %mul3A_168, %get3A_170 : vector<16xi32>
        %swap3A_172 = arith.constant 0 : index
        %swap3A_173 = tpu.vector_load %arg21[%swap3A_172] {strides = array<i32>} : memref<128xi32, #tpu.memory_space<vmem>>, vector<16xi32>,
        tpu.vector_store %arg21[%swap3A_172], %add3A_171 {strides = array<i32>} : memref<128xi32, #tpu.memory_space<vmem>>, vector<16xi32>,
        %mul3A_174 = arith.constant 10000 : i32
        %mul3A_175 = vector.broadcast %mul3A_174 : i32 to vector<16xi32>
        %mul3A_176 = arith.muli %get3A_163, %mul3A_175 : vector<16xi32>
        %add3A_177 = arith.addi %mul3A_176, %get3A_165 : vector<16xi32>
        %swap3A_178 = arith.constant 0 : index
        %swap3A_179 = tpu.vector_load %arg22[%swap3A_178] {strides = array<i32>} : memref<128xi32, #tpu.memory_space<vmem>>, vector<16xi32>,
        tpu.vector_store %arg22[%swap3A_178], %add3A_177 {strides = array<i32>} : memref<128xi32, #tpu.memory_space<vmem>>, vector<16xi32>,
        %swap3A_180 = arith.constant 0 : index
        %swap3A_181 = tpu.vector_load %arg23[%swap3A_180] {strides = array<i32>} : memref<128xi32, #tpu.memory_space<vmem>>, vector<16xi32>,
        tpu.vector_store %arg23[%swap3A_180], %get3A_165 {strides = array<i32>} : memref<128xi32, #tpu.memory_space<vmem>>, vector<16xi32>,
        %add3A_182 = arith.constant 16 : i32
        %add3A_183 = arith.addi %mul3A_159, %add3A_182 : i32
        %get3A_184 = arith.index_cast %add3A_183 : i32 to index
        %get3A_185 = tpu.vector_load %arg9[%get3A_184] {strides = array<i32>} : memref<2000xi32, #tpu.memory_space<vmem>>, vector<16xi32>,
        %get3A_186 = arith.index_cast %add3A_183 : i32 to index
        %get3A_187 = tpu.vector_load %arg11[%get3A_186] {strides = array<i32>} : memref<2000xi32, #tpu.memory_space<vmem>>, vector<16xi32>,
        %mul3A_188 = arith.constant 10000 : i32
        %mul3A_189 = vector.broadcast %mul3A_188 : i32 to vector<16xi32>
        %mul3A_190 = arith.muli %get3A_185, %mul3A_189 : vector<16xi32>
        %get3A_191 = arith.index_cast %add3A_183 : i32 to index
        %get3A_192 = tpu.vector_load %arg10[%get3A_191] {strides = array<i32>} : memref<2000xi32, #tpu.memory_space<vmem>>, vector<16xi32>,
        %add3A_193 = arith.addi %mul3A_190, %get3A_192 : vector<16xi32>
        %swap3A_194 = arith.constant 16 : index
        %swap3A_195 = tpu.vector_load %arg21[%swap3A_194] {strides = array<i32>} : memref<128xi32, #tpu.memory_space<vmem>>, vector<16xi32>,
        tpu.vector_store %arg21[%swap3A_194], %add3A_193 {strides = array<i32>} : memref<128xi32, #tpu.memory_space<vmem>>, vector<16xi32>,
        %mul3A_196 = arith.constant 10000 : i32
        %mul3A_197 = vector.broadcast %mul3A_196 : i32 to vector<16xi32>
        %mul3A_198 = arith.muli %get3A_185, %mul3A_197 : vector<16xi32>
        %add3A_199 = arith.addi %mul3A_198, %get3A_187 : vector<16xi32>
        %swap3A_200 = arith.constant 16 : index
        %swap3A_201 = tpu.vector_load %arg22[%swap3A_200] {strides = array<i32>} : memref<128xi32, #tpu.memory_space<vmem>>, vector<16xi32>,
        tpu.vector_store %arg22[%swap3A_200], %add3A_199 {strides = array<i32>} : memref<128xi32, #tpu.memory_space<vmem>>, vector<16xi32>,
        %swap3A_202 = arith.constant 16 : index
        %swap3A_203 = tpu.vector_load %arg23[%swap3A_202] {strides = array<i32>} : memref<128xi32, #tpu.memory_space<vmem>>, vector<16xi32>,
        tpu.vector_store %arg23[%swap3A_202], %get3A_187 {strides = array<i32>} : memref<128xi32, #tpu.memory_space<vmem>>, vector<16xi32>,
        %add3A_204 = arith.constant 32 : i32
        %add3A_205 = arith.addi %mul3A_159, %add3A_204 : i32
        %get3A_206 = arith.index_cast %add3A_205 : i32 to index
        %get3A_207 = tpu.vector_load %arg9[%get3A_206] {strides = array<i32>} : memref<2000xi32, #tpu.memory_space<vmem>>, vector<16xi32>,
        %get3A_208 = arith.index_cast %add3A_205 : i32 to index
        %get3A_209 = tpu.vector_load %arg11[%get3A_208] {strides = array<i32>} : memref<2000xi32, #tpu.memory_space<vmem>>, vector<16xi32>,
        %mul3A_210 = arith.constant 10000 : i32
        %mul3A_211 = vector.broadcast %mul3A_210 : i32 to vector<16xi32>
        %mul3A_212 = arith.muli %get3A_207, %mul3A_211 : vector<16xi32>
        %get3A_213 = arith.index_cast %add3A_205 : i32 to index
        %get3A_214 = tpu.vector_load %arg10[%get3A_213] {strides = array<i32>} : memref<2000xi32, #tpu.memory_space<vmem>>, vector<16xi32>,
        %add3A_215 = arith.addi %mul3A_212, %get3A_214 : vector<16xi32>
        %swap3A_216 = arith.constant 32 : index
        %swap3A_217 = tpu.vector_load %arg21[%swap3A_216] {strides = array<i32>} : memref<128xi32, #tpu.memory_space<vmem>>, vector<16xi32>,
        tpu.vector_store %arg21[%swap3A_216], %add3A_215 {strides = array<i32>} : memref<128xi32, #tpu.memory_space<vmem>>, vector<16xi32>,
        %mul3A_218 = arith.constant 10000 : i32
        %mul3A_219 = vector.broadcast %mul3A_218 : i32 to vector<16xi32>
        %mul3A_220 = arith.muli %get3A_207, %mul3A_219 : vector<16xi32>
        %add3A_221 = arith.addi %mul3A_220, %get3A_209 : vector<16xi32>
        %swap3A_222 = arith.constant 32 : index
        %swap3A_223 = tpu.vector_load %arg22[%swap3A_222] {strides = array<i32>} : memref<128xi32, #tpu.memory_space<vmem>>, vector<16xi32>,
        tpu.vector_store %arg22[%swap3A_222], %add3A_221 {strides = array<i32>} : memref<128xi32, #tpu.memory_space<vmem>>, vector<16xi32>,
        %swap3A_224 = arith.constant 32 : index
        %swap3A_225 = tpu.vector_load %arg23[%swap3A_224] {strides = array<i32>} : memref<128xi32, #tpu.memory_space<vmem>>, vector<16xi32>,
        tpu.vector_store %arg23[%swap3A_224], %get3A_209 {strides = array<i32>} : memref<128xi32, #tpu.memory_space<vmem>>, vector<16xi32>,
        %add3A_226 = arith.constant 48 : i32
        %add3A_227 = arith.addi %mul3A_159, %add3A_226 : i32
        %get3A_228 = arith.index_cast %add3A_227 : i32 to index
        %get3A_229 = tpu.vector_load %arg9[%get3A_228] {strides = array<i32>} : memref<2000xi32, #tpu.memory_space<vmem>>, vector<16xi32>,
        %get3A_230 = arith.index_cast %add3A_227 : i32 to index
        %get3A_231 = tpu.vector_load %arg11[%get3A_230] {strides = array<i32>} : memref<2000xi32, #tpu.memory_space<vmem>>, vector<16xi32>,
        %mul3A_232 = arith.constant 10000 : i32
        %mul3A_233 = vector.broadcast %mul3A_232 : i32 to vector<16xi32>
        %mul3A_234 = arith.muli %get3A_229, %mul3A_233 : vector<16xi32>
        %get3A_235 = arith.index_cast %add3A_227 : i32 to index
        %get3A_236 = tpu.vector_load %arg10[%get3A_235] {strides = array<i32>} : memref<2000xi32, #tpu.memory_space<vmem>>, vector<16xi32>,
        %add3A_237 = arith.addi %mul3A_234, %get3A_236 : vector<16xi32>
        %swap3A_238 = arith.constant 48 : index
        %swap3A_239 = tpu.vector_load %arg21[%swap3A_238] {strides = array<i32>} : memref<128xi32, #tpu.memory_space<vmem>>, vector<16xi32>,
        tpu.vector_store %arg21[%swap3A_238], %add3A_237 {strides = array<i32>} : memref<128xi32, #tpu.memory_space<vmem>>, vector<16xi32>,
        %mul3A_240 = arith.constant 10000 : i32
        %mul3A_241 = vector.broadcast %mul3A_240 : i32 to vector<16xi32>
        %mul3A_242 = arith.muli %get3A_229, %mul3A_241 : vector<16xi32>
        %add3A_243 = arith.addi %mul3A_242, %get3A_231 : vector<16xi32>
        %swap3A_244 = arith.constant 48 : index
        %swap3A_245 = tpu.vector_load %arg22[%swap3A_244] {strides = array<i32>} : memref<128xi32, #tpu.memory_space<vmem>>, vector<16xi32>,
        tpu.vector_store %arg22[%swap3A_244], %add3A_243 {strides = array<i32>} : memref<128xi32, #tpu.memory_space<vmem>>, vector<16xi32>,
        %swap3A_246 = arith.constant 48 : index
        %swap3A_247 = tpu.vector_load %arg23[%swap3A_246] {strides = array<i32>} : memref<128xi32, #tpu.memory_space<vmem>>, vector<16xi32>,
        tpu.vector_store %arg23[%swap3A_246], %get3A_231 {strides = array<i32>} : memref<128xi32, #tpu.memory_space<vmem>>, vector<16xi32>,
        %add3A_248 = arith.constant 64 : i32
        %add3A_249 = arith.addi %mul3A_159, %add3A_248 : i32
        %get3A_250 = arith.index_cast %add3A_249 : i32 to index
        %get3A_251 = tpu.vector_load %arg9[%get3A_250] {strides = array<i32>} : memref<2000xi32, #tpu.memory_space<vmem>>, vector<16xi32>,
        %get3A_252 = arith.index_cast %add3A_249 : i32 to index
        %get3A_253 = tpu.vector_load %arg11[%get3A_252] {strides = array<i32>} : memref<2000xi32, #tpu.memory_space<vmem>>, vector<16xi32>,
        %mul3A_254 = arith.constant 10000 : i32
        %mul3A_255 = vector.broadcast %mul3A_254 : i32 to vector<16xi32>
        %mul3A_256 = arith.muli %get3A_251, %mul3A_255 : vector<16xi32>
        %get3A_257 = arith.index_cast %add3A_249 : i32 to index
        %get3A_258 = tpu.vector_load %arg10[%get3A_257] {strides = array<i32>} : memref<2000xi32, #tpu.memory_space<vmem>>, vector<16xi32>,
        %add3A_259 = arith.addi %mul3A_256, %get3A_258 : vector<16xi32>
        %swap3A_260 = arith.constant 64 : index
        %swap3A_261 = tpu.vector_load %arg21[%swap3A_260] {strides = array<i32>} : memref<128xi32, #tpu.memory_space<vmem>>, vector<16xi32>,
        tpu.vector_store %arg21[%swap3A_260], %add3A_259 {strides = array<i32>} : memref<128xi32, #tpu.memory_space<vmem>>, vector<16xi32>,
        %mul3A_262 = arith.constant 10000 : i32
        %mul3A_263 = vector.broadcast %mul3A_262 : i32 to vector<16xi32>
        %mul3A_264 = arith.muli %get3A_251, %mul3A_263 : vector<16xi32>
        %add3A_265 = arith.addi %mul3A_264, %get3A_253 : vector<16xi32>
        %swap3A_266 = arith.constant 64 : index
        %swap3A_267 = tpu.vector_load %arg22[%swap3A_266] {strides = array<i32>} : memref<128xi32, #tpu.memory_space<vmem>>, vector<16xi32>,
        tpu.vector_store %arg22[%swap3A_266], %add3A_265 {strides = array<i32>} : memref<128xi32, #tpu.memory_space<vmem>>, vector<16xi32>,
        %swap3A_268 = arith.constant 64 : index
        %swap3A_269 = tpu.vector_load %arg23[%swap3A_268] {strides = array<i32>} : memref<128xi32, #tpu.memory_space<vmem>>, vector<16xi32>,
        tpu.vector_store %arg23[%swap3A_268], %get3A_253 {strides = array<i32>} : memref<128xi32, #tpu.memory_space<vmem>>, vector<16xi32>,
        %add3A_270 = arith.constant 80 : i32
        %add3A_271 = arith.addi %mul3A_159, %add3A_270 : i32
        %get3A_272 = arith.index_cast %add3A_271 : i32 to index
        %get3A_273 = tpu.vector_load %arg9[%get3A_272] {strides = array<i32>} : memref<2000xi32, #tpu.memory_space<vmem>>, vector<16xi32>,
        %get3A_274 = arith.index_cast %add3A_271 : i32 to index
        %get3A_275 = tpu.vector_load %arg11[%get3A_274] {strides = array<i32>} : memref<2000xi32, #tpu.memory_space<vmem>>, vector<16xi32>,
        %mul3A_276 = arith.constant 10000 : i32
        %mul3A_277 = vector.broadcast %mul3A_276 : i32 to vector<16xi32>
        %mul3A_278 = arith.muli %get3A_273, %mul3A_277 : vector<16xi32>
        %get3A_279 = arith.index_cast %add3A_271 : i32 to index
        %get3A_280 = tpu.vector_load %arg10[%get3A_279] {strides = array<i32>} : memref<2000xi32, #tpu.memory_space<vmem>>, vector<16xi32>,
        %add3A_281 = arith.addi %mul3A_278, %get3A_280 : vector<16xi32>
        %swap3A_282 = arith.constant 80 : index
        %swap3A_283 = tpu.vector_load %arg21[%swap3A_282] {strides = array<i32>} : memref<128xi32, #tpu.memory_space<vmem>>, vector<16xi32>,
        tpu.vector_store %arg21[%swap3A_282], %add3A_281 {strides = array<i32>} : memref<128xi32, #tpu.memory_space<vmem>>, vector<16xi32>,
        %mul3A_284 = arith.constant 10000 : i32
        %mul3A_285 = vector.broadcast %mul3A_284 : i32 to vector<16xi32>
        %mul3A_286 = arith.muli %get3A_273, %mul3A_285 : vector<16xi32>
        %add3A_287 = arith.addi %mul3A_286, %get3A_275 : vector<16xi32>
        %swap3A_288 = arith.constant 80 : index
        %swap3A_289 = tpu.vector_load %arg22[%swap3A_288] {strides = array<i32>} : memref<128xi32, #tpu.memory_space<vmem>>, vector<16xi32>,
        tpu.vector_store %arg22[%swap3A_288], %add3A_287 {strides = array<i32>} : memref<128xi32, #tpu.memory_space<vmem>>, vector<16xi32>,
        %swap3A_290 = arith.constant 80 : index
        %swap3A_291 = tpu.vector_load %arg23[%swap3A_290] {strides = array<i32>} : memref<128xi32, #tpu.memory_space<vmem>>, vector<16xi32>,
        tpu.vector_store %arg23[%swap3A_290], %get3A_275 {strides = array<i32>} : memref<128xi32, #tpu.memory_space<vmem>>, vector<16xi32>,
        %add3A_292 = arith.constant 96 : i32
        %add3A_293 = arith.addi %mul3A_159, %add3A_292 : i32
        %get3A_294 = arith.index_cast %add3A_293 : i32 to index
        %get3A_295 = tpu.vector_load %arg9[%get3A_294] {strides = array<i32>} : memref<2000xi32, #tpu.memory_space<vmem>>, vector<16xi32>,
        %get3A_296 = arith.index_cast %add3A_293 : i32 to index
        %get3A_297 = tpu.vector_load %arg11[%get3A_296] {strides = array<i32>} : memref<2000xi32, #tpu.memory_space<vmem>>, vector<16xi32>,
        %mul3A_298 = arith.constant 10000 : i32
        %mul3A_299 = vector.broadcast %mul3A_298 : i32 to vector<16xi32>
        %mul3A_300 = arith.muli %get3A_295, %mul3A_299 : vector<16xi32>
        %get3A_301 = arith.index_cast %add3A_293 : i32 to index
        %get3A_302 = tpu.vector_load %arg10[%get3A_301] {strides = array<i32>} : memref<2000xi32, #tpu.memory_space<vmem>>, vector<16xi32>,
        %add3A_303 = arith.addi %mul3A_300, %get3A_302 : vector<16xi32>
        %swap3A_304 = arith.constant 96 : index
        %swap3A_305 = tpu.vector_load %arg21[%swap3A_304] {strides = array<i32>} : memref<128xi32, #tpu.memory_space<vmem>>, vector<16xi32>,
        tpu.vector_store %arg21[%swap3A_304], %add3A_303 {strides = array<i32>} : memref<128xi32, #tpu.memory_space<vmem>>, vector<16xi32>,
        %mul3A_306 = arith.constant 10000 : i32
        %mul3A_307 = vector.broadcast %mul3A_306 : i32 to vector<16xi32>
        %mul3A_308 = arith.muli %get3A_295, %mul3A_307 : vector<16xi32>
        %add3A_309 = arith.addi %mul3A_308, %get3A_297 : vector<16xi32>
        %swap3A_310 = arith.constant 96 : index
        %swap3A_311 = tpu.vector_load %arg22[%swap3A_310] {strides = array<i32>} : memref<128xi32, #tpu.memory_space<vmem>>, vector<16xi32>,
        tpu.vector_store %arg22[%swap3A_310], %add3A_309 {strides = array<i32>} : memref<128xi32, #tpu.memory_space<vmem>>, vector<16xi32>,
        %swap3A_312 = arith.constant 96 : index
        %swap3A_313 = tpu.vector_load %arg23[%swap3A_312] {strides = array<i32>} : memref<128xi32, #tpu.memory_space<vmem>>, vector<16xi32>,
        tpu.vector_store %arg23[%swap3A_312], %get3A_297 {strides = array<i32>} : memref<128xi32, #tpu.memory_space<vmem>>, vector<16xi32>,
        %add3A_314 = arith.constant 112 : i32
        %add3A_315 = arith.addi %mul3A_159, %add3A_314 : i32
        %get3A_316 = arith.index_cast %add3A_315 : i32 to index
        %get3A_317 = tpu.vector_load %arg9[%get3A_316] {strides = array<i32>} : memref<2000xi32, #tpu.memory_space<vmem>>, vector<16xi32>,
        %get3A_318 = arith.index_cast %add3A_315 : i32 to index
        %get3A_319 = tpu.vector_load %arg11[%get3A_318] {strides = array<i32>} : memref<2000xi32, #tpu.memory_space<vmem>>, vector<16xi32>,
        %mul3A_320 = arith.constant 10000 : i32
        %mul3A_321 = vector.broadcast %mul3A_320 : i32 to vector<16xi32>
        %mul3A_322 = arith.muli %get3A_317, %mul3A_321 : vector<16xi32>
        %get3A_323 = arith.index_cast %add3A_315 : i32 to index
        %get3A_324 = tpu.vector_load %arg10[%get3A_323] {strides = array<i32>} : memref<2000xi32, #tpu.memory_space<vmem>>, vector<16xi32>,
        %add3A_325 = arith.addi %mul3A_322, %get3A_324 : vector<16xi32>
        %swap3A_326 = arith.constant 112 : index
        %swap3A_327 = tpu.vector_load %arg21[%swap3A_326] {strides = array<i32>} : memref<128xi32, #tpu.memory_space<vmem>>, vector<16xi32>,
        tpu.vector_store %arg21[%swap3A_326], %add3A_325 {strides = array<i32>} : memref<128xi32, #tpu.memory_space<vmem>>, vector<16xi32>,
        %mul3A_328 = arith.constant 10000 : i32
        %mul3A_329 = vector.broadcast %mul3A_328 : i32 to vector<16xi32>
        %mul3A_330 = arith.muli %get3A_317, %mul3A_329 : vector<16xi32>
        %add3A_331 = arith.addi %mul3A_330, %get3A_319 : vector<16xi32>
        %swap3A_332 = arith.constant 112 : index
        %swap3A_333 = tpu.vector_load %arg22[%swap3A_332] {strides = array<i32>} : memref<128xi32, #tpu.memory_space<vmem>>, vector<16xi32>,
        tpu.vector_store %arg22[%swap3A_332], %add3A_331 {strides = array<i32>} : memref<128xi32, #tpu.memory_space<vmem>>, vector<16xi32>,
        %swap3A_334 = arith.constant 112 : index
        %swap3A_335 = tpu.vector_load %arg23[%swap3A_334] {strides = array<i32>} : memref<128xi32, #tpu.memory_space<vmem>>, vector<16xi32>,
        tpu.vector_store %arg23[%swap3A_334], %get3A_319 {strides = array<i32>} : memref<128xi32, #tpu.memory_space<vmem>>, vector<16xi32>,
        "tpu.region"() ({
          %run_scoped3A = tpu.sem_alloc : memref<!tpu.dma_semaphore, #tpu.memory_space<semaphore_mem>>
          %dma_start3A = arith.constant 0 : i32
          %dma_start3A_339 = arith.constant 0 : i32
          %dma_start3A_340 = tpu.memref_slice %arg4[%dma_start3A, %dma_start3A_339] : memref<90000x128xf32, #tpu.memory_space<hbm>> -> memref<90000x128xf32, #tpu.memory_space<hbm>>
          tpu.enqueue_indirect_dma source(%dma_start3A_340 : memref<90000x128xf32, #tpu.memory_space<hbm>>) target(%arg20 : memref<128x128xf32, #tpu.memory_space<vmem>>) offsets(%arg21 : memref<128xi32, #tpu.memory_space<vmem>>) semaphore(%run_scoped3A : memref<!tpu.dma_semaphore, #tpu.memory_space<semaphore_mem>>)
          %dma_wait3A = arith.constant 0 : i32
          %dma_wait3A_341 = arith.constant 0 : i32
          %dma_wait3A_342 = tpu.memref_slice %arg4[%dma_wait3A, %dma_wait3A_341] : memref<90000x128xf32, #tpu.memory_space<hbm>> -> memref<90000x128xf32, #tpu.memory_space<hbm>>
          tpu.wait_indirect_dma semaphore(%run_scoped3A : memref<!tpu.dma_semaphore, #tpu.memory_space<semaphore_mem>>) src(%dma_wait3A_342 : memref<90000x128xf32, #tpu.memory_space<hbm>>) dst(%arg20 : memref<128x128xf32, #tpu.memory_space<vmem>>)
          tpu.yield
        }) : () -> ()
        "tpu.region"() ({
          %run_scoped3A = tpu.sem_alloc : memref<!tpu.dma_semaphore, #tpu.memory_space<semaphore_mem>>
          %dma_start3A = arith.constant 0 : i32
          %dma_start3A_339 = tpu.memref_slice %arg8[%dma_start3A] : memref<80000xf32, #tpu.memory_space<vmem_shared>> -> memref<80000xf32, #tpu.memory_space<vmem_shared>>
          tpu.enqueue_indirect_dma source(%dma_start3A_339 : memref<80000xf32, #tpu.memory_space<vmem_shared>>) target(%arg24 : memref<128xf32, #tpu.memory_space<vmem>>) offsets(%arg22 : memref<128xi32, #tpu.memory_space<vmem>>) semaphore(%run_scoped3A : memref<!tpu.dma_semaphore, #tpu.memory_space<semaphore_mem>>)
          %dma_wait3A = arith.constant 0 : i32
          %dma_wait3A_340 = tpu.memref_slice %arg8[%dma_wait3A] : memref<80000xf32, #tpu.memory_space<vmem_shared>> -> memref<80000xf32, #tpu.memory_space<vmem_shared>>
          tpu.wait_indirect_dma semaphore(%run_scoped3A : memref<!tpu.dma_semaphore, #tpu.memory_space<semaphore_mem>>) src(%dma_wait3A_340 : memref<80000xf32, #tpu.memory_space<vmem_shared>>) dst(%arg24 : memref<128xf32, #tpu.memory_space<vmem>>)
          tpu.yield
        }) : () -> ()
        %parallel_loop3A_336 = arith.constant 0 : i32
        %parallel_loop3A_337 = arith.constant 128 : i32
        %parallel_loop3A_338 = arith.constant 1 : i32
        scf.for %parallel_loop3A_339 = %parallel_loop3A_336 to %parallel_loop3A_337 step %parallel_loop3A_338  : i32 {
          %parallel_loop3A_340 = vector.broadcast %parallel_loop3A_339 : i32 to vector<16xi32>
          %parallel_loop3A_341 = tpu.vector_load_idx %arg24[%parallel_loop3A_340] : memref<128xf32, #tpu.memory_space<vmem>>[vector<16xi32>], vector<16xf32>,
          %parallel_loop3A_342 = arith.constant 1.000000e+00 : f32
          %parallel_loop3A_343 = vector.broadcast %parallel_loop3A_342 : f32 to vector<16xf32>
          %parallel_loop3A_344 = arith.maximumf %parallel_loop3A_341, %parallel_loop3A_343 : vector<16xf32>
          %parallel_loop3A_345 = arith.constant 1.000000e+00 : f32
          %parallel_loop3A_346 = vector.broadcast %parallel_loop3A_345 : f32 to vector<16xf32>
          %parallel_loop3A_347 = arith.divf %parallel_loop3A_346, %parallel_loop3A_344 : vector<16xf32>
          %parallel_loop3A_348 = arith.index_cast %parallel_loop3A_339 : i32 to index
          %parallel_loop3A_349 = arith.constant 0 : index
          %parallel_loop3A_350 = tpu.vector_load %arg20[%parallel_loop3A_348, %parallel_loop3A_349] {strides = array<i32>} : memref<128x128xf32, #tpu.memory_space<vmem>>, vector<16xf32>,
          %parallel_loop3A_351 = arith.mulf %parallel_loop3A_350, %parallel_loop3A_347 : vector<16xf32>
          %parallel_loop3A_352 = arith.index_cast %parallel_loop3A_339 : i32 to index
          %parallel_loop3A_353 = arith.constant 0 : index
          %parallel_loop3A_354 = tpu.vector_load %arg20[%parallel_loop3A_352, %parallel_loop3A_353] {strides = array<i32>} : memref<128x128xf32, #tpu.memory_space<vmem>>, vector<16xf32>,
          tpu.vector_store %arg20[%parallel_loop3A_352, %parallel_loop3A_353], %parallel_loop3A_351 {strides = array<i32>} : memref<128x128xf32, #tpu.memory_space<vmem>>, vector<16xf32>,
          %parallel_loop3A_355 = arith.index_cast %parallel_loop3A_339 : i32 to index
          %parallel_loop3A_356 = arith.constant 16 : index
          %parallel_loop3A_357 = tpu.vector_load %arg20[%parallel_loop3A_355, %parallel_loop3A_356] {strides = array<i32>} : memref<128x128xf32, #tpu.memory_space<vmem>>, vector<16xf32>,
          %parallel_loop3A_358 = arith.mulf %parallel_loop3A_357, %parallel_loop3A_347 : vector<16xf32>
          %parallel_loop3A_359 = arith.index_cast %parallel_loop3A_339 : i32 to index
          %parallel_loop3A_360 = arith.constant 16 : index
          %parallel_loop3A_361 = tpu.vector_load %arg20[%parallel_loop3A_359, %parallel_loop3A_360] {strides = array<i32>} : memref<128x128xf32, #tpu.memory_space<vmem>>, vector<16xf32>,
          tpu.vector_store %arg20[%parallel_loop3A_359, %parallel_loop3A_360], %parallel_loop3A_358 {strides = array<i32>} : memref<128x128xf32, #tpu.memory_space<vmem>>, vector<16xf32>,
          %parallel_loop3A_362 = arith.index_cast %parallel_loop3A_339 : i32 to index
          %parallel_loop3A_363 = arith.constant 32 : index
          %parallel_loop3A_364 = tpu.vector_load %arg20[%parallel_loop3A_362, %parallel_loop3A_363] {strides = array<i32>} : memref<128x128xf32, #tpu.memory_space<vmem>>, vector<16xf32>,
          %parallel_loop3A_365 = arith.mulf %parallel_loop3A_364, %parallel_loop3A_347 : vector<16xf32>
          %parallel_loop3A_366 = arith.index_cast %parallel_loop3A_339 : i32 to index
          %parallel_loop3A_367 = arith.constant 32 : index
          %parallel_loop3A_368 = tpu.vector_load %arg20[%parallel_loop3A_366, %parallel_loop3A_367] {strides = array<i32>} : memref<128x128xf32, #tpu.memory_space<vmem>>, vector<16xf32>,
          tpu.vector_store %arg20[%parallel_loop3A_366, %parallel_loop3A_367], %parallel_loop3A_365 {strides = array<i32>} : memref<128x128xf32, #tpu.memory_space<vmem>>, vector<16xf32>,
          %parallel_loop3A_369 = arith.index_cast %parallel_loop3A_339 : i32 to index
          %parallel_loop3A_370 = arith.constant 48 : index
          %parallel_loop3A_371 = tpu.vector_load %arg20[%parallel_loop3A_369, %parallel_loop3A_370] {strides = array<i32>} : memref<128x128xf32, #tpu.memory_space<vmem>>, vector<16xf32>,
          %parallel_loop3A_372 = arith.mulf %parallel_loop3A_371, %parallel_loop3A_347 : vector<16xf32>
          %parallel_loop3A_373 = arith.index_cast %parallel_loop3A_339 : i32 to index
          %parallel_loop3A_374 = arith.constant 48 : index
          %parallel_loop3A_375 = tpu.vector_load %arg20[%parallel_loop3A_373, %parallel_loop3A_374] {strides = array<i32>} : memref<128x128xf32, #tpu.memory_space<vmem>>, vector<16xf32>,
          tpu.vector_store %arg20[%parallel_loop3A_373, %parallel_loop3A_374], %parallel_loop3A_372 {strides = array<i32>} : memref<128x128xf32, #tpu.memory_space<vmem>>, vector<16xf32>,
          %parallel_loop3A_376 = arith.index_cast %parallel_loop3A_339 : i32 to index
          %parallel_loop3A_377 = arith.constant 64 : index
          %parallel_loop3A_378 = tpu.vector_load %arg20[%parallel_loop3A_376, %parallel_loop3A_377] {strides = array<i32>} : memref<128x128xf32, #tpu.memory_space<vmem>>, vector<16xf32>,
          %parallel_loop3A_379 = arith.mulf %parallel_loop3A_378, %parallel_loop3A_347 : vector<16xf32>
          %parallel_loop3A_380 = arith.index_cast %parallel_loop3A_339 : i32 to index
          %parallel_loop3A_381 = arith.constant 64 : index
          %parallel_loop3A_382 = tpu.vector_load %arg20[%parallel_loop3A_380, %parallel_loop3A_381] {strides = array<i32>} : memref<128x128xf32, #tpu.memory_space<vmem>>, vector<16xf32>,
          tpu.vector_store %arg20[%parallel_loop3A_380, %parallel_loop3A_381], %parallel_loop3A_379 {strides = array<i32>} : memref<128x128xf32, #tpu.memory_space<vmem>>, vector<16xf32>,
          %parallel_loop3A_383 = arith.index_cast %parallel_loop3A_339 : i32 to index
          %parallel_loop3A_384 = arith.constant 80 : index
          %parallel_loop3A_385 = tpu.vector_load %arg20[%parallel_loop3A_383, %parallel_loop3A_384] {strides = array<i32>} : memref<128x128xf32, #tpu.memory_space<vmem>>, vector<16xf32>,
          %parallel_loop3A_386 = arith.mulf %parallel_loop3A_385, %parallel_loop3A_347 : vector<16xf32>
          %parallel_loop3A_387 = arith.index_cast %parallel_loop3A_339 : i32 to index
          %parallel_loop3A_388 = arith.constant 80 : index
          %parallel_loop3A_389 = tpu.vector_load %arg20[%parallel_loop3A_387, %parallel_loop3A_388] {strides = array<i32>} : memref<128x128xf32, #tpu.memory_space<vmem>>, vector<16xf32>,
          tpu.vector_store %arg20[%parallel_loop3A_387, %parallel_loop3A_388], %parallel_loop3A_386 {strides = array<i32>} : memref<128x128xf32, #tpu.memory_space<vmem>>, vector<16xf32>,
          %parallel_loop3A_390 = arith.index_cast %parallel_loop3A_339 : i32 to index
          %parallel_loop3A_391 = arith.constant 96 : index
          %parallel_loop3A_392 = tpu.vector_load %arg20[%parallel_loop3A_390, %parallel_loop3A_391] {strides = array<i32>} : memref<128x128xf32, #tpu.memory_space<vmem>>, vector<16xf32>,
          %parallel_loop3A_393 = arith.mulf %parallel_loop3A_392, %parallel_loop3A_347 : vector<16xf32>
          %parallel_loop3A_394 = arith.index_cast %parallel_loop3A_339 : i32 to index
          %parallel_loop3A_395 = arith.constant 96 : index
          %parallel_loop3A_396 = tpu.vector_load %arg20[%parallel_loop3A_394, %parallel_loop3A_395] {strides = array<i32>} : memref<128x128xf32, #tpu.memory_space<vmem>>, vector<16xf32>,
          tpu.vector_store %arg20[%parallel_loop3A_394, %parallel_loop3A_395], %parallel_loop3A_393 {strides = array<i32>} : memref<128x128xf32, #tpu.memory_space<vmem>>, vector<16xf32>,
          %parallel_loop3A_397 = arith.index_cast %parallel_loop3A_339 : i32 to index
          %parallel_loop3A_398 = arith.constant 112 : index
          %parallel_loop3A_399 = tpu.vector_load %arg20[%parallel_loop3A_397, %parallel_loop3A_398] {strides = array<i32>} : memref<128x128xf32, #tpu.memory_space<vmem>>, vector<16xf32>,
          %parallel_loop3A_400 = arith.mulf %parallel_loop3A_399, %parallel_loop3A_347 : vector<16xf32>
          %parallel_loop3A_401 = arith.index_cast %parallel_loop3A_339 : i32 to index
          %parallel_loop3A_402 = arith.constant 112 : index
          %parallel_loop3A_403 = tpu.vector_load %arg20[%parallel_loop3A_401, %parallel_loop3A_402] {strides = array<i32>} : memref<128x128xf32, #tpu.memory_space<vmem>>, vector<16xf32>,
          tpu.vector_store %arg20[%parallel_loop3A_401, %parallel_loop3A_402], %parallel_loop3A_400 {strides = array<i32>} : memref<128x128xf32, #tpu.memory_space<vmem>>, vector<16xf32>,
        } {sc.loop_unroll_factor = 4 : i64, sc.parallel_access}
        "tpu.region"() ({
          %run_scoped3A = tpu.sem_alloc : memref<!tpu.dma_semaphore, #tpu.memory_space<semaphore_mem>>
          %dma_start3A = arith.constant 0 : i32
          %dma_start3A_339 = arith.constant 0 : i32
          %dma_start3A_340 = tpu.memref_slice %arg7[%dma_start3A, %dma_start3A_339] : memref<10000x128xf32, #tpu.memory_space<vmem_shared>> -> memref<10000x128xf32, #tpu.memory_space<vmem_shared>>
          tpu.enqueue_indirect_dma source(%arg20 : memref<128x128xf32, #tpu.memory_space<vmem>>) target(%dma_start3A_340 : memref<10000x128xf32, #tpu.memory_space<vmem_shared>>) offsets(%arg23 : memref<128xi32, #tpu.memory_space<vmem>>) semaphore(%run_scoped3A : memref<!tpu.dma_semaphore, #tpu.memory_space<semaphore_mem>>) {add = true}
          %dma_wait3A = arith.constant 0 : i32
          %dma_wait3A_341 = arith.constant 0 : i32
          %dma_wait3A_342 = tpu.memref_slice %arg7[%dma_wait3A, %dma_wait3A_341] : memref<10000x128xf32, #tpu.memory_space<vmem_shared>> -> memref<10000x128xf32, #tpu.memory_space<vmem_shared>>
          tpu.wait_indirect_dma semaphore(%run_scoped3A : memref<!tpu.dma_semaphore, #tpu.memory_space<semaphore_mem>>) src(%arg20 : memref<128x128xf32, #tpu.memory_space<vmem>>) dst(%dma_wait3A_342 : memref<10000x128xf32, #tpu.memory_space<vmem_shared>>)
          tpu.yield
        }) : () -> ()
      }
      %scan3A_56 = arith.constant 15 : i32
      %get3A = arith.constant 1920 : index
      %get3A_57 = tpu.vector_load %arg9[%get3A] {strides = array<i32>} : memref<2000xi32, #tpu.memory_space<vmem>>, vector<16xi32>,
      %get3A_58 = arith.constant 1920 : index
      %get3A_59 = tpu.vector_load %arg11[%get3A_58] {strides = array<i32>} : memref<2000xi32, #tpu.memory_space<vmem>>, vector<16xi32>,
      %mul3A_60 = arith.constant 10000 : i32
      %mul3A_61 = vector.broadcast %mul3A_60 : i32 to vector<16xi32>
      %mul3A_62 = arith.muli %get3A_57, %mul3A_61 : vector<16xi32>
      %get3A_63 = arith.constant 1920 : index
      %get3A_64 = tpu.vector_load %arg10[%get3A_63] {strides = array<i32>} : memref<2000xi32, #tpu.memory_space<vmem>>, vector<16xi32>,
      %add3A_65 = arith.addi %mul3A_62, %get3A_64 : vector<16xi32>
      %swap3A = arith.constant 0 : index
      %swap3A_66 = tpu.vector_load %arg16[%swap3A] {strides = array<i32>} : memref<80xi32, #tpu.memory_space<vmem>>, vector<16xi32>,
      tpu.vector_store %arg16[%swap3A], %add3A_65 {strides = array<i32>} : memref<80xi32, #tpu.memory_space<vmem>>, vector<16xi32>,
      %mul3A_67 = arith.constant 10000 : i32
      %mul3A_68 = vector.broadcast %mul3A_67 : i32 to vector<16xi32>
      %mul3A_69 = arith.muli %get3A_57, %mul3A_68 : vector<16xi32>
      %add3A_70 = arith.addi %mul3A_69, %get3A_59 : vector<16xi32>
      %swap3A_71 = arith.constant 0 : index
      %swap3A_72 = tpu.vector_load %arg17[%swap3A_71] {strides = array<i32>} : memref<80xi32, #tpu.memory_space<vmem>>, vector<16xi32>,
      tpu.vector_store %arg17[%swap3A_71], %add3A_70 {strides = array<i32>} : memref<80xi32, #tpu.memory_space<vmem>>, vector<16xi32>,
      %swap3A_73 = arith.constant 0 : index
      %swap3A_74 = tpu.vector_load %arg18[%swap3A_73] {strides = array<i32>} : memref<80xi32, #tpu.memory_space<vmem>>, vector<16xi32>,
      tpu.vector_store %arg18[%swap3A_73], %get3A_59 {strides = array<i32>} : memref<80xi32, #tpu.memory_space<vmem>>, vector<16xi32>,
      %get3A_75 = arith.constant 1936 : index
      %get3A_76 = tpu.vector_load %arg9[%get3A_75] {strides = array<i32>} : memref<2000xi32, #tpu.memory_space<vmem>>, vector<16xi32>,
      %get3A_77 = arith.constant 1936 : index
      %get3A_78 = tpu.vector_load %arg11[%get3A_77] {strides = array<i32>} : memref<2000xi32, #tpu.memory_space<vmem>>, vector<16xi32>,
      %mul3A_79 = arith.constant 10000 : i32
      %mul3A_80 = vector.broadcast %mul3A_79 : i32 to vector<16xi32>
      %mul3A_81 = arith.muli %get3A_76, %mul3A_80 : vector<16xi32>
      %get3A_82 = arith.constant 1936 : index
      %get3A_83 = tpu.vector_load %arg10[%get3A_82] {strides = array<i32>} : memref<2000xi32, #tpu.memory_space<vmem>>, vector<16xi32>,
      %add3A_84 = arith.addi %mul3A_81, %get3A_83 : vector<16xi32>
      %swap3A_85 = arith.constant 16 : index
      %swap3A_86 = tpu.vector_load %arg16[%swap3A_85] {strides = array<i32>} : memref<80xi32, #tpu.memory_space<vmem>>, vector<16xi32>,
      tpu.vector_store %arg16[%swap3A_85], %add3A_84 {strides = array<i32>} : memref<80xi32, #tpu.memory_space<vmem>>, vector<16xi32>,
      %mul3A_87 = arith.constant 10000 : i32
      %mul3A_88 = vector.broadcast %mul3A_87 : i32 to vector<16xi32>
      %mul3A_89 = arith.muli %get3A_76, %mul3A_88 : vector<16xi32>
      %add3A_90 = arith.addi %mul3A_89, %get3A_78 : vector<16xi32>
      %swap3A_91 = arith.constant 16 : index
      %swap3A_92 = tpu.vector_load %arg17[%swap3A_91] {strides = array<i32>} : memref<80xi32, #tpu.memory_space<vmem>>, vector<16xi32>,
      tpu.vector_store %arg17[%swap3A_91], %add3A_90 {strides = array<i32>} : memref<80xi32, #tpu.memory_space<vmem>>, vector<16xi32>,
      %swap3A_93 = arith.constant 16 : index
      %swap3A_94 = tpu.vector_load %arg18[%swap3A_93] {strides = array<i32>} : memref<80xi32, #tpu.memory_space<vmem>>, vector<16xi32>,
      tpu.vector_store %arg18[%swap3A_93], %get3A_78 {strides = array<i32>} : memref<80xi32, #tpu.memory_space<vmem>>, vector<16xi32>,
      %get3A_95 = arith.constant 1952 : index
      %get3A_96 = tpu.vector_load %arg9[%get3A_95] {strides = array<i32>} : memref<2000xi32, #tpu.memory_space<vmem>>, vector<16xi32>,
      %get3A_97 = arith.constant 1952 : index
      %get3A_98 = tpu.vector_load %arg11[%get3A_97] {strides = array<i32>} : memref<2000xi32, #tpu.memory_space<vmem>>, vector<16xi32>,
      %mul3A_99 = arith.constant 10000 : i32
      %mul3A_100 = vector.broadcast %mul3A_99 : i32 to vector<16xi32>
      %mul3A_101 = arith.muli %get3A_96, %mul3A_100 : vector<16xi32>
      %get3A_102 = arith.constant 1952 : index
      %get3A_103 = tpu.vector_load %arg10[%get3A_102] {strides = array<i32>} : memref<2000xi32, #tpu.memory_space<vmem>>, vector<16xi32>,
      %add3A_104 = arith.addi %mul3A_101, %get3A_103 : vector<16xi32>
      %swap3A_105 = arith.constant 32 : index
      %swap3A_106 = tpu.vector_load %arg16[%swap3A_105] {strides = array<i32>} : memref<80xi32, #tpu.memory_space<vmem>>, vector<16xi32>,
      tpu.vector_store %arg16[%swap3A_105], %add3A_104 {strides = array<i32>} : memref<80xi32, #tpu.memory_space<vmem>>, vector<16xi32>,
      %mul3A_107 = arith.constant 10000 : i32
      %mul3A_108 = vector.broadcast %mul3A_107 : i32 to vector<16xi32>
      %mul3A_109 = arith.muli %get3A_96, %mul3A_108 : vector<16xi32>
      %add3A_110 = arith.addi %mul3A_109, %get3A_98 : vector<16xi32>
      %swap3A_111 = arith.constant 32 : index
      %swap3A_112 = tpu.vector_load %arg17[%swap3A_111] {strides = array<i32>} : memref<80xi32, #tpu.memory_space<vmem>>, vector<16xi32>,
      tpu.vector_store %arg17[%swap3A_111], %add3A_110 {strides = array<i32>} : memref<80xi32, #tpu.memory_space<vmem>>, vector<16xi32>,
      %swap3A_113 = arith.constant 32 : index
      %swap3A_114 = tpu.vector_load %arg18[%swap3A_113] {strides = array<i32>} : memref<80xi32, #tpu.memory_space<vmem>>, vector<16xi32>,
      tpu.vector_store %arg18[%swap3A_113], %get3A_98 {strides = array<i32>} : memref<80xi32, #tpu.memory_space<vmem>>, vector<16xi32>,
      %get3A_115 = arith.constant 1968 : index
      %get3A_116 = tpu.vector_load %arg9[%get3A_115] {strides = array<i32>} : memref<2000xi32, #tpu.memory_space<vmem>>, vector<16xi32>,
      %get3A_117 = arith.constant 1968 : index
      %get3A_118 = tpu.vector_load %arg11[%get3A_117] {strides = array<i32>} : memref<2000xi32, #tpu.memory_space<vmem>>, vector<16xi32>,
      %mul3A_119 = arith.constant 10000 : i32
      %mul3A_120 = vector.broadcast %mul3A_119 : i32 to vector<16xi32>
      %mul3A_121 = arith.muli %get3A_116, %mul3A_120 : vector<16xi32>
      %get3A_122 = arith.constant 1968 : index
      %get3A_123 = tpu.vector_load %arg10[%get3A_122] {strides = array<i32>} : memref<2000xi32, #tpu.memory_space<vmem>>, vector<16xi32>,
      %add3A_124 = arith.addi %mul3A_121, %get3A_123 : vector<16xi32>
      %swap3A_125 = arith.constant 48 : index
      %swap3A_126 = tpu.vector_load %arg16[%swap3A_125] {strides = array<i32>} : memref<80xi32, #tpu.memory_space<vmem>>, vector<16xi32>,
      tpu.vector_store %arg16[%swap3A_125], %add3A_124 {strides = array<i32>} : memref<80xi32, #tpu.memory_space<vmem>>, vector<16xi32>,
      %mul3A_127 = arith.constant 10000 : i32
      %mul3A_128 = vector.broadcast %mul3A_127 : i32 to vector<16xi32>
      %mul3A_129 = arith.muli %get3A_116, %mul3A_128 : vector<16xi32>
      %add3A_130 = arith.addi %mul3A_129, %get3A_118 : vector<16xi32>
      %swap3A_131 = arith.constant 48 : index
      %swap3A_132 = tpu.vector_load %arg17[%swap3A_131] {strides = array<i32>} : memref<80xi32, #tpu.memory_space<vmem>>, vector<16xi32>,
      tpu.vector_store %arg17[%swap3A_131], %add3A_130 {strides = array<i32>} : memref<80xi32, #tpu.memory_space<vmem>>, vector<16xi32>,
      %swap3A_133 = arith.constant 48 : index
      %swap3A_134 = tpu.vector_load %arg18[%swap3A_133] {strides = array<i32>} : memref<80xi32, #tpu.memory_space<vmem>>, vector<16xi32>,
      tpu.vector_store %arg18[%swap3A_133], %get3A_118 {strides = array<i32>} : memref<80xi32, #tpu.memory_space<vmem>>, vector<16xi32>,
      %get3A_135 = arith.constant 1984 : index
      %get3A_136 = tpu.vector_load %arg9[%get3A_135] {strides = array<i32>} : memref<2000xi32, #tpu.memory_space<vmem>>, vector<16xi32>,
      %get3A_137 = arith.constant 1984 : index
      %get3A_138 = tpu.vector_load %arg11[%get3A_137] {strides = array<i32>} : memref<2000xi32, #tpu.memory_space<vmem>>, vector<16xi32>,
      %mul3A_139 = arith.constant 10000 : i32
      %mul3A_140 = vector.broadcast %mul3A_139 : i32 to vector<16xi32>
      %mul3A_141 = arith.muli %get3A_136, %mul3A_140 : vector<16xi32>
      %get3A_142 = arith.constant 1984 : index
      %get3A_143 = tpu.vector_load %arg10[%get3A_142] {strides = array<i32>} : memref<2000xi32, #tpu.memory_space<vmem>>, vector<16xi32>,
      %add3A_144 = arith.addi %mul3A_141, %get3A_143 : vector<16xi32>
      %swap3A_145 = arith.constant 64 : index
      %swap3A_146 = tpu.vector_load %arg16[%swap3A_145] {strides = array<i32>} : memref<80xi32, #tpu.memory_space<vmem>>, vector<16xi32>,
      tpu.vector_store %arg16[%swap3A_145], %add3A_144 {strides = array<i32>} : memref<80xi32, #tpu.memory_space<vmem>>, vector<16xi32>,
      %mul3A_147 = arith.constant 10000 : i32
      %mul3A_148 = vector.broadcast %mul3A_147 : i32 to vector<16xi32>
      %mul3A_149 = arith.muli %get3A_136, %mul3A_148 : vector<16xi32>
      %add3A_150 = arith.addi %mul3A_149, %get3A_138 : vector<16xi32>
      %swap3A_151 = arith.constant 64 : index
      %swap3A_152 = tpu.vector_load %arg17[%swap3A_151] {strides = array<i32>} : memref<80xi32, #tpu.memory_space<vmem>>, vector<16xi32>,
      tpu.vector_store %arg17[%swap3A_151], %add3A_150 {strides = array<i32>} : memref<80xi32, #tpu.memory_space<vmem>>, vector<16xi32>,
      %swap3A_153 = arith.constant 64 : index
      %swap3A_154 = tpu.vector_load %arg18[%swap3A_153] {strides = array<i32>} : memref<80xi32, #tpu.memory_space<vmem>>, vector<16xi32>,
      tpu.vector_store %arg18[%swap3A_153], %get3A_138 {strides = array<i32>} : memref<80xi32, #tpu.memory_space<vmem>>, vector<16xi32>,
      "tpu.region"() ({
        %run_scoped3A = tpu.sem_alloc : memref<!tpu.dma_semaphore, #tpu.memory_space<semaphore_mem>>
        %dma_start3A = arith.constant 0 : i32
        %dma_start3A_157 = arith.constant 0 : i32
        %dma_start3A_158 = tpu.memref_slice %arg4[%dma_start3A, %dma_start3A_157] : memref<90000x128xf32, #tpu.memory_space<hbm>> -> memref<90000x128xf32, #tpu.memory_space<hbm>>
        tpu.enqueue_indirect_dma source(%dma_start3A_158 : memref<90000x128xf32, #tpu.memory_space<hbm>>) target(%arg15 : memref<80x128xf32, #tpu.memory_space<vmem>>) offsets(%arg16 : memref<80xi32, #tpu.memory_space<vmem>>) semaphore(%run_scoped3A : memref<!tpu.dma_semaphore, #tpu.memory_space<semaphore_mem>>)
        %dma_wait3A = arith.constant 0 : i32
        %dma_wait3A_159 = arith.constant 0 : i32
        %dma_wait3A_160 = tpu.memref_slice %arg4[%dma_wait3A, %dma_wait3A_159] : memref<90000x128xf32, #tpu.memory_space<hbm>> -> memref<90000x128xf32, #tpu.memory_space<hbm>>
        tpu.wait_indirect_dma semaphore(%run_scoped3A : memref<!tpu.dma_semaphore, #tpu.memory_space<semaphore_mem>>) src(%dma_wait3A_160 : memref<90000x128xf32, #tpu.memory_space<hbm>>) dst(%arg15 : memref<80x128xf32, #tpu.memory_space<vmem>>)
        tpu.yield
      }) : () -> ()
      "tpu.region"() ({
        %run_scoped3A = tpu.sem_alloc : memref<!tpu.dma_semaphore, #tpu.memory_space<semaphore_mem>>
        %dma_start3A = arith.constant 0 : i32
        %dma_start3A_157 = tpu.memref_slice %arg8[%dma_start3A] : memref<80000xf32, #tpu.memory_space<vmem_shared>> -> memref<80000xf32, #tpu.memory_space<vmem_shared>>
        tpu.enqueue_indirect_dma source(%dma_start3A_157 : memref<80000xf32, #tpu.memory_space<vmem_shared>>) target(%arg19 : memref<80xf32, #tpu.memory_space<vmem>>) offsets(%arg17 : memref<80xi32, #tpu.memory_space<vmem>>) semaphore(%run_scoped3A : memref<!tpu.dma_semaphore, #tpu.memory_space<semaphore_mem>>)
        %dma_wait3A = arith.constant 0 : i32
        %dma_wait3A_158 = tpu.memref_slice %arg8[%dma_wait3A] : memref<80000xf32, #tpu.memory_space<vmem_shared>> -> memref<80000xf32, #tpu.memory_space<vmem_shared>>
        tpu.wait_indirect_dma semaphore(%run_scoped3A : memref<!tpu.dma_semaphore, #tpu.memory_space<semaphore_mem>>) src(%dma_wait3A_158 : memref<80000xf32, #tpu.memory_space<vmem_shared>>) dst(%arg19 : memref<80xf32, #tpu.memory_space<vmem>>)
        tpu.yield
      }) : () -> ()
      %parallel_loop3A = arith.constant 0 : i32
      %parallel_loop3A_155 = arith.constant 80 : i32
      %parallel_loop3A_156 = arith.constant 1 : i32
      scf.for %parallel_loop3A_157 = %parallel_loop3A to %parallel_loop3A_155 step %parallel_loop3A_156  : i32 {
        %parallel_loop3A_158 = vector.broadcast %parallel_loop3A_157 : i32 to vector<16xi32>
        %parallel_loop3A_159 = tpu.vector_load_idx %arg19[%parallel_loop3A_158] : memref<80xf32, #tpu.memory_space<vmem>>[vector<16xi32>], vector<16xf32>,
        %parallel_loop3A_160 = arith.constant 1.000000e+00 : f32
        %parallel_loop3A_161 = vector.broadcast %parallel_loop3A_160 : f32 to vector<16xf32>
        %parallel_loop3A_162 = arith.maximumf %parallel_loop3A_159, %parallel_loop3A_161 : vector<16xf32>
        %parallel_loop3A_163 = arith.constant 1.000000e+00 : f32
        %parallel_loop3A_164 = vector.broadcast %parallel_loop3A_163 : f32 to vector<16xf32>
        %parallel_loop3A_165 = arith.divf %parallel_loop3A_164, %parallel_loop3A_162 : vector<16xf32>
        %parallel_loop3A_166 = arith.index_cast %parallel_loop3A_157 : i32 to index
        %parallel_loop3A_167 = arith.constant 0 : index
        %parallel_loop3A_168 = tpu.vector_load %arg15[%parallel_loop3A_166, %parallel_loop3A_167] {strides = array<i32>} : memref<80x128xf32, #tpu.memory_space<vmem>>, vector<16xf32>,
        %parallel_loop3A_169 = arith.mulf %parallel_loop3A_168, %parallel_loop3A_165 : vector<16xf32>
        %parallel_loop3A_170 = arith.index_cast %parallel_loop3A_157 : i32 to index
        %parallel_loop3A_171 = arith.constant 0 : index
        %parallel_loop3A_172 = tpu.vector_load %arg15[%parallel_loop3A_170, %parallel_loop3A_171] {strides = array<i32>} : memref<80x128xf32, #tpu.memory_space<vmem>>, vector<16xf32>,
        tpu.vector_store %arg15[%parallel_loop3A_170, %parallel_loop3A_171], %parallel_loop3A_169 {strides = array<i32>} : memref<80x128xf32, #tpu.memory_space<vmem>>, vector<16xf32>,
        %parallel_loop3A_173 = arith.index_cast %parallel_loop3A_157 : i32 to index
        %parallel_loop3A_174 = arith.constant 16 : index
        %parallel_loop3A_175 = tpu.vector_load %arg15[%parallel_loop3A_173, %parallel_loop3A_174] {strides = array<i32>} : memref<80x128xf32, #tpu.memory_space<vmem>>, vector<16xf32>,
        %parallel_loop3A_176 = arith.mulf %parallel_loop3A_175, %parallel_loop3A_165 : vector<16xf32>
        %parallel_loop3A_177 = arith.index_cast %parallel_loop3A_157 : i32 to index
        %parallel_loop3A_178 = arith.constant 16 : index
        %parallel_loop3A_179 = tpu.vector_load %arg15[%parallel_loop3A_177, %parallel_loop3A_178] {strides = array<i32>} : memref<80x128xf32, #tpu.memory_space<vmem>>, vector<16xf32>,
        tpu.vector_store %arg15[%parallel_loop3A_177, %parallel_loop3A_178], %parallel_loop3A_176 {strides = array<i32>} : memref<80x128xf32, #tpu.memory_space<vmem>>, vector<16xf32>,
        %parallel_loop3A_180 = arith.index_cast %parallel_loop3A_157 : i32 to index
        %parallel_loop3A_181 = arith.constant 32 : index
        %parallel_loop3A_182 = tpu.vector_load %arg15[%parallel_loop3A_180, %parallel_loop3A_181] {strides = array<i32>} : memref<80x128xf32, #tpu.memory_space<vmem>>, vector<16xf32>,
        %parallel_loop3A_183 = arith.mulf %parallel_loop3A_182, %parallel_loop3A_165 : vector<16xf32>
        %parallel_loop3A_184 = arith.index_cast %parallel_loop3A_157 : i32 to index
        %parallel_loop3A_185 = arith.constant 32 : index
        %parallel_loop3A_186 = tpu.vector_load %arg15[%parallel_loop3A_184, %parallel_loop3A_185] {strides = array<i32>} : memref<80x128xf32, #tpu.memory_space<vmem>>, vector<16xf32>,
        tpu.vector_store %arg15[%parallel_loop3A_184, %parallel_loop3A_185], %parallel_loop3A_183 {strides = array<i32>} : memref<80x128xf32, #tpu.memory_space<vmem>>, vector<16xf32>,
        %parallel_loop3A_187 = arith.index_cast %parallel_loop3A_157 : i32 to index
        %parallel_loop3A_188 = arith.constant 48 : index
        %parallel_loop3A_189 = tpu.vector_load %arg15[%parallel_loop3A_187, %parallel_loop3A_188] {strides = array<i32>} : memref<80x128xf32, #tpu.memory_space<vmem>>, vector<16xf32>,
        %parallel_loop3A_190 = arith.mulf %parallel_loop3A_189, %parallel_loop3A_165 : vector<16xf32>
        %parallel_loop3A_191 = arith.index_cast %parallel_loop3A_157 : i32 to index
        %parallel_loop3A_192 = arith.constant 48 : index
        %parallel_loop3A_193 = tpu.vector_load %arg15[%parallel_loop3A_191, %parallel_loop3A_192] {strides = array<i32>} : memref<80x128xf32, #tpu.memory_space<vmem>>, vector<16xf32>,
        tpu.vector_store %arg15[%parallel_loop3A_191, %parallel_loop3A_192], %parallel_loop3A_190 {strides = array<i32>} : memref<80x128xf32, #tpu.memory_space<vmem>>, vector<16xf32>,
        %parallel_loop3A_194 = arith.index_cast %parallel_loop3A_157 : i32 to index
        %parallel_loop3A_195 = arith.constant 64 : index
        %parallel_loop3A_196 = tpu.vector_load %arg15[%parallel_loop3A_194, %parallel_loop3A_195] {strides = array<i32>} : memref<80x128xf32, #tpu.memory_space<vmem>>, vector<16xf32>,
        %parallel_loop3A_197 = arith.mulf %parallel_loop3A_196, %parallel_loop3A_165 : vector<16xf32>
        %parallel_loop3A_198 = arith.index_cast %parallel_loop3A_157 : i32 to index
        %parallel_loop3A_199 = arith.constant 64 : index
        %parallel_loop3A_200 = tpu.vector_load %arg15[%parallel_loop3A_198, %parallel_loop3A_199] {strides = array<i32>} : memref<80x128xf32, #tpu.memory_space<vmem>>, vector<16xf32>,
        tpu.vector_store %arg15[%parallel_loop3A_198, %parallel_loop3A_199], %parallel_loop3A_197 {strides = array<i32>} : memref<80x128xf32, #tpu.memory_space<vmem>>, vector<16xf32>,
        %parallel_loop3A_201 = arith.index_cast %parallel_loop3A_157 : i32 to index
        %parallel_loop3A_202 = arith.constant 80 : index
        %parallel_loop3A_203 = tpu.vector_load %arg15[%parallel_loop3A_201, %parallel_loop3A_202] {strides = array<i32>} : memref<80x128xf32, #tpu.memory_space<vmem>>, vector<16xf32>,
        %parallel_loop3A_204 = arith.mulf %parallel_loop3A_203, %parallel_loop3A_165 : vector<16xf32>
        %parallel_loop3A_205 = arith.index_cast %parallel_loop3A_157 : i32 to index
        %parallel_loop3A_206 = arith.constant 80 : index
        %parallel_loop3A_207 = tpu.vector_load %arg15[%parallel_loop3A_205, %parallel_loop3A_206] {strides = array<i32>} : memref<80x128xf32, #tpu.memory_space<vmem>>, vector<16xf32>,
        tpu.vector_store %arg15[%parallel_loop3A_205, %parallel_loop3A_206], %parallel_loop3A_204 {strides = array<i32>} : memref<80x128xf32, #tpu.memory_space<vmem>>, vector<16xf32>,
        %parallel_loop3A_208 = arith.index_cast %parallel_loop3A_157 : i32 to index
        %parallel_loop3A_209 = arith.constant 96 : index
        %parallel_loop3A_210 = tpu.vector_load %arg15[%parallel_loop3A_208, %parallel_loop3A_209] {strides = array<i32>} : memref<80x128xf32, #tpu.memory_space<vmem>>, vector<16xf32>,
        %parallel_loop3A_211 = arith.mulf %parallel_loop3A_210, %parallel_loop3A_165 : vector<16xf32>
        %parallel_loop3A_212 = arith.index_cast %parallel_loop3A_157 : i32 to index
        %parallel_loop3A_213 = arith.constant 96 : index
        %parallel_loop3A_214 = tpu.vector_load %arg15[%parallel_loop3A_212, %parallel_loop3A_213] {strides = array<i32>} : memref<80x128xf32, #tpu.memory_space<vmem>>, vector<16xf32>,
        tpu.vector_store %arg15[%parallel_loop3A_212, %parallel_loop3A_213], %parallel_loop3A_211 {strides = array<i32>} : memref<80x128xf32, #tpu.memory_space<vmem>>, vector<16xf32>,
        %parallel_loop3A_215 = arith.index_cast %parallel_loop3A_157 : i32 to index
        %parallel_loop3A_216 = arith.constant 112 : index
        %parallel_loop3A_217 = tpu.vector_load %arg15[%parallel_loop3A_215, %parallel_loop3A_216] {strides = array<i32>} : memref<80x128xf32, #tpu.memory_space<vmem>>, vector<16xf32>,
        %parallel_loop3A_218 = arith.mulf %parallel_loop3A_217, %parallel_loop3A_165 : vector<16xf32>
        %parallel_loop3A_219 = arith.index_cast %parallel_loop3A_157 : i32 to index
        %parallel_loop3A_220 = arith.constant 112 : index
        %parallel_loop3A_221 = tpu.vector_load %arg15[%parallel_loop3A_219, %parallel_loop3A_220] {strides = array<i32>} : memref<80x128xf32, #tpu.memory_space<vmem>>, vector<16xf32>,
        tpu.vector_store %arg15[%parallel_loop3A_219, %parallel_loop3A_220], %parallel_loop3A_218 {strides = array<i32>} : memref<80x128xf32, #tpu.memory_space<vmem>>, vector<16xf32>,
      } {sc.loop_unroll_factor = 4 : i64, sc.parallel_access}
      "tpu.region"() ({
        %run_scoped3A = tpu.sem_alloc : memref<!tpu.dma_semaphore, #tpu.memory_space<semaphore_mem>>
        %dma_start3A = arith.constant 0 : i32
        %dma_start3A_157 = arith.constant 0 : i32
        %dma_start3A_158 = tpu.memref_slice %arg7[%dma_start3A, %dma_start3A_157] : memref<10000x128xf32, #tpu.memory_space<vmem_shared>> -> memref<10000x128xf32, #tpu.memory_space<vmem_shared>>
        tpu.enqueue_indirect_dma source(%arg15 : memref<80x128xf32, #tpu.memory_space<vmem>>) target(%dma_start3A_158 : memref<10000x128xf32, #tpu.memory_space<vmem_shared>>) offsets(%arg18 : memref<80xi32, #tpu.memory_space<vmem>>) semaphore(%run_scoped3A : memref<!tpu.dma_semaphore, #tpu.memory_space<semaphore_mem>>) {add = true}
        %dma_wait3A = arith.constant 0 : i32
        %dma_wait3A_159 = arith.constant 0 : i32
        %dma_wait3A_160 = tpu.memref_slice %arg7[%dma_wait3A, %dma_wait3A_159] : memref<10000x128xf32, #tpu.memory_space<vmem_shared>> -> memref<10000x128xf32, #tpu.memory_space<vmem_shared>>
        tpu.wait_indirect_dma semaphore(%run_scoped3A : memref<!tpu.dma_semaphore, #tpu.memory_space<semaphore_mem>>) src(%arg15 : memref<80x128xf32, #tpu.memory_space<vmem>>) dst(%dma_wait3A_160 : memref<10000x128xf32, #tpu.memory_space<vmem_shared>>)
        tpu.yield
      }) : () -> ()
    }
    %scan3A_34 = arith.constant 5 : i32
    %barrier3A_35 = arith.constant 0 : index
    tpu.barrier barrier_id(%barrier3A_35)
    %mul3A_36 = arith.constant 624 : i32
    %mul3A_37 = arith.muli %arg1, %mul3A_36 : i32
    %mul3A_38 = arith.constant 10000 : i32
    %mul3A_39 = arith.muli %arg0, %mul3A_38 : i32
    %add3A_40 = arith.addi %mul3A_39, %mul3A_37 : i32
    "tpu.region"() ({
      %run_scoped3A = tpu.sem_alloc : memref<!tpu.dma_semaphore, #tpu.memory_space<semaphore_mem>>
      %dma_start3A = arith.constant 0 : i32
      %dma_start3A_46 = tpu.memref_slice %arg6[%add3A_40, %dma_start3A] : memref<20000x128xf32, #tpu.memory_space<hbm>> -> memref<624x128xf32, #tpu.memory_space<hbm>>
      %dma_start3A_47 = arith.constant 0 : i32
      %dma_start3A_48 = tpu.memref_slice %arg7[%mul3A_37, %dma_start3A_47] : memref<10000x128xf32, #tpu.memory_space<vmem_shared>> -> memref<624x128xf32, #tpu.memory_space<vmem_shared>>
      tpu.enqueue_dma source(%dma_start3A_48 : memref<624x128xf32, #tpu.memory_space<vmem_shared>>) target(%dma_start3A_46 : memref<624x128xf32, #tpu.memory_space<hbm>>) target_semaphore(%run_scoped3A : memref<!tpu.dma_semaphore, #tpu.memory_space<semaphore_mem>>)
      %dma_wait3A = arith.constant 0 : i32
      %dma_wait3A_49 = tpu.memref_slice %arg6[%add3A_40, %dma_wait3A] : memref<20000x128xf32, #tpu.memory_space<hbm>> -> memref<624x128xf32, #tpu.memory_space<hbm>>
      %dma_wait3A_50 = arith.constant 0 : i32
      %dma_wait3A_51 = tpu.memref_slice %arg7[%mul3A_37, %dma_wait3A_50] : memref<10000x128xf32, #tpu.memory_space<vmem_shared>> -> memref<624x128xf32, #tpu.memory_space<vmem_shared>>
      tpu.wait_dma2 semaphore(%run_scoped3A : memref<!tpu.dma_semaphore, #tpu.memory_space<semaphore_mem>>) src(%dma_wait3A_51 : memref<624x128xf32, #tpu.memory_space<vmem_shared>>) dst(%dma_wait3A_49 : memref<624x128xf32, #tpu.memory_space<hbm>>)
      tpu.yield
    }) : () -> ()
    %eq3A_41 = arith.constant 0 : i32
    %eq3A_42 = arith.cmpi eq, %arg1, %eq3A_41 : i32
    %convert_element_type3A_43 = arith.extui %eq3A_42 : i1 to i32
    %cond3A_44 = arith.constant 0 : i32
    %cond3A_45 = arith.cmpi ne, %convert_element_type3A_43, %cond3A_44 : i32
    scf.if %cond3A_45 {
      %mul3A_46 = arith.constant 10000 : i32
      %mul3A_47 = arith.muli %arg0, %mul3A_46 : i32
      %add3A_48 = arith.constant 9984 : i32
      %add3A_49 = arith.addi %mul3A_47, %add3A_48 : i32
      "tpu.region"() ({
        %run_scoped3A = tpu.sem_alloc : memref<!tpu.dma_semaphore, #tpu.memory_space<semaphore_mem>>
        %dma_start3A = arith.constant 0 : i32
        %dma_start3A_50 = tpu.memref_slice %arg6[%add3A_49, %dma_start3A] : memref<20000x128xf32, #tpu.memory_space<hbm>> -> memref<16x128xf32, #tpu.memory_space<hbm>>
        %dma_start3A_51 = arith.constant 9984 : i32
        %dma_start3A_52 = arith.constant 0 : i32
        %dma_start3A_53 = tpu.memref_slice %arg7[%dma_start3A_51, %dma_start3A_52] : memref<10000x128xf32, #tpu.memory_space<vmem_shared>> -> memref<16x128xf32, #tpu.memory_space<vmem_shared>>
        tpu.enqueue_dma source(%dma_start3A_53 : memref<16x128xf32, #tpu.memory_space<vmem_shared>>) target(%dma_start3A_50 : memref<16x128xf32, #tpu.memory_space<hbm>>) target_semaphore(%run_scoped3A : memref<!tpu.dma_semaphore, #tpu.memory_space<semaphore_mem>>)
        %dma_wait3A = arith.constant 0 : i32
        %dma_wait3A_54 = tpu.memref_slice %arg6[%add3A_49, %dma_wait3A] : memref<20000x128xf32, #tpu.memory_space<hbm>> -> memref<16x128xf32, #tpu.memory_space<hbm>>
        %dma_wait3A_55 = arith.constant 9984 : i32
        %dma_wait3A_56 = arith.constant 0 : i32
        %dma_wait3A_57 = tpu.memref_slice %arg7[%dma_wait3A_55, %dma_wait3A_56] : memref<10000x128xf32, #tpu.memory_space<vmem_shared>> -> memref<16x128xf32, #tpu.memory_space<vmem_shared>>
        tpu.wait_dma2 semaphore(%run_scoped3A : memref<!tpu.dma_semaphore, #tpu.memory_space<semaphore_mem>>) src(%dma_wait3A_57 : memref<16x128xf32, #tpu.memory_space<vmem_shared>>) dst(%dma_wait3A_54 : memref<16x128xf32, #tpu.memory_space<hbm>>)
        tpu.yield
      }) : () -> ()
    } else {
    }
    return
  }
}

module attributes {stable_mosaic.version = 14 : i64} {
  func.func @_tc_trans_body(%arg0: i32, %arg1: i32, %arg2: memref<1000x128xf32, #tpu.memory_space<vmem>>, %arg3: memref<1x128x128xf32, #tpu.memory_space<vmem>>, %arg4: memref<1x1000x128xf32, #tpu.memory_space<vmem>>) attributes {dimension_semantics = [#tpu.dimension_semantics<arbitrary>, #tpu.dimension_semantics<arbitrary>], iteration_bounds = array<i64: 9, 10>, scalar_prefetch = 0 : i64, scratch_operands = 0 : i64, tpu.core_type = #tpu.core_type<tc>, window_params = [{transform_indices = @transform_0, window_bounds = array<i64: 1000, 128>}, {transform_indices = @transform_1, window_bounds = array<i64: 1, 128, 128>}, {transform_indices = @transform_2, window_bounds = array<i64: 1, 1000, 128>}]} {
    %get3A = arith.constant 0 : index
    %get3A_0 = arith.constant 0 : index
    %get3A_1 = vector.load %arg2[%get3A, %get3A_0] : memref<1000x128xf32, #tpu.memory_space<vmem>>, vector<1000x128xf32>
    %get3A_2 = arith.constant 0 : index
    %get3A_3 = arith.constant 0 : index
    %get3A_4 = arith.constant 0 : index
    %get3A_5 = vector.load %arg3[%get3A_2, %get3A_3, %get3A_4] : memref<1x128x128xf32, #tpu.memory_space<vmem>>, vector<1x128x128xf32>
    %get3A_6 = vector.shape_cast %get3A_5 : vector<1x128x128xf32> to vector<128x128xf32>
    %dot_general3A = arith.constant dense<0.000000e+00> : vector<1000x128xf32>
    %dot_general3A_7 = tpu.matmul %get3A_1, %get3A_6, %dot_general3A {dimension_numbers = #tpu.dot_dimension_numbers<[1], [0], [0], [1], [0, 0, 1, 1], [], []>, transpose_lhs_hint = false} : vector<1000x128xf32>, vector<128x128xf32>, vector<1000x128xf32> -> vector<1000x128xf32>
    %swap3A = arith.constant 0 : index
    %swap3A_8 = arith.constant 0 : index
    %swap3A_9 = arith.constant 0 : index
    %swap3A_10 = vector.load %arg4[%swap3A, %swap3A_8, %swap3A_9] : memref<1x1000x128xf32, #tpu.memory_space<vmem>>, vector<1x1000x128xf32>
    %swap3A_11 = vector.shape_cast %swap3A_10 : vector<1x1000x128xf32> to vector<1000x128xf32>
    %swap3A_12 = vector.shape_cast %dot_general3A_7 : vector<1000x128xf32> to vector<1x1000x128xf32>
    tpu.vector_store %arg4[%swap3A, %swap3A_8, %swap3A_9], %swap3A_12 {strides = array<i32>} : memref<1x1000x128xf32, #tpu.memory_space<vmem>>, vector<1x1000x128xf32>,
    return
  }
  func.func @transform_0(%arg0: i32, %arg1: i32) -> (i32, i32) {
    %c0_i32 = arith.constant 0 : i32
    %c0_i32_0 = arith.constant 0 : i32
    return %arg1, %c0_i32 : i32, i32
  }
  func.func @transform_1(%arg0: i32, %arg1: i32) -> (i32, i32, i32) {
    %c0_i32 = arith.constant 0 : i32
    %c0_i32_0 = arith.constant 0 : i32
    %c0_i32_1 = arith.constant 0 : i32
    return %arg0, %c0_i32, %c0_i32_0 : i32, i32, i32
  }
  func.func @transform_2(%arg0: i32, %arg1: i32) -> (i32, i32, i32) {
    %c0_i32 = arith.constant 0 : i32
    %c0_i32_0 = arith.constant 0 : i32
    return %arg0, %arg1, %c0_i32 : i32, i32, i32
  }
}

module attributes {stable_mosaic.version = 14 : i64} {
  func.func @_tc_head_body(%arg0: i32, %arg1: memref<1000x128xf32, #tpu.memory_space<vmem>>, %arg2: memref<1000x128xf32, #tpu.memory_space<vmem>>, %arg3: memref<1x1000x128xf32, #tpu.memory_space<vmem>>, %arg4: memref<1x1xf32, #tpu.memory_space<vmem>>, %arg5: memref<128x64xf32, #tpu.memory_space<vmem>>, %arg6: memref<1x64xf32, #tpu.memory_space<vmem>>, %arg7: memref<128x64xf32, #tpu.memory_space<vmem>>, %arg8: memref<1x64xf32, #tpu.memory_space<vmem>>, %arg9: memref<1000x64xf32, #tpu.memory_space<vmem>>, %arg10: memref<1000x64xf32, #tpu.memory_space<vmem>>) attributes {dimension_semantics = [#tpu.dimension_semantics<arbitrary>], iteration_bounds = array<i64: 10>, scalar_prefetch = 0 : i64, scratch_operands = 0 : i64, tpu.core_type = #tpu.core_type<tc>, window_params = [{transform_indices = @transform_0, window_bounds = array<i64: 1000, 128>}, {transform_indices = @transform_1, window_bounds = array<i64: 1000, 128>}, {transform_indices = @transform_2, window_bounds = array<i64: 1, 1000, 128>}, {pipeline_mode = #tpu.pipeline_mode<synchronous>, transform_indices = @transform_3, window_bounds = array<i64: 1, 1>}, {pipeline_mode = #tpu.pipeline_mode<synchronous>, transform_indices = @transform_4, window_bounds = array<i64: 128, 64>}, {pipeline_mode = #tpu.pipeline_mode<synchronous>, transform_indices = @transform_5, window_bounds = array<i64: 1, 64>}, {pipeline_mode = #tpu.pipeline_mode<synchronous>, transform_indices = @transform_6, window_bounds = array<i64: 128, 64>}, {pipeline_mode = #tpu.pipeline_mode<synchronous>, transform_indices = @transform_7, window_bounds = array<i64: 1, 64>}, {transform_indices = @transform_8, window_bounds = array<i64: 1000, 64>}, {transform_indices = @transform_9, window_bounds = array<i64: 1000, 64>}]} {
    %get3A = arith.constant 0 : index
    %get3A_0 = arith.constant 0 : index
    %get3A_1 = vector.load %arg1[%get3A, %get3A_0] : memref<1000x128xf32, #tpu.memory_space<vmem>>, vector<1000x128xf32>
    %get3A_2 = arith.constant 0 : index
    %get3A_3 = arith.constant 0 : index
    %get3A_4 = vector.load %arg2[%get3A_2, %get3A_3] : memref<1000x128xf32, #tpu.memory_space<vmem>>, vector<1000x128xf32>
    %add3A = arith.addf %get3A_1, %get3A_4 : vector<1000x128xf32>
    %get3A_5 = arith.constant 0 : index
    %get3A_6 = arith.constant 0 : index
    %get3A_7 = arith.constant 0 : index
    %get3A_8 = vector.load %arg3[%get3A_5, %get3A_6, %get3A_7] : memref<1x1000x128xf32, #tpu.memory_space<vmem>>, vector<1x1000x128xf32>
    %get3A_9 = vector.shape_cast %get3A_8 : vector<1x1000x128xf32> to vector<1000x128xf32>
    %add3A_10 = arith.addf %add3A, %get3A_9 : vector<1000x128xf32>
    %get3A_11 = arith.constant 0 : index
    %get3A_12 = arith.constant 0 : index
    %get3A_13 = vector.load %arg4[%get3A_11, %get3A_12] : memref<1x1xf32, #tpu.memory_space<vmem>>, vector<1x1xf32>
    %get3A_14 = vector.extract %get3A_13[0, 0] : f32 from vector<1x1xf32>
    %add3A_15 = vector.broadcast %get3A_14 : f32 to vector<1000x128xf32>
    %add3A_16 = arith.addf %add3A_10, %add3A_15 : vector<1000x128xf32>
    %max3A = arith.constant 0.000000e+00 : f32
    %max3A_17 = vector.broadcast %max3A : f32 to vector<1000x128xf32>
    %max3A_18 = arith.maximumf %add3A_16, %max3A_17 : vector<1000x128xf32>
    %get3A_19 = arith.constant 0 : index
    %get3A_20 = arith.constant 0 : index
    %get3A_21 = vector.load %arg5[%get3A_19, %get3A_20] : memref<128x64xf32, #tpu.memory_space<vmem>>, vector<128x64xf32>
    %dot_general3A = arith.constant dense<0.000000e+00> : vector<1000x64xf32>
    %dot_general3A_22 = tpu.matmul %max3A_18, %get3A_21, %dot_general3A {dimension_numbers = #tpu.dot_dimension_numbers<[1], [0], [0], [1], [0, 0, 1, 1], [], []>, transpose_lhs_hint = false} : vector<1000x128xf32>, vector<128x64xf32>, vector<1000x64xf32> -> vector<1000x64xf32>
    %get3A_23 = arith.constant 0 : index
    %get3A_24 = arith.constant 0 : index
    %get3A_25 = vector.load %arg6[%get3A_23, %get3A_24] : memref<1x64xf32, #tpu.memory_space<vmem>>, vector<1x64xf32>
    %add3A_26 = vector.broadcast %get3A_25 : vector<1x64xf32> to vector<1000x64xf32>
    %add3A_27 = arith.addf %dot_general3A_22, %add3A_26 : vector<1000x64xf32>
    %swap3A = arith.constant 0 : index
    %swap3A_28 = arith.constant 0 : index
    %swap3A_29 = vector.load %arg9[%swap3A, %swap3A_28] : memref<1000x64xf32, #tpu.memory_space<vmem>>, vector<1000x64xf32>
    tpu.vector_store %arg9[%swap3A, %swap3A_28], %add3A_27 {strides = array<i32>} : memref<1000x64xf32, #tpu.memory_space<vmem>>, vector<1000x64xf32>,
    %get3A_30 = arith.constant 0 : index
    %get3A_31 = arith.constant 0 : index
    %get3A_32 = vector.load %arg7[%get3A_30, %get3A_31] : memref<128x64xf32, #tpu.memory_space<vmem>>, vector<128x64xf32>
    %dot_general3A_33 = arith.constant dense<0.000000e+00> : vector<1000x64xf32>
    %dot_general3A_34 = tpu.matmul %max3A_18, %get3A_32, %dot_general3A_33 {dimension_numbers = #tpu.dot_dimension_numbers<[1], [0], [0], [1], [0, 0, 1, 1], [], []>, transpose_lhs_hint = false} : vector<1000x128xf32>, vector<128x64xf32>, vector<1000x64xf32> -> vector<1000x64xf32>
    %get3A_35 = arith.constant 0 : index
    %get3A_36 = arith.constant 0 : index
    %get3A_37 = vector.load %arg8[%get3A_35, %get3A_36] : memref<1x64xf32, #tpu.memory_space<vmem>>, vector<1x64xf32>
    %add3A_38 = vector.broadcast %get3A_37 : vector<1x64xf32> to vector<1000x64xf32>
    %add3A_39 = arith.addf %dot_general3A_34, %add3A_38 : vector<1000x64xf32>
    %swap3A_40 = arith.constant 0 : index
    %swap3A_41 = arith.constant 0 : index
    %swap3A_42 = vector.load %arg10[%swap3A_40, %swap3A_41] : memref<1000x64xf32, #tpu.memory_space<vmem>>, vector<1000x64xf32>
    tpu.vector_store %arg10[%swap3A_40, %swap3A_41], %add3A_39 {strides = array<i32>} : memref<1000x64xf32, #tpu.memory_space<vmem>>, vector<1000x64xf32>,
    return
  }
  func.func @transform_0(%arg0: i32) -> (i32, i32) {
    %c0_i32 = arith.constant 0 : i32
    %c0_i32_0 = arith.constant 0 : i32
    return %arg0, %c0_i32 : i32, i32
  }
  func.func @transform_1(%arg0: i32) -> (i32, i32) {
    %add3A = arith.constant 10 : i32
    %add3A_0 = arith.addi %add3A, %arg0 : i32
    %c0_i32 = arith.constant 0 : i32
    %c0_i32_1 = arith.constant 0 : i32
    return %add3A_0, %c0_i32 : i32, i32
  }
  func.func @transform_2(%arg0: i32) -> (i32, i32, i32) {
    %c8_i32 = arith.constant 8 : i32
    %c0_i32 = arith.constant 0 : i32
    %c0_i32_0 = arith.constant 0 : i32
    return %c8_i32, %arg0, %c0_i32 : i32, i32, i32
  }
  func.func @transform_3(%arg0: i32) -> (i32, i32) {
    %c0_i32 = arith.constant 0 : i32
    %c0_i32_0 = arith.constant 0 : i32
    %c0_i32_1 = arith.constant 0 : i32
    return %c0_i32, %c0_i32_0 : i32, i32
  }
  func.func @transform_4(%arg0: i32) -> (i32, i32) {
    %c0_i32 = arith.constant 0 : i32
    %c0_i32_0 = arith.constant 0 : i32
    %c0_i32_1 = arith.constant 0 : i32
    return %c0_i32, %c0_i32_0 : i32, i32
  }
  func.func @transform_5(%arg0: i32) -> (i32, i32) {
    %c0_i32 = arith.constant 0 : i32
    %c0_i32_0 = arith.constant 0 : i32
    %c0_i32_1 = arith.constant 0 : i32
    return %c0_i32, %c0_i32_0 : i32, i32
  }
  func.func @transform_6(%arg0: i32) -> (i32, i32) {
    %c0_i32 = arith.constant 0 : i32
    %c0_i32_0 = arith.constant 0 : i32
    %c0_i32_1 = arith.constant 0 : i32
    return %c0_i32, %c0_i32_0 : i32, i32
  }
  func.func @transform_7(%arg0: i32) -> (i32, i32) {
    %c0_i32 = arith.constant 0 : i32
    %c0_i32_0 = arith.constant 0 : i32
    %c0_i32_1 = arith.constant 0 : i32
    return %c0_i32, %c0_i32_0 : i32, i32
  }
  func.func @transform_8(%arg0: i32) -> (i32, i32) {
    %c0_i32 = arith.constant 0 : i32
    %c0_i32_0 = arith.constant 0 : i32
    return %arg0, %c0_i32 : i32, i32
  }
  func.func @transform_9(%arg0: i32) -> (i32, i32) {
    %c0_i32 = arith.constant 0 : i32
    %c0_i32_0 = arith.constant 0 : i32
    return %arg0, %c0_i32 : i32, i32
  }
}

</mosaic_0001>

<sc_bundles>
// kernel: kernel.6.cloned.1.call-start
scs
__scs_entry_jumppad:
0x0: {  	(pc) =	sbr.rel $0x88, $3  }
0x1: {  	(tag) =	ssettag $0x0;
	lr =	simm.s32 $0x1  }
0x2: {  	[smem:$0x3F97] =	sst lr;
	_ =	strace $0xD0000000  }
0x3: {  	_ = 	snop  }
0x4: {  	_ = 	snop  }
0x5: {  	_ = 	snop  }
0x6: {  	_ = 	snop  }
0x7: {  	_ = 	snop  }
__scs_overlays_trampoline_lowered:
0x8: {  	[smem:$0x3FA6] =	sst s0  }
0x9: {  	[smem:$0x3FA7] =	sst s1  }
0xa: {  	[smem:$0x3FA8] =	sst s2  }
0xb: {  	[smem:$0x3FA9] =	sst s3  }
0xc: {  	[smem:$0x3FAA] =	sst s4  }
0xd: {  	[smem:$0x3FAB] =	sst s5  }
0xe: {  	[smem:$0x3FAC] =	sst s6  }
0xf: {  	[smem:$0x3FAD] =	sst s7  }
0x10: {  	[smem:$0x3FAE] =	sst s8  }
0x11: {  	[smem:$0x3FAF] =	sst s9;
	s0 =	simm.s32 @!p0 $0x0  }
0x12: {  	s1 =	sld [smem:$0x3F95];
	s0 =	simm.s32 @p0 $0x1  }
0x13: {  	[smem:$0x3FB0] =	sst s0;
	s0 =	simm.s32 @!p1 $0x0  }
0x14: {  	s2 =	sld [smem:$0x3F94];
	s0 =	simm.s32 @p1 $0x1  }
0x15: {  	[smem:$0x3FB1] =	sst s0;
	s0 =	simm.s32 @!p2 $0x0  }
0x16: {  	s3 =	sld [smem:$0x3FDB];
	s0 =	simm.s32 @p2 $0x1  }
0x17: {  	s4 =	simm.s32 $0x1BF5;
	[smem:$0x3FB3] =	sst s0  }
0x18: {  	s0 =	sld [smem:$0x3F96];
	_ =	swait.ge [sflag:s4], $0x0  }
0x19: {  	s7 =	sld [smem:$0x3F97]  }
0x1a: {  	s8 =	sadd.s32 $0xFFFFE003, lr  }
0x1b: {  	s9 =	sadd.s32 $0xFFFFFEF7, lr;
	s5 =	simm.s32 $0xFFFFFFFF;
	p2 =	slt.u32 s8, $0xFFFFF086  }
0x1c: {  	p1 =	slt.u32 s9, $0xF7A;
	s5 =	simm.s32 @!p2 $0x0  }
0x1d: {  	s5 =	simm.s32 @p1 $0x1;
	p0 =	seq.s32 s7, s2  }
0x1e: {  	s7 =	smul.u32 @!p0 $0xF7A, s2;
	p2 =	seq.s32 @!p0 s5, $0x0  }
0x1f: {  	s9 =	smul.u32 $0xF7A, s1;
	s8 =	simm.s32 @!p0 $0x1BF5;
	p2 =	por !p2, p0  }
0x20: {  	[sflag:s8] =	ssyncset.s32 @!p0 $0xFFFFF086;
	s6 =	sadd.s32 @!p0 s3, s7;
	s7 =	simm.s32 @!p0 $0x108  }
0x21: {  	s3 =	sadd.s32 s3, s9;
	s6 =	sadd.s32 @!p0 $0x88, s6;
	s7 =	simm.s32 @p2 $0x1082  }
0x22: {  	[simem:s7], [sflag:s8] =	dma.local @!p0 [hbm:s6], $0xF7A  }
0x23: {  	s9 =	sor.u32 $0xD0000000, s2;
	s6 =	simm.s32 $0x108;
	_ =	swait.ge @!p0 [sflag:s8], $0x0  }
0x24: {  	s3 =	sadd.s32 $0x88, s3;
	s6 =	simm.s32 @!p1 $0x1082;
	[sflag:s4] =	ssyncset.s32 $0xFFFFF086  }
0x25: {  	[simem:s6], [sflag:s4] =	dma.local [hbm:s3], $0xF7A  }
0x26: {  	[smem:$0x3F97] =	sst s1;
	(tag) =	ssettag s2;
	_ =	strace s9  }
0x27: {  	s1 =	sld [smem:$0x3FA7]  }
0x28: {  	s2 =	sld [smem:$0x3FA8]  }
0x29: {  	s4 =	sld [smem:$0x3FAA]  }
0x2a: {  	p0 =	seq.s32 s5, $0x0;
	s5 =	sld [smem:$0x3FAB]  }
0x2b: {  	s6 =	sld [smem:$0x3FAC]  }
0x2c: {  	s7 =	sld [smem:$0x3FAD]  }
0x2d: {  	s3 =	simm.s32 $0x108;
	s8 =	sld [smem:$0x3FAE]  }
0x2e: {  	s3 =	simm.s32 @!p0 $0x1082;
	s9 =	sld [smem:$0x3FAF]  }
0x2f: {  	lr =	sadd.s32 s0, s3;
	s0 =	sld [smem:$0x3FA6]  }
0x30: {  	s3 =	sld [smem:$0x3FA9]  }
0x31: {  	[smem:$0x3FB2] =	sst s10  }
0x32: {  	s10 =	sld [smem:$0x3FB0];
	_ =	sdelay $0x3  }
0x33: {  	p0 =	seq.s32 s10, $0x1;
	s10 =	sld [smem:$0x3FB2];
	_ =	sdelay $0x3  }
0x34: {  	[smem:$0x3FB2] =	sst s10  }
0x35: {  	s10 =	sld [smem:$0x3FB1];
	_ =	sdelay $0x3  }
0x36: {  	p1 =	seq.s32 s10, $0x1;
	s10 =	sld [smem:$0x3FB2];
	_ =	sdelay $0x3  }
0x37: {  	[smem:$0x3FB2] =	sst s10  }
0x38: {  	s10 =	sld [smem:$0x3FB3]  }
0x39: {  	_ = 	snop;
	(pc) =	sbr.ind lr, $3  }
0x3a: {  	_ = 	snop  }
0x3b: {  	_ = 	snop  }
0x3c: {  	p2 =	seq.s32 s10, $0x1;
	s10 =	sld [smem:$0x3FB2]  }
0x3d: {  	_ =	shalt  }
0x3e: {  	_ =	shalt  }
0x3f: {  	_ =	shalt  }
0x40: {  	_ =	shalt  }
0x41: {  	_ =	shalt  }
0x42: {  	_ =	shalt  }
0x43: {  	_ =	shalt  }
0x44: {  	_ =	shalt  }
0x45: {  	_ =	shalt  }
0x46: {  	_ =	shalt  }
0x47: {  	_ =	shalt  }
0x48: {  	_ =	shalt  }
0x49: {  	_ =	shalt  }
0x4a: {  	_ =	shalt  }
0x4b: {  	_ =	shalt  }
0x4c: {  	_ =	shalt  }
0x4d: {  	_ =	shalt  }
0x4e: {  	_ =	shalt  }
0x4f: {  	_ =	shalt  }
0x50: {  	_ =	shalt  }
0x51: {  	_ =	shalt  }
0x52: {  	_ =	shalt  }
0x53: {  	_ =	shalt  }
0x54: {  	_ =	shalt  }
0x55: {  	_ =	shalt  }
0x56: {  	_ =	shalt  }
0x57: {  	_ =	shalt  }
0x58: {  	_ =	shalt  }
0x59: {  	_ =	shalt  }
0x5a: {  	_ =	shalt  }
0x5b: {  	_ =	shalt  }
0x5c: {  	_ =	shalt  }
0x5d: {  	_ =	shalt  }
0x5e: {  	_ =	shalt  }
0x5f: {  	_ =	shalt  }
0x60: {  	_ =	shalt  }
0x61: {  	_ =	shalt  }
0x62: {  	_ =	shalt  }
0x63: {  	_ =	shalt  }
0x64: {  	_ =	shalt  }
0x65: {  	_ =	shalt  }
0x66: {  	_ =	shalt  }
0x67: {  	_ =	shalt  }
0x68: {  	_ =	shalt  }
0x69: {  	_ =	shalt  }
0x6a: {  	_ =	shalt  }
0x6b: {  	_ =	shalt  }
0x6c: {  	_ =	shalt  }
0x6d: {  	_ =	shalt  }
0x6e: {  	_ =	shalt  }
0x6f: {  	_ =	shalt  }
0x70: {  	_ =	shalt  }
0x71: {  	_ =	shalt  }
0x72: {  	_ =	shalt  }
0x73: {  	_ =	shalt  }
0x74: {  	_ =	shalt  }
0x75: {  	_ =	shalt  }
0x76: {  	_ =	shalt  }
0x77: {  	_ =	shalt  }
0x78: {  	_ =	shalt  }
0x79: {  	_ =	shalt  }
0x7a: {  	_ =	shalt  }
0x7b: {  	_ =	shalt  }
0x7c: {  	_ =	shalt  }
0x7d: {  	_ =	shalt  }
0x7e: {  	_ =	shalt  }
0x7f: {  	_ =	shalt  }
0x80: {  	_ =	shalt  }
0x81: {  	_ =	shalt  }
0x82: {  	_ =	shalt  }
0x83: {  	_ =	shalt  }
0x84: {  	_ =	shalt  }
0x85: {  	_ =	shalt  }
0x86: {  	_ =	shalt  }
0x87: {  	_ =	shalt  }
.Lfunc_end0:
.L_simem_size_0:
called_computation_lowered:
.L_overlay_start_0:
0x88: {  	s2 =	sld [smem:$0x3FD9]  }
0x89: {  	s3 =	sld [smem:$0x3FFE];
	_ =	sdelay $0x1  }
0x8a: {  	s1 =	srdreg.scid  }
0x8b: {  	s0 =	sand.u32 $0x1, s1  }
0x8c: {  	s15 =	sshll.u32 s0, $0xA;
	s2 =	sadd.s32 s3, s2  }
0x8d: {  	s2 =	sadd.s32 s2, s15  }
0x8e: {  	[smem:$0x3FBE] =	sst s2  }
0x8f: {  	_ = 	snop  }
0x90: {  	s2 =	sld [smem:$0x3FD0];
	_ =	sdelay $0x2  }
0x91: {  	s4 =	simm.s32 $0xA;
	s5 =	simm.s32 $0x10;
	s16 =	sld [smem:$0x3FC8]  }
0x92: {  	[smem:s5], [sflag:s4] =	dma.local [hbm:s2], $0x1  }
0x93: {  	_ =	swait.eq [sflag:s4], $0x1  }
0x94: {  	[sflag:s4] =	ssyncset.done $0x0  }
0x95: {  	s17 =	sld [smem:$0x11];
	[sflag:s4] =	ssyncadd.s32 $0xFFFFFFFF  }
0x96: {  	s18 =	sld [smem:$0x12];
	(tm) =	ssettm $0x1  }
0x97: {  	s19 =	sld [smem:$0x3FFB];
	_ =	sdelay $0x3  }
0x98: {  	_ =	strace s19  }
0x99: {  	s5 =	sld [smem:$0x3FFC];
	_ =	sdelay $0x3  }
0x9a: {  	_ =	strace s5  }
0x9b: {  	s5 =	sld [smem:$0x3FFD];
	_ =	sdelay $0x3  }
0x9c: {  	_ =	strace s5  }
0x9d: {  	_ =	strace $0x8FFFFFFF  }
0x9e: {  	s20 =	sld [smem:$0x3FDB];
	_ =	sdelay $0x1  }
0x9f: {  	s6 =	simm.s32 $_scs_section_size  }
0xa0: {  	s7 =	simm.s32 $_size__tile_overlayer_lowered;
	s8 =	simm.s32 $_tile_overlayer_lowered  }
0xa1: {  	s23 =	simm.s32 $0x1BFF;
	s22 =	sshll.u32 s8, $0x1;
	s5 =	sadd.s32 s6, s20  }
0xa2: {  	s9 =	simm.s32 $0x0;
	s21 =	sshll.u32 s7, $0x1;
	s7 =	sadd.s32 s22, s5  }
0xa3: {  	[timem:s9], [sflag:s23] =	dma.local [hbm:s7], s21  }
0xa4: {  	_ =	swait.ge [sflag:s23], s21  }
0xa5: {  	s6 =	ssub.s32 $0x0, s21;
	[sflag:s23] =	ssyncset.done $0x0  }
0xa6: {  	[sflag:s23] =	ssyncadd.s32 s6;
	_ =	sdelay $0x1  }
0xa7: {  	s24 =	simm.s32 $0x1B8B  }
0xa8: {  	_ =	swait.ge [sflag:s24], $0x1  }
0xa9: {  	[sflag:s24] =	ssyncset.done $0x0  }
0xaa: {  	s25 =	simm.s32 $0x1B8E;
	[sflag:s24] =	ssyncadd.s32 $0xFFFFFFFF  }
0xab: {  	s26 =	simm.s32 $execute0_lowered;
	[smem:$0x3FD2] =	sst s25  }
0xac: {  	s6 =	sshll.u32 s26, $0x1;
	_ =	strace $0x80000046;
	[dreg:$0x1] =	wrdreg $0xFFFFFFFF  }
0xad: {  	s28 =	simm.s32 $_size_execute0_lowered;
	s5 =	sadd.s32 s5, s6;
	[dreg:$0x0] =	wrdreg $0x0  }
0xae: {  	s6 =	sshll.u32 s28, $0x1;
	[dreg:$0x2] =	wrdreg s5  }
0xaf: {  	[dreg:$0x3] =	wrdreg s6  }
0xb0: {  	[dreg:$0x4] =	wrdreg $0xC0  }
0xb1: {  	_ =	task [dreg:s9], $0x5FFFF  }
0xb2: {  	[dreg:$0x1] =	wrdreg $0xFFFFFFFF  }
0xb3: {  	[dreg:$0x0] =	wrdreg $0x60  }
0xb4: {  	[dreg:$0x2] =	wrdreg s16  }
0xb5: {  	[dreg:$0x3] =	wrdreg s18  }
0xb6: {  	[dreg:$0x4] =	wrdreg s17  }
0xb7: {  	[dreg:$0x5] =	wrdreg $0x0  }
0xb8: {  	[dreg:$0x6] =	wrdreg $0x9  }
0xb9: {  	_ =	task.clear_ibuf [dreg:s9], $0x7FFFF;
	_ =	strace $0x90000046  }
0xba: {  	s29 =	simm.s32 $0x9;
	_ =	strace $0x80000048  }
0xbb: {  	_ =	swait.ge [sflag:s29], $0x1  }
0xbc: {  	[sflag:s29] =	ssyncadd.s32 $0xFFFFFFFF  }
0xbd: {  	_ =	strace $0x90000048  }
0xbe: {  	_ =	sfence  }
0xbf: {  	s30 =	sld [smem:$0x0];
	_ =	sdelay $0x2  }
0xc0: {  	s31 =	sshll.u32 s1, $0xD;
	s1 =	sshrl.u32 s1, $0x2  }
0xc1: {  	s3 =	sand.u32 $0x4000, s31;
	s1 =	sadd.s32 s1, s30  }
0xc2: {  	s0 =	sor.u32 s3, s0;
	s1 =	sshll.u32 s1, $0x11  }
0xc3: {  	s0 =	sor.u32 s1, s0  }
0xc4: {  	s0 =	sadd.s32 $0x8F2B, s0  }
0xc5: {  	[sflag:s0] =	ssyncadd.remote.s32 $0x1  }
0xc6: {  	_ =	sfence.sel $0xFFFF  }
0xc7: {  	[dreg:$0x0] =	wrdreg $0xFFFFFFFF;
	(pc) =	sbr.abs _section_cstart, $3  }
0xc8: {  	[dreg:$0x1] =	wrdreg $0xFFFFFFFF  }
0xc9: {  	_ =	task.clear_ibuf [dreg:s9], $0x2FFFF;
	_ =	strace $0x9FFFFFFF  }
0xca: {  	(tm) =	ssettm $0x7FFFFFFF  }
0xcb: {  	_ =	shalt  }
tec
execute0_lowered:
.L_overlay_start_1:
0x0: {  	(tag) =	ssettag $0x1  }
0x1: {  	s1 =	rddreg [dreg:$0x0]  }
0x2: {  	s2 =	rddreg [dreg:$0x1]  }
0x3: {  	s8 =	rddreg [dreg:$0x2]  }
0x4: {  	s4 =	rddreg [dreg:$0x3]  }
0x5: {  	s0 =	rddreg [dreg:$0x4]  }
0x6: {  	s6 =	srdreg.scid;
	s3 =	stileid.u32  }
0x7: {  	s5 =	simm.s32 $0x0;
	s12 =	simm.s32 $0x1388;
	s13 =	simm.s32 $0x1B88  }
0x8: {  	s14 =	simm.s32 $0x80;
	s15 =	simm.s32 $0x3808;
	s16 =	simm.s32 $0x2388  }
0x9: {  	s17 =	simm.s32 $0x50;
	s18 =	simm.s32 $0x3888;
	s19 =	simm.s32 $0x0  }
0xa: {  	s6 =	sand.u32 $0x1, s6;
	s7 =	smul.u32 $0x1388, s3;
	[smem:$0x7FF] =	sst s5  }
0xb: {  	s9 =	ssub.s32 $0x2, s6;
	s10 =	smul.u32 $0x13880, s6;
	s6 =	sshll.u32 s6, $0x4  }
0xc: {  	_ =	strace $0x80000047;
	s11 =	sshrl.u32 s9, $0x1;
	s31 =	sor.u32 s3, s6  }
0xd: {  	s6 =	sadd.s32 s7, s4;
	s9 =	ssub.s32 s9, s11;
	s10 =	sadd.s32 s7, s10  }
0xe: {  	s7 =	smul.u32 $0x2710, s31;
	s11 =	simm.s32 $0x1;
	s10 =	sshrl.u32 s10, $0x3  }
0xf: {  	v0 =	vimm.f32 $0.0e+00;
	v1 =	vimm.f32 $1.000000000e+00;
	s9 =	smax.u32 s9, $0x1;
	s8 =	sadd.s32 s8, s10;
	s10 =	simm.s32 $0x2408  }
.LBB2_1:
0x10: {  	s20 =	simm.s32 $0x40;
	s21 =	simm.s32 $0x0  }
.LBB2_2:
0x11: {  	p0 =	sne.s32 s20, $0x4E00;
	[tilespmem:s21+$0x2408] =	vst v0;
	s21 =	smov.u32 s20;
	s20 =	sadd.s32 $0x40, s20  }
.Ltmp0:
0x12: {  	(pc) =	sbr.rel @p0 .LBB2_2-.Ltmp0, $2  }
0x13: {  	_ =	sdelay $0x2  }
0x14: {  	s21 =	sshra.s32 s21, $0x2  }
0x15: {  	[tilespmem:s21+$0x2408] =	vst v0  }
0x16: {  	[spmem:s6] =	stream.linear.scatter [tilespmem:s10], [sflag:$0x1], $0x1388, $0x38;
	[tilespmem:$0x3908] =	vst v63  }
0x17: {  	_ =	swait.ge [sflag:s11], $0x1388  }
0x18: {  	[sflag:s11] =	ssyncset.done $0x0  }
0x19: {  	[sflag:s11] =	ssyncadd.s32 $0xFFFFEC78  }
0x1a: {  	[tilespmem:$0x2388] =	vst v1  }
0x1b: {  	[tilespmem:$0x2398] =	vst v1  }
0x1c: {  	[tilespmem:$0x23A8] =	vst v1  }
0x1d: {  	[tilespmem:$0x23B8] =	vst v1  }
0x1e: {  	[tilespmem:$0x23C8] =	vst v1  }
0x1f: {  	[tilespmem:$0x23D8] =	vst v1  }
0x20: {  	[tilespmem:$0x23E8] =	vst v1  }
0x21: {  	[tilespmem:$0x23F8] =	vst v1  }
0x22: {  	s20 =	simm.s32 $0x0;
	s21 =	simm.s32 $0x0;
	[bflag:$0x0] =	sbarrier.arrive $0xFFFF  }
.LBB2_4:
0x23: {  	s22 =	smul.u32 $0x7D0, s21;
	_ =	sdelay $0x1  }
0x24: {  	s22 =	sadd.s32 s7, s22  }
0x25: {  	s22 =	sshrl.u32 s22, $0x3  }
0x26: {  	s23 =	sadd.s32 s1, s22  }
0x27: {  	[tilespmem:s12], [sflag:$0x1] =	stream.linear.gather [hbm4b:s23+s20], $0x7D0, $0x38;
	[tilespmem:$0x3908] =	vst v63  }
0x28: {  	_ =	swait.ge [sflag:s11], $0x7D0  }
0x29: {  	s22 =	sadd.s32 s2, s22;
	[sflag:s11] =	ssyncset.done $0x0  }
0x2a: {  	s22 =	sadd.s32 $0x9C40, s22;
	[sflag:s11] =	ssyncadd.s32 $0xFFFFF830  }
0x2b: {  	[tilespmem:s13], [sflag:$0x1] =	stream.linear.gather [hbm4b:s22+s20], $0x7D0, $0x38;
	[tilespmem:$0x3908] =	vst v63  }
0x2c: {  	_ =	swait.ge [sflag:s11], $0x7D0  }
0x2d: {  	[sflag:s11] =	ssyncset.done $0x0  }
0x2e: {  	s31 =	simm.s32 $0x0;
	[sflag:s11] =	ssyncadd.s32 $0xFFFFF830  }
0x2f: {  	v2 =	vld [tilespmem:s31+$0x1388];
	_ =	sdelay $0x1  }
0x30: {  	v3 =	vld [tilespmem:s31+$0x1B88];
	_ =	sdelay $0x2  }
0x31: {  	v2 =	vmul.u32 $0x2710, v2;
	_ =	sdelay $0x1  }
0x32: {  	v2 =	vadd.s32 v3, v2  }
0x33: {  	[tilespmem:$0x3808] =	vst v2  }
0x34: {  	v2 =	vld [tilespmem:s31+$0x1398];
	_ =	sdelay $0x1  }
0x35: {  	v3 =	vld [tilespmem:s31+$0x1B98];
	_ =	sdelay $0x2  }
0x36: {  	v2 =	vmul.u32 $0x2710, v2;
	_ =	sdelay $0x1  }
0x37: {  	v2 =	vadd.s32 v3, v2  }
0x38: {  	[tilespmem:$0x3818] =	vst v2  }
0x39: {  	v2 =	vld [tilespmem:s31+$0x13A8];
	_ =	sdelay $0x1  }
0x3a: {  	v3 =	vld [tilespmem:s31+$0x1BA8];
	_ =	sdelay $0x2  }
0x3b: {  	v2 =	vmul.u32 $0x2710, v2;
	_ =	sdelay $0x1  }
0x3c: {  	v2 =	vadd.s32 v3, v2  }
0x3d: {  	[tilespmem:$0x3828] =	vst v2  }
0x3e: {  	v2 =	vld [tilespmem:s31+$0x13B8];
	_ =	sdelay $0x1  }
0x3f: {  	v3 =	vld [tilespmem:s31+$0x1BB8];
	_ =	sdelay $0x2  }
0x40: {  	v2 =	vmul.u32 $0x2710, v2;
	_ =	sdelay $0x1  }
0x41: {  	v2 =	vadd.s32 v3, v2  }
0x42: {  	[tilespmem:$0x3838] =	vst v2  }
0x43: {  	v2 =	vld [tilespmem:s31+$0x13C8];
	_ =	sdelay $0x1  }
0x44: {  	v3 =	vld [tilespmem:s31+$0x1BC8];
	_ =	sdelay $0x2  }
0x45: {  	v2 =	vmul.u32 $0x2710, v2;
	_ =	sdelay $0x1  }
0x46: {  	v2 =	vadd.s32 v3, v2  }
0x47: {  	[tilespmem:$0x3848] =	vst v2  }
0x48: {  	v2 =	vld [tilespmem:s31+$0x13D8];
	_ =	sdelay $0x1  }
0x49: {  	v3 =	vld [tilespmem:s31+$0x1BD8];
	_ =	sdelay $0x2  }
0x4a: {  	v2 =	vmul.u32 $0x2710, v2;
	_ =	sdelay $0x1  }
0x4b: {  	v2 =	vadd.s32 v3, v2  }
0x4c: {  	[tilespmem:$0x3858] =	vst v2  }
0x4d: {  	v2 =	vld [tilespmem:s31+$0x13E8];
	_ =	sdelay $0x1  }
0x4e: {  	v3 =	vld [tilespmem:s31+$0x1BE8];
	_ =	sdelay $0x2  }
0x4f: {  	v2 =	vmul.u32 $0x2710, v2;
	_ =	sdelay $0x1  }
0x50: {  	v2 =	vadd.s32 v3, v2  }
0x51: {  	[tilespmem:$0x3868] =	vst v2  }
0x52: {  	v2 =	vld [tilespmem:s31+$0x13F8];
	_ =	sdelay $0x1  }
0x53: {  	v3 =	vld [tilespmem:s31+$0x1BF8];
	_ =	sdelay $0x2  }
0x54: {  	v2 =	vmul.u32 $0x2710, v2;
	_ =	sdelay $0x1  }
0x55: {  	v2 =	vadd.s32 v3, v2  }
0x56: {  	[tilespmem:$0x3878] =	vst v2  }
0x57: {  	[spmem:s4] =	stream.indirect.scatter.add.f32 [tilespmem:s16], [sflag:$0x1], $0x1, s15, s14, $0xb8;
	[tilespmem:$0x3908] =	vst v63  }
0x58: {  	_ =	swait.ge [sflag:s11], $0x80  }
0x59: {  	s25 =	simm.s32 $0x400;
	s22 =	simm.s32 $0x200;
	[sflag:s11] =	ssyncset.done $0x0  }
.LBB2_5:
0x5a: {  	s24 =	sshra.s32 s22, $0x2  }
0x5b: {  	[sflag:s11] =	ssyncadd.s32 $0xFFFFFF80;
	s22 =	smov.u32 s25;
	s23 =	sadd.s32 $0x200, s25  }
0x5c: {  	p0 =	sne.s32 s25, $0x1C00;
	v2 =	vld [tilespmem:s24+$0x1388];
	_ =	sdelay $0x1  }
0x5d: {  	v3 =	vld [tilespmem:s24+$0x1B88];
	_ =	sdelay $0x2  }
0x5e: {  	v2 =	vmul.u32 $0x2710, v2;
	_ =	sdelay $0x1  }
0x5f: {  	v2 =	vadd.s32 v3, v2  }
0x60: {  	[tilespmem:$0x3808] =	vst v2  }
0x61: {  	v2 =	vld [tilespmem:s24+$0x1398];
	_ =	sdelay $0x1  }
0x62: {  	v3 =	vld [tilespmem:s24+$0x1B98];
	_ =	sdelay $0x2  }
0x63: {  	v2 =	vmul.u32 $0x2710, v2;
	_ =	sdelay $0x1  }
0x64: {  	v2 =	vadd.s32 v3, v2  }
0x65: {  	[tilespmem:$0x3818] =	vst v2  }
0x66: {  	v2 =	vld [tilespmem:s24+$0x13A8];
	_ =	sdelay $0x1  }
0x67: {  	v3 =	vld [tilespmem:s24+$0x1BA8];
	_ =	sdelay $0x2  }
0x68: {  	v2 =	vmul.u32 $0x2710, v2;
	_ =	sdelay $0x1  }
0x69: {  	v2 =	vadd.s32 v3, v2  }
0x6a: {  	[tilespmem:$0x3828] =	vst v2  }
0x6b: {  	v2 =	vld [tilespmem:s24+$0x13B8];
	_ =	sdelay $0x1  }
0x6c: {  	v3 =	vld [tilespmem:s24+$0x1BB8];
	_ =	sdelay $0x2  }
0x6d: {  	v2 =	vmul.u32 $0x2710, v2;
	_ =	sdelay $0x1  }
0x6e: {  	v2 =	vadd.s32 v3, v2  }
0x6f: {  	[tilespmem:$0x3838] =	vst v2  }
0x70: {  	v2 =	vld [tilespmem:s24+$0x13C8];
	_ =	sdelay $0x1  }
0x71: {  	v3 =	vld [tilespmem:s24+$0x1BC8];
	_ =	sdelay $0x2  }
0x72: {  	v2 =	vmul.u32 $0x2710, v2;
	_ =	sdelay $0x1  }
0x73: {  	v2 =	vadd.s32 v3, v2  }
0x74: {  	[tilespmem:$0x3848] =	vst v2  }
0x75: {  	v2 =	vld [tilespmem:s24+$0x13D8];
	_ =	sdelay $0x1  }
0x76: {  	v3 =	vld [tilespmem:s24+$0x1BD8];
	_ =	sdelay $0x2  }
0x77: {  	v2 =	vmul.u32 $0x2710, v2;
	_ =	sdelay $0x1  }
0x78: {  	v2 =	vadd.s32 v3, v2  }
0x79: {  	[tilespmem:$0x3858] =	vst v2  }
0x7a: {  	v2 =	vld [tilespmem:s24+$0x13E8]  }
0x7b: {  	v3 =	vld [tilespmem:s24+$0x1BE8];
	_ =	sdelay $0x3  }
0x7c: {  	v2 =	vmul.u32 $0x2710, v2;
	_ =	sdelay $0x1  }
0x7d: {  	v2 =	vadd.s32 v3, v2  }
0x7e: {  	[tilespmem:$0x3868] =	vst v2  }
0x7f: {  	v2 =	vld [tilespmem:s24+$0x13F8]  }
0x80: {  	v3 =	vld [tilespmem:s24+$0x1BF8];
	_ =	sdelay $0x3  }
0x81: {  	v2 =	vmul.u32 $0x2710, v2;
	_ =	sdelay $0x1  }
.Ltmp1:
0x82: {  	v2 =	vadd.s32 v3, v2;
	(pc) =	sbr.rel @p0 .LBB2_5-.Ltmp1, $4  }
0x83: {  	[tilespmem:$0x3878] =	vst v2  }
0x84: {  	[spmem:s4] =	stream.indirect.scatter.add.f32 [tilespmem:s16], [sflag:$0x1], $0x1, s15, s14, $0xb8;
	[tilespmem:$0x3908] =	vst v63  }
0x85: {  	_ =	swait.ge [sflag:s11], $0x80  }
0x86: {  	s25 =	smov.u32 s23;
	[sflag:s11] =	ssyncset.done $0x0  }
0x87: {  	s22 =	sshra.s32 s22, $0x2;
	[sflag:s11] =	ssyncadd.s32 $0xFFFFFF80  }
0x88: {  	v2 =	vld [tilespmem:s22+$0x1388];
	_ =	sdelay $0x1  }
0x89: {  	v3 =	vld [tilespmem:s22+$0x1B88];
	_ =	sdelay $0x2  }
0x8a: {  	v2 =	vmul.u32 $0x2710, v2;
	_ =	sdelay $0x1  }
0x8b: {  	v2 =	vadd.s32 v3, v2  }
0x8c: {  	[tilespmem:$0x3808] =	vst v2  }
0x8d: {  	v2 =	vld [tilespmem:s22+$0x1398];
	_ =	sdelay $0x1  }
0x8e: {  	v3 =	vld [tilespmem:s22+$0x1B98];
	_ =	sdelay $0x2  }
0x8f: {  	v2 =	vmul.u32 $0x2710, v2;
	_ =	sdelay $0x1  }
0x90: {  	v2 =	vadd.s32 v3, v2  }
0x91: {  	[tilespmem:$0x3818] =	vst v2  }
0x92: {  	v2 =	vld [tilespmem:s22+$0x13A8];
	_ =	sdelay $0x1  }
0x93: {  	v3 =	vld [tilespmem:s22+$0x1BA8];
	_ =	sdelay $0x2  }
0x94: {  	v2 =	vmul.u32 $0x2710, v2;
	_ =	sdelay $0x1  }
0x95: {  	v2 =	vadd.s32 v3, v2  }
0x96: {  	[tilespmem:$0x3828] =	vst v2  }
0x97: {  	v2 =	vld [tilespmem:s22+$0x13B8];
	_ =	sdelay $0x1  }
0x98: {  	v3 =	vld [tilespmem:s22+$0x1BB8];
	_ =	sdelay $0x2  }
0x99: {  	v2 =	vmul.u32 $0x2710, v2;
	_ =	sdelay $0x1  }
0x9a: {  	v2 =	vadd.s32 v3, v2  }
0x9b: {  	[tilespmem:$0x3838] =	vst v2  }
0x9c: {  	v2 =	vld [tilespmem:s22+$0x13C8];
	_ =	sdelay $0x1  }
0x9d: {  	v3 =	vld [tilespmem:s22+$0x1BC8];
	_ =	sdelay $0x2  }
0x9e: {  	v2 =	vmul.u32 $0x2710, v2;
	_ =	sdelay $0x1  }
0x9f: {  	v2 =	vadd.s32 v3, v2  }
0xa0: {  	[tilespmem:$0x3848] =	vst v2  }
0xa1: {  	v2 =	vld [tilespmem:s22+$0x13D8];
	_ =	sdelay $0x1  }
0xa2: {  	v3 =	vld [tilespmem:s22+$0x1BD8];
	_ =	sdelay $0x2  }
0xa3: {  	v2 =	vmul.u32 $0x2710, v2;
	_ =	sdelay $0x1  }
0xa4: {  	v2 =	vadd.s32 v3, v2  }
0xa5: {  	[tilespmem:$0x3858] =	vst v2  }
0xa6: {  	v2 =	vld [tilespmem:s22+$0x13E8];
	_ =	sdelay $0x1  }
0xa7: {  	v3 =	vld [tilespmem:s22+$0x1BE8];
	_ =	sdelay $0x2  }
0xa8: {  	v2 =	vmul.u32 $0x2710, v2;
	_ =	sdelay $0x1  }
0xa9: {  	v2 =	vadd.s32 v3, v2  }
0xaa: {  	[tilespmem:$0x3868] =	vst v2  }
0xab: {  	v2 =	vld [tilespmem:s22+$0x13F8];
	_ =	sdelay $0x1  }
0xac: {  	v3 =	vld [tilespmem:s22+$0x1BF8];
	_ =	sdelay $0x2  }
0xad: {  	v2 =	vmul.u32 $0x2710, v2;
	_ =	sdelay $0x1  }
0xae: {  	v2 =	vadd.s32 v3, v2  }
0xaf: {  	[tilespmem:$0x3878] =	vst v2  }
0xb0: {  	[spmem:s4] =	stream.indirect.scatter.add.f32 [tilespmem:s16], [sflag:$0x1], $0x1, s15, s14, $0xb8;
	[tilespmem:$0x3908] =	vst v63  }
0xb1: {  	_ =	swait.ge [sflag:s11], $0x80  }
0xb2: {  	[sflag:s11] =	ssyncset.done $0x0  }
0xb3: {  	[sflag:s11] =	ssyncadd.s32 $0xFFFFFF80  }
0xb4: {  	v2 =	vld [tilespmem:$0x1B08]  }
0xb5: {  	v3 =	vld [tilespmem:$0x2308]  }
0xb6: {  	v4 =	vld [tilespmem:$0x1B18]  }
0xb7: {  	v5 =	vld [tilespmem:$0x2318]  }
0xb8: {  	v6 =	vld [tilespmem:$0x1B28]  }
0xb9: {  	v7 =	vld [tilespmem:$0x2328]  }
0xba: {  	v8 =	vld [tilespmem:$0x1B38]  }
0xbb: {  	v9 =	vld [tilespmem:$0x1B48]  }
0xbc: {  	v10 =	vld [tilespmem:$0x2338];
	v2 =	vmul.u32 $0x2710, v2  }
0xbd: {  	v11 =	vld [tilespmem:$0x2348];
	v4 =	vmul.u32 $0x2710, v4  }
0xbe: {  	v2 =	vadd.s32 v3, v2;
	v3 =	vmul.u32 $0x2710, v6  }
0xbf: {  	v63 =	vmul.u32 $0x2710, v8;
	[tilespmem:$0x3888] =	vst v2;
	v2 =	vadd.s32 v5, v4  }
0xc0: {  	[tilespmem:$0x3898] =	vst v2;
	v2 =	vadd.s32 v7, v3;
	v3 =	vmul.u32 $0x2710, v9  }
0xc1: {  	s21 =	sadd.s32 $0x1, s21;
	[tilespmem:$0x38A8] =	vst v2;
	v2 =	vadd.s32 v10, v63  }
0xc2: {  	p0 =	sne.s32 s21, $0x5;
	[tilespmem:$0x38B8] =	vst v2;
	v2 =	vadd.s32 v11, v3  }
.Ltmp2:
0xc3: {  	[tilespmem:$0x38C8] =	vst v2;
	(pc) =	sbr.rel @p0 .LBB2_4-.Ltmp2, $4  }
0xc4: {  	[spmem:s4] =	stream.indirect.scatter.add.f32 [tilespmem:s16], [sflag:$0x1], $0x1, s18, s17, $0xb8;
	[tilespmem:$0x3908] =	vst v63  }
0xc5: {  	_ =	swait.ge [sflag:s11], $0x50  }
0xc6: {  	[sflag:s11] =	ssyncset.done $0x0  }
0xc7: {  	[sflag:s11] =	ssyncadd.s32 $0xFFFFFFB0  }
0xc8: {  	[bflag:$0x0] =	sbarrier.arrive $0xFFFF  }
0xc9: {  	[tilespmem:s10], [sflag:$0x1] =	stream.linear.gather [spmem:s6], $0x1388, $0x38;
	[tilespmem:$0x3908] =	vst v63  }
0xca: {  	s19 =	sadd.s32 $0x1, s19;
	_ =	swait.ge [sflag:s11], $0x1388  }
0xcb: {  	p0 =	sne.s32 s19, s9;
	[sflag:s11] =	ssyncset.done $0x0  }
.Ltmp3:
0xcc: {  	[sflag:s11] =	ssyncadd.s32 $0xFFFFEC78;
	(pc) =	sbr.rel @p0 .LBB2_1-.Ltmp3, $4  }
0xcd: {  	[hbm4b:s8+s5] =	stream.linear.scatter [tilespmem:s10], [sflag:$0x1], $0x1388, $0x38;
	[tilespmem:$0x3908] =	vst v63  }
0xce: {  	_ =	swait.ge [sflag:s11], $0x1388  }
0xcf: {  	[sflag:s11] =	ssyncset.done $0x0  }
0xd0: {  	[sflag:s11] =	ssyncadd.s32 $0xFFFFEC78  }
0xd1: {  	_ =	sfence.sel $0x180000  }
0xd2: {  	[bflag:$0x0] =	sbarrier.arrive $0xFFFF  }
0xd3: {  	p0 =	sne.s32 s3, $0x0;
	_ =	strace $0x90000047  }
0xd4: {  	s0 =	sadd.s32 @!p0 $0x100000, s0;
	[bflag:$0x2] =	sbarrier.arrive $0xFFFF  }
0xd5: {  	[sflag:s0] =	ssyncadd.tile.s32 @!p0 $0x1;
	_ =	shalt  }
.Lfunc_end2:
_tile_overlayer_lowered:
.L_overlay_start_2:
0xd6: {  	(tag) =	ssettag $0x2  }
0xd7: {  	s0 =	rddreg [dreg:$0x0];
	s2 =	stileid.u32  }
0xd8: {  	s1 =	rddreg [dreg:$0x1];
	p0 =	sne.s32 s2, $0x0  }
0xd9: {  	s3 =	rddreg [dreg:$0x2];
	[bflag:$0x3] =	sbarrier.arrive $0xFFFF;
	s2 =	simm.s32 @!p0 $0x1C01  }
0xda: {  	[timem:s3], [sflag:s2] =	dma.local @!p0 [hbm:s0], s1  }
0xdb: {  	s0 =	simm.s32 @!p0 $0x1  }
0xdc: {  	_ =	swait.ge @!p0 [sflag:s0], s1  }
0xdd: {  	s1 =	ssub.s32 @!p0 $0x0, s1;
	[sflag:s0] =	ssyncset.done @!p0 $0x0  }
0xde: {  	[sflag:s0] =	ssyncadd.s32 @!p0 s1  }
0xdf: {  	[bflag:$0x3] =	sbarrier.arrive $0xFFFF  }
0xe0: {  	_ =	shalt  }

// kernel: kernel.9.cloned.1.call-start
scs
__scs_entry_jumppad:
0x0: {  	(pc) =	sbr.rel $0x88, $3  }
0x1: {  	(tag) =	ssettag $0x0;
	lr =	simm.s32 $0x1  }
0x2: {  	[smem:$0x3F97] =	sst lr;
	_ =	strace $0xD0000000  }
0x3: {  	_ = 	snop  }
0x4: {  	_ = 	snop  }
0x5: {  	_ = 	snop  }
0x6: {  	_ = 	snop  }
0x7: {  	_ = 	snop  }
__scs_overlays_trampoline_lowered:
0x8: {  	[smem:$0x3FA6] =	sst s0  }
0x9: {  	[smem:$0x3FA7] =	sst s1  }
0xa: {  	[smem:$0x3FA8] =	sst s2  }
0xb: {  	[smem:$0x3FA9] =	sst s3  }
0xc: {  	[smem:$0x3FAA] =	sst s4  }
0xd: {  	[smem:$0x3FAB] =	sst s5  }
0xe: {  	[smem:$0x3FAC] =	sst s6  }
0xf: {  	[smem:$0x3FAD] =	sst s7  }
0x10: {  	[smem:$0x3FAE] =	sst s8  }
0x11: {  	[smem:$0x3FAF] =	sst s9;
	s0 =	simm.s32 @!p0 $0x0  }
0x12: {  	s1 =	sld [smem:$0x3F95];
	s0 =	simm.s32 @p0 $0x1  }
0x13: {  	[smem:$0x3FB0] =	sst s0;
	s0 =	simm.s32 @!p1 $0x0  }
0x14: {  	s2 =	sld [smem:$0x3F94];
	s0 =	simm.s32 @p1 $0x1  }
0x15: {  	[smem:$0x3FB1] =	sst s0;
	s0 =	simm.s32 @!p2 $0x0  }
0x16: {  	s3 =	sld [smem:$0x3FDB];
	s0 =	simm.s32 @p2 $0x1  }
0x17: {  	s4 =	simm.s32 $0x1BF5;
	[smem:$0x3FB3] =	sst s0  }
0x18: {  	s0 =	sld [smem:$0x3F96];
	_ =	swait.ge [sflag:s4], $0x0  }
0x19: {  	s7 =	sld [smem:$0x3F97]  }
0x1a: {  	s8 =	sadd.s32 $0xFFFFE003, lr  }
0x1b: {  	s9 =	sadd.s32 $0xFFFFFEF7, lr;
	s5 =	simm.s32 $0xFFFFFFFF;
	p2 =	slt.u32 s8, $0xFFFFF086  }
0x1c: {  	p1 =	slt.u32 s9, $0xF7A;
	s5 =	simm.s32 @!p2 $0x0  }
0x1d: {  	s5 =	simm.s32 @p1 $0x1;
	p0 =	seq.s32 s7, s2  }
0x1e: {  	s7 =	smul.u32 @!p0 $0xF7A, s2;
	p2 =	seq.s32 @!p0 s5, $0x0  }
0x1f: {  	s9 =	smul.u32 $0xF7A, s1;
	s8 =	simm.s32 @!p0 $0x1BF5;
	p2 =	por !p2, p0  }
0x20: {  	[sflag:s8] =	ssyncset.s32 @!p0 $0xFFFFF086;
	s6 =	sadd.s32 @!p0 s3, s7;
	s7 =	simm.s32 @!p0 $0x108  }
0x21: {  	s3 =	sadd.s32 s3, s9;
	s6 =	sadd.s32 @!p0 $0x88, s6;
	s7 =	simm.s32 @p2 $0x1082  }
0x22: {  	[simem:s7], [sflag:s8] =	dma.local @!p0 [hbm:s6], $0xF7A  }
0x23: {  	s9 =	sor.u32 $0xD0000000, s2;
	s6 =	simm.s32 $0x108;
	_ =	swait.ge @!p0 [sflag:s8], $0x0  }
0x24: {  	s3 =	sadd.s32 $0x88, s3;
	s6 =	simm.s32 @!p1 $0x1082;
	[sflag:s4] =	ssyncset.s32 $0xFFFFF086  }
0x25: {  	[simem:s6], [sflag:s4] =	dma.local [hbm:s3], $0xF7A  }
0x26: {  	[smem:$0x3F97] =	sst s1;
	(tag) =	ssettag s2;
	_ =	strace s9  }
0x27: {  	s1 =	sld [smem:$0x3FA7]  }
0x28: {  	s2 =	sld [smem:$0x3FA8]  }
0x29: {  	s4 =	sld [smem:$0x3FAA]  }
0x2a: {  	p0 =	seq.s32 s5, $0x0;
	s5 =	sld [smem:$0x3FAB]  }
0x2b: {  	s6 =	sld [smem:$0x3FAC]  }
0x2c: {  	s7 =	sld [smem:$0x3FAD]  }
0x2d: {  	s3 =	simm.s32 $0x108;
	s8 =	sld [smem:$0x3FAE]  }
0x2e: {  	s3 =	simm.s32 @!p0 $0x1082;
	s9 =	sld [smem:$0x3FAF]  }
0x2f: {  	lr =	sadd.s32 s0, s3;
	s0 =	sld [smem:$0x3FA6]  }
0x30: {  	s3 =	sld [smem:$0x3FA9]  }
0x31: {  	[smem:$0x3FB2] =	sst s10  }
0x32: {  	s10 =	sld [smem:$0x3FB0];
	_ =	sdelay $0x3  }
0x33: {  	p0 =	seq.s32 s10, $0x1;
	s10 =	sld [smem:$0x3FB2];
	_ =	sdelay $0x3  }
0x34: {  	[smem:$0x3FB2] =	sst s10  }
0x35: {  	s10 =	sld [smem:$0x3FB1];
	_ =	sdelay $0x3  }
0x36: {  	p1 =	seq.s32 s10, $0x1;
	s10 =	sld [smem:$0x3FB2];
	_ =	sdelay $0x3  }
0x37: {  	[smem:$0x3FB2] =	sst s10  }
0x38: {  	s10 =	sld [smem:$0x3FB3]  }
0x39: {  	_ = 	snop;
	(pc) =	sbr.ind lr, $3  }
0x3a: {  	_ = 	snop  }
0x3b: {  	_ = 	snop  }
0x3c: {  	p2 =	seq.s32 s10, $0x1;
	s10 =	sld [smem:$0x3FB2]  }
0x3d: {  	_ =	shalt  }
0x3e: {  	_ =	shalt  }
0x3f: {  	_ =	shalt  }
0x40: {  	_ =	shalt  }
0x41: {  	_ =	shalt  }
0x42: {  	_ =	shalt  }
0x43: {  	_ =	shalt  }
0x44: {  	_ =	shalt  }
0x45: {  	_ =	shalt  }
0x46: {  	_ =	shalt  }
0x47: {  	_ =	shalt  }
0x48: {  	_ =	shalt  }
0x49: {  	_ =	shalt  }
0x4a: {  	_ =	shalt  }
0x4b: {  	_ =	shalt  }
0x4c: {  	_ =	shalt  }
0x4d: {  	_ =	shalt  }
0x4e: {  	_ =	shalt  }
0x4f: {  	_ =	shalt  }
0x50: {  	_ =	shalt  }
0x51: {  	_ =	shalt  }
0x52: {  	_ =	shalt  }
0x53: {  	_ =	shalt  }
0x54: {  	_ =	shalt  }
0x55: {  	_ =	shalt  }
0x56: {  	_ =	shalt  }
0x57: {  	_ =	shalt  }
0x58: {  	_ =	shalt  }
0x59: {  	_ =	shalt  }
0x5a: {  	_ =	shalt  }
0x5b: {  	_ =	shalt  }
0x5c: {  	_ =	shalt  }
0x5d: {  	_ =	shalt  }
0x5e: {  	_ =	shalt  }
0x5f: {  	_ =	shalt  }
0x60: {  	_ =	shalt  }
0x61: {  	_ =	shalt  }
0x62: {  	_ =	shalt  }
0x63: {  	_ =	shalt  }
0x64: {  	_ =	shalt  }
0x65: {  	_ =	shalt  }
0x66: {  	_ =	shalt  }
0x67: {  	_ =	shalt  }
0x68: {  	_ =	shalt  }
0x69: {  	_ =	shalt  }
0x6a: {  	_ =	shalt  }
0x6b: {  	_ =	shalt  }
0x6c: {  	_ =	shalt  }
0x6d: {  	_ =	shalt  }
0x6e: {  	_ =	shalt  }
0x6f: {  	_ =	shalt  }
0x70: {  	_ =	shalt  }
0x71: {  	_ =	shalt  }
0x72: {  	_ =	shalt  }
0x73: {  	_ =	shalt  }
0x74: {  	_ =	shalt  }
0x75: {  	_ =	shalt  }
0x76: {  	_ =	shalt  }
0x77: {  	_ =	shalt  }
0x78: {  	_ =	shalt  }
0x79: {  	_ =	shalt  }
0x7a: {  	_ =	shalt  }
0x7b: {  	_ =	shalt  }
0x7c: {  	_ =	shalt  }
0x7d: {  	_ =	shalt  }
0x7e: {  	_ =	shalt  }
0x7f: {  	_ =	shalt  }
0x80: {  	_ =	shalt  }
0x81: {  	_ =	shalt  }
0x82: {  	_ =	shalt  }
0x83: {  	_ =	shalt  }
0x84: {  	_ =	shalt  }
0x85: {  	_ =	shalt  }
0x86: {  	_ =	shalt  }
0x87: {  	_ =	shalt  }
.Lfunc_end0:
.L_simem_size_0:
called_computation.1_lowered:
.L_overlay_start_0:
0x88: {  	s2 =	sld [smem:$0x3FD9]  }
0x89: {  	s3 =	sld [smem:$0x3FFE];
	_ =	sdelay $0x1  }
0x8a: {  	s1 =	srdreg.scid  }
0x8b: {  	s0 =	sand.u32 $0x1, s1  }
0x8c: {  	s14 =	sshll.u32 s0, $0xA;
	s2 =	sadd.s32 s3, s2  }
0x8d: {  	s2 =	sadd.s32 s2, s14  }
0x8e: {  	[smem:$0x3FBE] =	sst s2  }
0x8f: {  	_ = 	snop  }
0x90: {  	s2 =	sld [smem:$0x3FD0];
	_ =	sdelay $0x2  }
0x91: {  	s4 =	simm.s32 $0xA;
	s5 =	simm.s32 $0x10;
	s15 =	sld [smem:$0x3FC8]  }
0x92: {  	[smem:s5], [sflag:s4] =	dma.local [hbm:s2], $0x1  }
0x93: {  	_ =	swait.eq [sflag:s4], $0x1  }
0x94: {  	[sflag:s4] =	ssyncset.done $0x0  }
0x95: {  	s16 =	sld [smem:$0x11];
	[sflag:s4] =	ssyncadd.s32 $0xFFFFFFFF  }
0x96: {  	s17 =	sld [smem:$0x12];
	(tm) =	ssettm $0x1  }
0x97: {  	s18 =	sld [smem:$0x3FFB];
	_ =	sdelay $0x3  }
0x98: {  	_ =	strace s18  }
0x99: {  	s5 =	sld [smem:$0x3FFC];
	_ =	sdelay $0x3  }
0x9a: {  	_ =	strace s5  }
0x9b: {  	s5 =	sld [smem:$0x3FFD];
	_ =	sdelay $0x3  }
0x9c: {  	_ =	strace s5  }
0x9d: {  	_ =	strace $0x8FFFFFFF  }
0x9e: {  	s19 =	sld [smem:$0x3FDB];
	_ =	sdelay $0x1  }
0x9f: {  	s6 =	simm.s32 $_scs_section_size  }
0xa0: {  	s7 =	simm.s32 $_size__tile_overlayer_lowered;
	s8 =	simm.s32 $_tile_overlayer_lowered  }
0xa1: {  	s22 =	simm.s32 $0x1BFF;
	s21 =	sshll.u32 s8, $0x1;
	s5 =	sadd.s32 s6, s19  }
0xa2: {  	s9 =	simm.s32 $0x0;
	s20 =	sshll.u32 s7, $0x1;
	s7 =	sadd.s32 s21, s5  }
0xa3: {  	[timem:s9], [sflag:s22] =	dma.local [hbm:s7], s20  }
0xa4: {  	_ =	swait.ge [sflag:s22], s20  }
0xa5: {  	s6 =	ssub.s32 $0x0, s20;
	[sflag:s22] =	ssyncset.done $0x0  }
0xa6: {  	[sflag:s22] =	ssyncadd.s32 s6;
	_ =	sdelay $0x1  }
0xa7: {  	s23 =	simm.s32 $0x1B8B  }
0xa8: {  	_ =	swait.ge [sflag:s23], $0x1  }
0xa9: {  	[sflag:s23] =	ssyncset.done $0x0  }
0xaa: {  	s25 =	simm.s32 $0x1B8E;
	s24 =	sld [smem:$0x3FFE];
	[sflag:s23] =	ssyncadd.s32 $0xFFFFFFFF  }
0xab: {  	s26 =	simm.s32 $execute0_lowered;
	[smem:$0x3FD2] =	sst s25  }
0xac: {  	s7 =	sshll.u32 s26, $0x1;
	_ =	strace $0x80000049;
	[dreg:$0x1] =	wrdreg $0xFFFFFFFF  }
0xad: {  	s28 =	simm.s32 $_size_execute0_lowered;
	s5 =	sadd.s32 s5, s7;
	[dreg:$0x0] =	wrdreg $0x0  }
0xae: {  	s7 =	sshll.u32 s28, $0x1;
	[dreg:$0x2] =	wrdreg s5  }
0xaf: {  	[dreg:$0x3] =	wrdreg s7  }
0xb0: {  	[dreg:$0x4] =	wrdreg $0xC0  }
0xb1: {  	_ =	task [dreg:s9], $0x5FFFF  }
0xb2: {  	[dreg:$0x1] =	wrdreg $0xFFFFFFFF  }
0xb3: {  	[dreg:$0x0] =	wrdreg $0x60  }
0xb4: {  	[dreg:$0x2] =	wrdreg s15  }
0xb5: {  	[dreg:$0x3] =	wrdreg s17  }
0xb6: {  	[dreg:$0x4] =	wrdreg s24  }
0xb7: {  	[dreg:$0x5] =	wrdreg s16  }
0xb8: {  	[dreg:$0x6] =	wrdreg $0x0  }
0xb9: {  	[dreg:$0x7] =	wrdreg $0x138800  }
0xba: {  	[dreg:$0x8] =	wrdreg $0x9  }
0xbb: {  	_ =	task.clear_ibuf [dreg:s9], $0x9FFFF;
	_ =	strace $0x90000049  }
0xbc: {  	s29 =	simm.s32 $0x9;
	_ =	strace $0x8000004B  }
0xbd: {  	_ =	swait.ge [sflag:s29], $0x1  }
0xbe: {  	[sflag:s29] =	ssyncadd.s32 $0xFFFFFFFF  }
0xbf: {  	_ =	strace $0x9000004B  }
0xc0: {  	_ =	sfence  }
0xc1: {  	s30 =	sld [smem:$0x0];
	_ =	sdelay $0x2  }
0xc2: {  	s31 =	sshll.u32 s1, $0xD;
	s1 =	sshrl.u32 s1, $0x2  }
0xc3: {  	s3 =	sand.u32 $0x4000, s31;
	s1 =	sadd.s32 s1, s30  }
0xc4: {  	s0 =	sor.u32 s3, s0;
	s1 =	sshll.u32 s1, $0x11  }
0xc5: {  	s0 =	sor.u32 s1, s0  }
0xc6: {  	s0 =	sadd.s32 $0x8F2B, s0  }
0xc7: {  	[sflag:s0] =	ssyncadd.remote.s32 $0x1  }
0xc8: {  	_ =	sfence.sel $0xFFFF  }
0xc9: {  	[dreg:$0x0] =	wrdreg $0xFFFFFFFF;
	(pc) =	sbr.abs _section_cstart, $3  }
0xca: {  	[dreg:$0x1] =	wrdreg $0xFFFFFFFF  }
0xcb: {  	_ =	task.clear_ibuf [dreg:s9], $0x2FFFF;
	_ =	strace $0x9FFFFFFF  }
0xcc: {  	(tm) =	ssettm $0x7FFFFFFF  }
0xcd: {  	_ =	shalt  }
tec
execute0_lowered:
.L_overlay_start_1:
0x0: {  	(tag) =	ssettag $0x1  }
0x1: {  	s0 =	rddreg [dreg:$0x0]  }
0x2: {  	s2 =	rddreg [dreg:$0x1]  }
0x3: {  	s1 =	rddreg [dreg:$0x2]  }
0x4: {  	s6 =	rddreg [dreg:$0x3]  }
0x5: {  	s3 =	rddreg [dreg:$0x4]  }
0x6: {  	s4 =	rddreg [dreg:$0x5]  }
0x7: {  	s5 =	simm.s32 $0x0;
	s7 =	srdreg.scid;
	s14 =	stileid.u32  }
0x8: {  	s28 =	simm.s32 $0x15C08;
	s29 =	simm.s32 $0x80;
	s30 =	simm.s32 $0x1F608  }
0x9: {  	s31 =	simm.s32 $0x1F688;
	[smem:$0x7FF] =	sst s5;
	s9 =	smul.u32 $0x4E000, s14  }
0xa: {  	s8 =	sand.u32 $0x1, s7;
	s7 =	sadd.s32 $0x2200, s1;
	s12 =	smul.u32 $0x2700, s14  }
0xb: {  	s1 =	sadd.s32 $0x161C00, s1;
	s17 =	smul.u32 $0x1388, s14;
	s16 =	sadd.s32 $0x138000, s3  }
0xc: {  	p0 =	sne.s32 s14, $0x0;
	_ =	strace $0x8000004A;
	s13 =	smul.u32 $0x27100, s8  }
0xd: {  	s10 =	ssub.s32 $0x2, s8;
	s23 =	smul.u32 $0x138800, s8;
	s8 =	sshll.u32 s8, $0x4  }
0xe: {  	[dreg:$0xc] =	wrdreg s16;
	s11 =	sshrl.u32 s10, $0x1;
	s9 =	sshrl.u32 s9, $0x2  }
0xf: {  	s22 =	sshrl.u32 s17, $0x3;
	s8 =	sor.u32 s14, s8;
	s10 =	ssub.s32 s10, s11  }
0x10: {  	s15 =	sadd.s32 s9, s3;
	s11 =	sadd.s32 s6, s22;
	s9 =	sadd.s32 s17, s4  }
0x11: {  	s24 =	sadd.s32 s12, s13;
	s6 =	sshrl.u32 s23, $0x3;
	[dreg:$0xd] =	wrdreg s11  }
0x12: {  	s17 =	smul.u32 $0x2710, s8;
	s22 =	simm.s32 $0x1;
	[dreg:$0xf] =	wrdreg s9  }
0x13: {  	s12 =	simm.s32 $0x1B588;
	s18 =	sadd.s32 $0x4000, s15;
	[dreg:$0x7] =	wrdreg s15  }
0x14: {  	s23 =	simm.s32 $0x1B508;
	s19 =	sadd.s32 $0x8000, s15;
	[dreg:$0x8] =	wrdreg s18  }
0x15: {  	s20 =	sadd.s32 $0xC000, s15;
	s21 =	sadd.s32 $0x10000, s15;
	[dreg:$0x9] =	wrdreg s19  }
0x16: {  	s11 =	sadd.s32 $0x2710, s11;
	s25 =	sadd.s32 s1, s24;
	[dreg:$0xa] =	wrdreg s20  }
0x17: {  	s1 =	sadd.s32 s1, s6;
	s26 =	smax.u32 s10, $0x1;
	[dreg:$0xb] =	wrdreg s21  }
0x18: {  	s24 =	simm.s32 $0x1F708;
	s6 =	simm.s32 $0x50;
	[dreg:$0xe] =	wrdreg s11  }
0x19: {  	s9 =	simm.s32 $0x1B408;
	s10 =	simm.s32 $0x18C08;
	[dreg:$0x10] =	wrdreg s25  }
0x1a: {  	s1 =	sadd.s32 $0x27000, s1;
	[dreg:$0x12] =	wrdreg s26;
	s21 =	simm.s32 $0x1B608  }
0x1b: {  	s18 =	simm.s32 $0x16408;
	s25 =	simm.s32 $0x14C08;
	s26 =	simm.s32 $0x15408  }
0x1c: {  	v0 =	vimm.f32 $0.0e+00;
	s11 =	simm.s32 $0x1B488;
	[dreg:$0x11] =	wrdreg s1;
	s1 =	simm.s32 $0x1F788  }
.LBB2_1:
0x1d: {  	s13 =	simm.s32 $0x0;
	s14 =	simm.s32 $0x200  }
.LBB2_2:
0x1e: {  	p1 =	sne.s32 s14, $0xFE00;
	[tilespmem:s13+$0x1B678] =	vst v0  }
0x1f: {  	[tilespmem:s13+$0x1B608] =	vst v0  }
0x20: {  	[tilespmem:s13+$0x1B618] =	vst v0  }
.Ltmp0:
0x21: {  	[tilespmem:s13+$0x1B628] =	vst v0;
	(pc) =	sbr.rel @p1 .LBB2_2-.Ltmp0, $4  }
0x22: {  	[tilespmem:s13+$0x1B638] =	vst v0  }
0x23: {  	[tilespmem:s13+$0x1B648] =	vst v0  }
0x24: {  	[tilespmem:s13+$0x1B658] =	vst v0  }
0x25: {  	[tilespmem:s13+$0x1B668] =	vst v0;
	s13 =	sshra.s32 s14, $0x2;
	s14 =	sadd.s32 $0x200, s14  }
0x26: {  	[tilespmem:s13+$0x1B678] =	vst v0  }
0x27: {  	[tilespmem:s13+$0x1B608] =	vst v0  }
0x28: {  	[tilespmem:s13+$0x1B618] =	vst v0  }
0x29: {  	[tilespmem:s13+$0x1B628] =	vst v0  }
0x2a: {  	[tilespmem:s13+$0x1B638] =	vst v0  }
0x2b: {  	[tilespmem:s13+$0x1B648] =	vst v0  }
0x2c: {  	[tilespmem:s13+$0x1B658] =	vst v0  }
0x2d: {  	[tilespmem:s13+$0x1B668] =	vst v0  }
0x2e: {  	[spmem:s15] =	stream.linear.scatter [tilespmem:s21], [sflag:$0x1], $0x4000, $0x38;
	[tilespmem:$0x1F808] =	vst v63  }
0x2f: {  	_ =	swait.ge [sflag:s22], $0x4000  }
0x30: {  	[sflag:s22] =	ssyncset.done $0x0  }
0x31: {  	s8 =	rddreg [dreg:$0x8];
	[sflag:s22] =	ssyncadd.s32 $0xFFFFC000  }
0x32: {  	[spmem:s8] =	stream.linear.scatter [tilespmem:s21], [sflag:$0x1], $0x4000, $0x38;
	[tilespmem:$0x1F808] =	vst v63  }
0x33: {  	_ =	swait.ge [sflag:s22], $0x4000  }
0x34: {  	[sflag:s22] =	ssyncset.done $0x0  }
0x35: {  	s13 =	rddreg [dreg:$0x9];
	[sflag:s22] =	ssyncadd.s32 $0xFFFFC000  }
0x36: {  	[spmem:s13] =	stream.linear.scatter [tilespmem:s21], [sflag:$0x1], $0x4000, $0x38;
	[tilespmem:$0x1F808] =	vst v63  }
0x37: {  	_ =	swait.ge [sflag:s22], $0x4000  }
0x38: {  	[sflag:s22] =	ssyncset.done $0x0  }
0x39: {  	s14 =	rddreg [dreg:$0xa];
	[sflag:s22] =	ssyncadd.s32 $0xFFFFC000  }
0x3a: {  	[spmem:s14] =	stream.linear.scatter [tilespmem:s21], [sflag:$0x1], $0x4000, $0x38;
	[tilespmem:$0x1F808] =	vst v63  }
0x3b: {  	_ =	swait.ge [sflag:s22], $0x4000  }
0x3c: {  	[sflag:s22] =	ssyncset.done $0x0  }
0x3d: {  	s15 =	rddreg [dreg:$0xb];
	[sflag:s22] =	ssyncadd.s32 $0xFFFFC000  }
0x3e: {  	[spmem:s15] =	stream.linear.scatter [tilespmem:s21], [sflag:$0x1], $0x3800, $0x38;
	[tilespmem:$0x1F808] =	vst v63  }
0x3f: {  	_ =	swait.ge [sflag:s22], $0x3800  }
0x40: {  	[sflag:s22] =	ssyncset.done $0x0  }
0x41: {  	s8 =	simm.s32 @!p0 $0x1B608;
	[sflag:s22] =	ssyncadd.s32 $0xFFFFC800  }
0x42: {  	[spmem:s16] =	stream.linear.scatter @!p0 [tilespmem:s8], [sflag:$0x1], $0x800, $0x38;
	[tilespmem:$0x1F808] =	vst v63  }
0x43: {  	s8 =	simm.s32 @!p0 $0x1  }
0x44: {  	_ =	swait.ge @!p0 [sflag:s8], $0x800  }
0x45: {  	[sflag:s8] =	ssyncset.done @!p0 $0x0  }
0x46: {  	s16 =	simm.s32 $0x0;
	s19 =	rddreg [dreg:$0xd];
	[sflag:s8] =	ssyncadd.s32 @!p0 $0xFFFFF800  }
0x47: {  	[tilespmem:s18], [sflag:$0x1] =	stream.linear.gather [hbm4b:s19+s16], $0x1388, $0x38;
	[tilespmem:$0x1F808] =	vst v63  }
0x48: {  	_ =	swait.ge [sflag:s22], $0x1388  }
0x49: {  	[sflag:s22] =	ssyncset.done $0x0  }
0x4a: {  	s14 =	simm.s32 $0x17808;
	s20 =	rddreg [dreg:$0xe];
	[sflag:s22] =	ssyncadd.s32 $0xFFFFEC78  }
0x4b: {  	[tilespmem:s14], [sflag:$0x1] =	stream.linear.gather [hbm4b:s20+s16], $0x1388, $0x38;
	[tilespmem:$0x1F808] =	vst v63  }
0x4c: {  	_ =	swait.ge [sflag:s22], $0x1388  }
0x4d: {  	[sflag:s22] =	ssyncset.done $0x0  }
0x4e: {  	s13 =	simm.s32 $0x0;
	[sflag:s22] =	ssyncadd.s32 $0xFFFFEC78  }
0x4f: {  	s14 =	simm.s32 $0x40;
	v1 =	vld [tilespmem:s13+$0x17808]  }
.LBB2_4:
0x50: {  	p1 =	sne.s32 s14, $0x4E00;
	v2 =	vld [tilespmem:s13+$0x16408];
	_ =	sdelay $0x2  }
.Ltmp1:
0x51: {  	(pc) =	sbr.rel @p1 .LBB2_4-.Ltmp1, $4  }
0x52: {  	_ = 	snop  }
0x53: {  	v2 =	vadd.f32 v1, v2  }
0x54: {  	s8 =	sshra.s32 s14, $0x2  }
0x55: {  	s14 =	sadd.s32 $0x40, s14;
	v1 =	vld [tilespmem:s8+$0x17808];
	[tilespmem:s13+$0x16408] =	vst v2;
	s13 =	smov.u32 s8  }
0x56: {  	v2 =	vld [tilespmem:s13+$0x16408];
	_ =	sdelay $0x4  }
0x57: {  	v1 =	vadd.f32 v1, v2;
	_ =	sdelay $0x1  }
0x58: {  	s8 =	rddreg [dreg:$0xf];
	[tilespmem:s13+$0x16408] =	vst v1  }
0x59: {  	[spmem:s8] =	stream.linear.scatter [tilespmem:s18], [sflag:$0x1], $0x1388, $0x38;
	[tilespmem:$0x1F808] =	vst v63  }
0x5a: {  	_ =	swait.ge [sflag:s22], $0x1388  }
0x5b: {  	[sflag:s22] =	ssyncset.done $0x0  }
0x5c: {  	[sflag:s22] =	ssyncadd.s32 $0xFFFFEC78  }
0x5d: {  	s15 =	simm.s32 $0x0;
	s16 =	simm.s32 $0x0;
	[bflag:$0x0] =	sbarrier.arrive $0xFFFF  }
.LBB2_6:
0x5e: {  	s8 =	smul.u32 $0x7D0, s16;
	_ =	sdelay $0x1  }
0x5f: {  	s8 =	sadd.s32 s17, s8  }
0x60: {  	s8 =	sshrl.u32 s8, $0x3  }
0x61: {  	s13 =	sadd.s32 s0, s8  }
0x62: {  	[tilespmem:s25], [sflag:$0x1] =	stream.linear.gather [hbm4b:s13+s15], $0x7D0, $0x38;
	[tilespmem:$0x1F808] =	vst v63  }
0x63: {  	_ =	swait.ge [sflag:s22], $0x7D0  }
0x64: {  	[sflag:s22] =	ssyncset.done $0x0  }
0x65: {  	s8 =	sadd.s32 s2, s8;
	[sflag:s22] =	ssyncadd.s32 $0xFFFFF830  }
0x66: {  	[tilespmem:s26], [sflag:$0x1] =	stream.linear.gather [hbm4b:s8+s15], $0x7D0, $0x38;
	[tilespmem:$0x1F808] =	vst v63  }
0x67: {  	_ =	swait.ge [sflag:s22], $0x7D0  }
0x68: {  	[sflag:s22] =	ssyncset.done $0x0  }
0x69: {  	s8 =	sadd.s32 $0x9C40, s8;
	[sflag:s22] =	ssyncadd.s32 $0xFFFFF830  }
0x6a: {  	[tilespmem:s28], [sflag:$0x1] =	stream.linear.gather [hbm4b:s8+s15], $0x7D0, $0x38;
	[tilespmem:$0x1F808] =	vst v63  }
0x6b: {  	_ =	swait.ge [sflag:s22], $0x7D0  }
0x6c: {  	[sflag:s22] =	ssyncset.done $0x0  }
0x6d: {  	s18 =	simm.s32 $0x0;
	[sflag:s22] =	ssyncadd.s32 $0xFFFFF830  }
.LBB2_7:
0x6e: {  	s13 =	sshll.u32 s18, $0x7  }
0x6f: {  	v1 =	vld [tilespmem:s13+$0x14C08]  }
0x70: {  	v2 =	vld [tilespmem:s13+$0x15408]  }
0x71: {  	v3 =	vld [tilespmem:s13+$0x15C08];
	_ =	sdelay $0x2  }
0x72: {  	v1 =	vmul.u32 $0x2710, v1;
	_ =	sdelay $0x1  }
0x73: {  	[tilespmem:$0x1F708] =	vst v3;
	v2 =	vadd.s32 v1, v2  }
0x74: {  	v1 =	vadd.s32 v3, v1;
	[tilespmem:$0x1F608] =	vst v2  }
0x75: {  	[tilespmem:$0x1F688] =	vst v1  }
0x76: {  	v1 =	vld [tilespmem:s13+$0x14C18]  }
0x77: {  	v2 =	vld [tilespmem:s13+$0x15418]  }
0x78: {  	v3 =	vld [tilespmem:s13+$0x15C18];
	_ =	sdelay $0x2  }
0x79: {  	v1 =	vmul.u32 $0x2710, v1;
	_ =	sdelay $0x1  }
0x7a: {  	[tilespmem:$0x1F718] =	vst v3;
	v2 =	vadd.s32 v1, v2  }
0x7b: {  	v1 =	vadd.s32 v3, v1;
	[tilespmem:$0x1F618] =	vst v2  }
0x7c: {  	[tilespmem:$0x1F698] =	vst v1  }
0x7d: {  	v1 =	vld [tilespmem:s13+$0x14C28]  }
0x7e: {  	v2 =	vld [tilespmem:s13+$0x15428]  }
0x7f: {  	v3 =	vld [tilespmem:s13+$0x15C28];
	_ =	sdelay $0x2  }
0x80: {  	v1 =	vmul.u32 $0x2710, v1;
	_ =	sdelay $0x1  }
0x81: {  	[tilespmem:$0x1F728] =	vst v3;
	v2 =	vadd.s32 v1, v2  }
0x82: {  	v1 =	vadd.s32 v3, v1;
	[tilespmem:$0x1F628] =	vst v2  }
0x83: {  	[tilespmem:$0x1F6A8] =	vst v1  }
0x84: {  	v1 =	vld [tilespmem:s13+$0x14C38]  }
0x85: {  	v2 =	vld [tilespmem:s13+$0x15438]  }
0x86: {  	v3 =	vld [tilespmem:s13+$0x15C38];
	_ =	sdelay $0x2  }
0x87: {  	v1 =	vmul.u32 $0x2710, v1;
	_ =	sdelay $0x1  }
0x88: {  	[tilespmem:$0x1F738] =	vst v3;
	v2 =	vadd.s32 v1, v2  }
0x89: {  	v1 =	vadd.s32 v3, v1;
	[tilespmem:$0x1F638] =	vst v2  }
0x8a: {  	[tilespmem:$0x1F6B8] =	vst v1  }
0x8b: {  	v1 =	vld [tilespmem:s13+$0x14C48]  }
0x8c: {  	v2 =	vld [tilespmem:s13+$0x15448]  }
0x8d: {  	v3 =	vld [tilespmem:s13+$0x15C48];
	_ =	sdelay $0x2  }
0x8e: {  	v1 =	vmul.u32 $0x2710, v1;
	_ =	sdelay $0x1  }
0x8f: {  	[tilespmem:$0x1F748] =	vst v3;
	v2 =	vadd.s32 v1, v2  }
0x90: {  	v1 =	vadd.s32 v3, v1;
	[tilespmem:$0x1F648] =	vst v2  }
0x91: {  	[tilespmem:$0x1F6C8] =	vst v1  }
0x92: {  	v1 =	vld [tilespmem:s13+$0x14C58]  }
0x93: {  	v2 =	vld [tilespmem:s13+$0x15458]  }
0x94: {  	v3 =	vld [tilespmem:s13+$0x15C58];
	_ =	sdelay $0x2  }
0x95: {  	v1 =	vmul.u32 $0x2710, v1;
	_ =	sdelay $0x1  }
0x96: {  	[tilespmem:$0x1F758] =	vst v3;
	v2 =	vadd.s32 v1, v2  }
0x97: {  	v1 =	vadd.s32 v3, v1;
	[tilespmem:$0x1F658] =	vst v2  }
0x98: {  	[tilespmem:$0x1F6D8] =	vst v1  }
0x99: {  	v1 =	vld [tilespmem:s13+$0x14C68]  }
0x9a: {  	v2 =	vld [tilespmem:s13+$0x15468]  }
0x9b: {  	v3 =	vld [tilespmem:s13+$0x15C68];
	_ =	sdelay $0x2  }
0x9c: {  	v1 =	vmul.u32 $0x2710, v1;
	_ =	sdelay $0x1  }
0x9d: {  	[tilespmem:$0x1F768] =	vst v3;
	v2 =	vadd.s32 v1, v2  }
0x9e: {  	v1 =	vadd.s32 v3, v1;
	[tilespmem:$0x1F668] =	vst v2  }
0x9f: {  	[tilespmem:$0x1F6E8] =	vst v1  }
0xa0: {  	v1 =	vld [tilespmem:s13+$0x14C78]  }
0xa1: {  	v2 =	vld [tilespmem:s13+$0x15478]  }
0xa2: {  	v3 =	vld [tilespmem:s13+$0x15C78];
	_ =	sdelay $0x2  }
0xa3: {  	v1 =	vmul.u32 $0x2710, v1;
	_ =	sdelay $0x1  }
0xa4: {  	[tilespmem:$0x1F778] =	vst v3;
	v2 =	vadd.s32 v1, v2  }
0xa5: {  	v1 =	vadd.s32 v3, v1;
	[tilespmem:$0x1F678] =	vst v2  }
0xa6: {  	s8 =	simm.s32 $0x2;
	s14 =	simm.s32 $0x0;
	[tilespmem:$0x1F6F8] =	vst v1  }
0xa7: {  	v1 =	vmov s8;
	[tilespmem:s21], [sflag:$0x1] =	stream.indirect.gather [hbm4b:s7+s29], $0x80, s30, s29, $0xb8;
	[tilespmem:$0x1F808] =	vst v63  }
0xa8: {  	v2 =	vmov s14;
	v1 =	vand.u32 $0xFFFFFFFE, v1;
	_ =	swait.ge [sflag:s22], $0x4000  }
0xa9: {  	v2 =	vand.u32 $0xFFFFFFFC, v2;
	v1 =	vbroadcast v1, $0x0;
	[sflag:s22] =	ssyncset.done $0x0  }
0xaa: {  	v2 =	vbroadcast v2, $0x0;
	[sflag:s22] =	ssyncadd.s32 $0xFFFFC000  }
0xab: {  	[tilespmem:s1], [sflag:$0x1] =	stream.indirect.gather [spmem:s4], $0x1, s31, s29, $0xb8;
	[tilespmem:$0x1F808] =	vst v63  }
0xac: {  	_ =	swait.ge [sflag:s22], $0x80  }
0xad: {  	[sflag:s22] =	ssyncset.done $0x0  }
0xae: {  	[sflag:s22] =	ssyncadd.s32 $0xFFFFFF80  }
0xaf: {  	s19 =	simm.s32 $0x1;
	v1 =	vld.idx.msk [tilespmem:v1+s1+$0x0], $0xffff  }
0xb0: {  	v3 =	vmov s19;
	v2 =	vld.idx.msk [tilespmem:v2+s1+$0x0], $0xffff  }
0xb1: {  	v3 =	vand.u32 $0xFFFFFFFD, v3  }
0xb2: {  	v3 =	vbroadcast v3, $0x0  }
0xb3: {  	s20 =	simm.s32 $0x3  }
0xb4: {  	v4 =	vmov s20;
	v1 =	vmax.f32 v1, $1.000000000e+00  }
0xb5: {  	v2 =	vmax.f32 v2, $1.000000000e+00;
	(erf) = vrcp.f32 v1  }
0xb6: {  	s19 =	simm.s32 $0x1B708;
	(erf) = vrcp.f32 v2  }
0xb7: {  	v5 =	vld [tilespmem:s19+$0xFFFFFF00]  }
0xb8: {  	s14 =	simm.s32 $0x4;
	v1 =	vld.idx.msk [tilespmem:v3+s1+$0x0], $0xffff  }
0xb9: {  	v3 =	vld.idx.msk [tilespmem:v4+s1+$0x0], $0xffff;
	v2 =	vmov s14  }
0xba: {  	v4 =	vld [tilespmem:s19+$0x70];
	v2 =	vand.u32 $0xFFFFFFFC, v2  }
0xbb: {  	v7 =	vld [tilespmem:s19+$0xFFFFFF10];
	v6 =	vbroadcast v2, $0x0  }
0xbc: {  	v8 =	vld [tilespmem:s19+$0xFFFFFF20]  }
0xbd: {  	v9 =	vld [tilespmem:s19+$0xFFFFFF30]  }
0xbe: {  	v12 =	vld [tilespmem:s19+$0xFFFFFF50];
	v1 =	vmax.f32 v1, $1.000000000e+00;
	v2 =	vpop (erf)  }
0xbf: {  	v10 =	vld [tilespmem:s19+$0xFFFFFF40];
	(erf) = vrcp.f32 v1;
	v11 =	vpop (erf);
	v4 =	vmul.f32 v4, v2  }
0xc0: {  	v5 =	vmul.f32 v11, v5  }
0xc1: {  	v1 =	vld.idx.msk [tilespmem:v6+s1+$0x0], $0xffff;
	v6 =	vmul.f32 v7, v11;
	[tilespmem:s19+$0x70] =	vst v4  }
0xc2: {  	v13 =	vld [tilespmem:s19+$0xFFFFFF60];
	v4 =	vmul.f32 v8, v11;
	[tilespmem:s19+$0xFFFFFF00] =	vst v5  }
0xc3: {  	v7 =	vmul.f32 v12, v11;
	v5 =	vld [tilespmem:s19+$0xFFFFFF70];
	[tilespmem:s19+$0xFFFFFF10] =	vst v6  }
0xc4: {  	v6 =	vmul.f32 v9, v11;
	v9 =	vld [tilespmem:s19+$0xFFFFFF80];
	[tilespmem:s19+$0xFFFFFF20] =	vst v4;
	v4 =	vmul.f32 v10, v11  }
0xc5: {  	v10 =	vld [tilespmem:s19+$0xFFFFFF90]  }
0xc6: {  	v8 =	vld [tilespmem:s19+$0xFFFFFFA0];
	[tilespmem:s19+$0xFFFFFF50] =	vst v7  }
0xc7: {  	v62 =	vmul.f32 v13, v11;
	[tilespmem:s19+$0xFFFFFF30] =	vst v6;
	v6 =	vld [tilespmem:s19+$0xFFFFFFB0]  }
0xc8: {  	[tilespmem:s19+$0xFFFFFF40] =	vst v4;
	v63 =	vmul.f32 v5, v11;
	v5 =	vld [tilespmem:s19+$0xFFFFFFC0];
	v4 =	vpop (erf)  }
0xc9: {  	[tilespmem:s19+$0xFFFFFF60] =	vst v62;
	v7 =	vld [tilespmem:s19+$0xFFFFFFD0];
	v11 =	vmul.f32 v4, v9  }
0xca: {  	s20 =	simm.s32 $0x1B708;
	s13 =	simm.s32 $0x8;
	s8 =	simm.s32 $0x6;
	v10 =	vmul.f32 v10, v4;
	v9 =	vld [tilespmem:s19+$0xFFFFFFE0];
	[tilespmem:s19+$0xFFFFFF70] =	vst v63  }
.LBB2_8:
0xcb: {  	p1 =	slt.u32 s13, $0x7C;
	v12 =	vmov s8;
	[tilespmem:s19+$0xFFFFFF80] =	vst v11;
	v8 =	vmul.f32 v8, v4;
	v11 =	vld [tilespmem:s19+$0xFFFFFFF0]  }
0xcc: {  	v12 =	vand.u32 $0xFFFFFFFE, v12;
	[tilespmem:s19+$0xFFFFFF90] =	vst v10;
	v6 =	vmul.f32 v6, v4;
	v10 =	vld [tilespmem:s19+$0x0]  }
0xcd: {  	v12 =	vbroadcast v12, $0x0;
	[tilespmem:s19+$0xFFFFFFA0] =	vst v8;
	v5 =	vmul.f32 v5, v4;
	v8 =	vld [tilespmem:s19+$0x10]  }
0xce: {  	v3 =	vmax.f32 v3, $1.000000000e+00;
	[tilespmem:s19+$0xFFFFFFB0] =	vst v6;
	v6 =	vmul.f32 v7, v4;
	v7 =	vld [tilespmem:s19+$0x20]  }
0xcf: {  	[tilespmem:s19+$0xFFFFFFC0] =	vst v5;
	v5 =	vmul.f32 v9, v4;
	v9 =	vld [tilespmem:s19+$0x30];
	(erf) = vrcp.f32 v3  }
0xd0: {  	[tilespmem:s19+$0xFFFFFFD0] =	vst v6;
	v3 =	vmul.f32 v11, v4;
	v4 =	vld [tilespmem:s19+$0x40]  }
0xd1: {  	[tilespmem:s19+$0xFFFFFFE0] =	vst v5;
	v5 =	vmul.f32 v2, v10;
	v6 =	vld [tilespmem:s19+$0x50]  }
0xd2: {  	[tilespmem:s19+$0xFFFFFFF0] =	vst v3;
	v3 =	vmul.f32 v8, v2;
	v8 =	vld [tilespmem:s19+$0x60]  }
0xd3: {  	s8 =	sadd.s32 $0x1, s14;
	v10 =	vld.idx.msk [tilespmem:v12+s1+$0x0], $0xffff;
	[tilespmem:s19+$0x0] =	vst v5;
	v5 =	vmul.f32 v7, v2  }
0xd4: {  	v7 =	vmov s8;
	[tilespmem:s19+$0x10] =	vst v3;
	v3 =	vmul.f32 v9, v2;
	v9 =	vld [tilespmem:s19+$0x80]  }
0xd5: {  	v7 =	vand.u32 $0xFFFFFFFD, v7;
	[tilespmem:s19+$0x20] =	vst v5;
	v4 =	vmul.f32 v4, v2;
	v5 =	vld [tilespmem:s19+$0x90]  }
0xd6: {  	v11 =	vmov s13;
	v7 =	vbroadcast v7, $0x0;
	[tilespmem:s19+$0x30] =	vst v3;
	v3 =	vmul.f32 v6, v2;
	v6 =	vld [tilespmem:s19+$0xA0]  }
0xd7: {  	v11 =	vand.u32 $0xFFFFFFFC, v11;
	s8 =	sadd.s32 $0x3, s14;
	s14 =	smov.u32 s13;
	[tilespmem:s19+$0x40] =	vst v4;
	v2 =	vmul.f32 v8, v2;
	v4 =	vld [tilespmem:s19+$0xB0]  }
0xd8: {  	v8 =	vbroadcast v11, $0x0;
	v11 =	vmov s8;
	[tilespmem:s19+$0x50] =	vst v3;
	v12 =	vld [tilespmem:s19+$0xC0];
	v13 =	vpop (erf)  }
0xd9: {  	v3 =	vmax.f32 v10, $1.000000000e+00;
	[tilespmem:s19+$0x60] =	vst v2;
	v2 =	vmul.f32 v13, v9;
	v9 =	vld [tilespmem:s19+$0xD0]  }
0xda: {  	v1 =	vmax.f32 v1, $1.000000000e+00;
	(erf) = vrcp.f32 v3;
	v3 =	vmul.f32 v5, v13;
	v5 =	vld [tilespmem:s19+$0xE0]  }
0xdb: {  	(erf) = vrcp.f32 v1;
	[tilespmem:s19+$0x80] =	vst v2;
	v1 =	vmul.f32 v6, v13;
	v2 =	vld [tilespmem:s19+$0xF0]  }
0xdc: {  	v6 =	vld.idx.msk [tilespmem:v7+s1+$0x0], $0xffff;
	[tilespmem:s19+$0x90] =	vst v3;
	v4 =	vmul.f32 v4, v13  }
0xdd: {  	v3 =	vld.idx.msk [tilespmem:v11+s1+$0x0], $0xffff;
	[tilespmem:s19+$0xA0] =	vst v1;
	v7 =	vmul.f32 v12, v13  }
0xde: {  	s19 =	sadd.s32 $0x200, s19;
	v1 =	vld.idx.msk [tilespmem:v8+s1+$0x0], $0xffff;
	[tilespmem:s20+$0xB0] =	vst v4;
	v4 =	vmul.f32 v9, v13  }
0xdf: {  	v8 =	vld [tilespmem:s19+$0x70];
	[tilespmem:s20+$0xC0] =	vst v7;
	v5 =	vmul.f32 v5, v13  }
0xe0: {  	v7 =	vld [tilespmem:s19+$0xFFFFFF00];
	[tilespmem:s20+$0xD0] =	vst v4;
	v10 =	vmul.f32 v2, v13  }
0xe1: {  	v4 =	vld [tilespmem:s19+$0xFFFFFF10];
	[tilespmem:s20+$0xE0] =	vst v5  }
0xe2: {  	v6 =	vmax.f32 v6, $1.000000000e+00;
	v5 =	vld [tilespmem:s19+$0xFFFFFF20];
	[tilespmem:s20+$0xF0] =	vst v10;
	s20 =	smov.u32 s19  }
0xe3: {  	v9 =	vld [tilespmem:s19+$0xFFFFFF30];
	(erf) = vrcp.f32 v6;
	v2 =	vpop (erf)  }
0xe4: {  	v6 =	vld [tilespmem:s19+$0xFFFFFF40];
	v8 =	vmul.f32 v8, v2;
	v10 =	vpop (erf)  }
0xe5: {  	v7 =	vmul.f32 v10, v7;
	v11 =	vld [tilespmem:s19+$0xFFFFFF50]  }
0xe6: {  	v4 =	vmul.f32 v4, v10;
	v12 =	vld [tilespmem:s19+$0xFFFFFF60];
	[tilespmem:s19+$0x70] =	vst v8  }
0xe7: {  	[tilespmem:s19+$0xFFFFFF00] =	vst v7;
	v5 =	vmul.f32 v5, v10;
	v7 =	vld [tilespmem:s19+$0xFFFFFF70]  }
0xe8: {  	[tilespmem:s19+$0xFFFFFF10] =	vst v4;
	v4 =	vmul.f32 v9, v10;
	v9 =	vld [tilespmem:s19+$0xFFFFFF80]  }
0xe9: {  	[tilespmem:s19+$0xFFFFFF20] =	vst v5;
	v5 =	vmul.f32 v6, v10;
	v13 =	vld [tilespmem:s19+$0xFFFFFF90]  }
.Ltmp2:
0xea: {  	[tilespmem:s19+$0xFFFFFF30] =	vst v4;
	v14 =	vmul.f32 v11, v10;
	v8 =	vld [tilespmem:s19+$0xFFFFFFA0];
	(pc) =	sbr.rel @p1 .LBB2_8-.Ltmp2, $4  }
0xeb: {  	[tilespmem:s19+$0xFFFFFF40] =	vst v5;
	v11 =	vmul.f32 v12, v10;
	v6 =	vld [tilespmem:s19+$0xFFFFFFB0]  }
0xec: {  	[tilespmem:s19+$0xFFFFFF50] =	vst v14;
	v10 =	vmul.f32 v7, v10;
	v5 =	vld [tilespmem:s19+$0xFFFFFFC0];
	v4 =	vpop (erf)  }
0xed: {  	[tilespmem:s19+$0xFFFFFF60] =	vst v11;
	v11 =	vmul.f32 v4, v9;
	v7 =	vld [tilespmem:s19+$0xFFFFFFD0]  }
0xee: {  	s13 =	sadd.s32 $0x4, s13;
	s8 =	sadd.s32 $0x2, s14;
	[tilespmem:s19+$0xFFFFFF70] =	vst v10;
	v10 =	vmul.f32 v13, v4;
	v9 =	vld [tilespmem:s19+$0xFFFFFFE0]  }
0xef: {  	v60 =	vmov s8;
	v12 =	vld [tilespmem:s19+$0xFFFFFFF0]  }
0xf0: {  	[tilespmem:s19+$0xFFFFFF80] =	vst v11;
	v13 =	vld [tilespmem:s19+$0x0];
	v11 =	vand.u32 $0xFFFFFFFE, v60  }
0xf1: {  	v14 =	vld [tilespmem:s19+$0x10];
	v3 =	vmax.f32 v3, $1.000000000e+00;
	v11 =	vbroadcast v11, $0x0  }
0xf2: {  	v15 =	vld [tilespmem:s19+$0x20];
	v8 =	vmul.f32 v8, v4;
	(erf) = vrcp.f32 v3  }
0xf3: {  	v16 =	vld [tilespmem:s19+$0x30];
	[tilespmem:s19+$0xFFFFFF90] =	vst v10;
	v3 =	vmul.f32 v6, v4  }
0xf4: {  	v61 =	vld [tilespmem:s19+$0x40];
	[tilespmem:s19+$0xFFFFFFA0] =	vst v8;
	v5 =	vmul.f32 v5, v4  }
0xf5: {  	v62 =	vld [tilespmem:s19+$0x50];
	[tilespmem:s19+$0xFFFFFFB0] =	vst v3;
	v3 =	vmul.f32 v7, v4  }
0xf6: {  	v22 =	vld [tilespmem:s19+$0x80];
	[tilespmem:s19+$0xFFFFFFC0] =	vst v5;
	v20 =	vmul.f32 v9, v4  }
0xf7: {  	s13 =	sadd.s32 $0x1, s14;
	[tilespmem:s19+$0xFFFFFFD0] =	vst v3;
	v3 =	vmul.f32 v12, v4;
	v21 =	vld.idx.msk [tilespmem:v11+s1+$0x0], $0xffff  }
0xf8: {  	v63 =	vld [tilespmem:s19+$0x60];
	v24 =	vmov s13;
	v23 =	vmul.f32 v2, v13;
	[tilespmem:s19+$0xFFFFFFE0] =	vst v20  }
0xf9: {  	v25 =	vld [tilespmem:s19+$0x90];
	v10 =	vand.u32 $0xFFFFFFFD, v24;
	[tilespmem:s19+$0xFFFFFFF0] =	vst v3;
	v3 =	vmul.f32 v14, v2  }
0xfa: {  	v26 =	vld [tilespmem:s19+$0xA0];
	v10 =	vbroadcast v10, $0x0;
	v27 =	vmul.f32 v15, v2;
	[tilespmem:s19+$0x0] =	vst v23  }
0xfb: {  	v28 =	vld [tilespmem:s19+$0xB0];
	[tilespmem:s19+$0x10] =	vst v3;
	v3 =	vmul.f32 v16, v2;
	v30 =	vpop (erf)  }
0xfc: {  	v29 =	vld [tilespmem:s19+$0xC0];
	[tilespmem:s19+$0x20] =	vst v27;
	v4 =	vmul.f32 v30, v22;
	v9 =	vmax.f32 v21, $1.000000000e+00  }
0xfd: {  	v32 =	vld [tilespmem:s19+$0xD0];
	v1 =	vmax.f32 v1, $1.000000000e+00;
	[tilespmem:s19+$0x30] =	vst v3;
	v3 =	vmul.f32 v61, v2;
	(erf) = vrcp.f32 v9  }
0xfe: {  	v33 =	vld [tilespmem:s19+$0xE0];
	s13 =	sadd.s32 $0x200, s19;
	[tilespmem:s19+$0x80] =	vst v4;
	(erf) = vrcp.f32 v1;
	v1 =	vmul.f32 v62, v2  }
0xff: {  	v35 =	vld [tilespmem:s13+$0x70];
	[tilespmem:s19+$0x40] =	vst v3;
	v2 =	vmul.f32 v63, v2  }
0x100: {  	v34 =	vld.idx.msk [tilespmem:v10+s1+$0x0], $0xffff;
	[tilespmem:s19+$0x50] =	vst v1;
	v1 =	vmul.f32 v25, v30  }
0x101: {  	v3 =	vld [tilespmem:s19+$0xF0];
	[tilespmem:s19+$0x60] =	vst v2;
	v2 =	vmul.f32 v26, v30  }
0x102: {  	v36 =	vld [tilespmem:s13+$0xFFFFFF00];
	[tilespmem:s19+$0x90] =	vst v1;
	v1 =	vmul.f32 v28, v30  }
0x103: {  	v37 =	vld [tilespmem:s13+$0xFFFFFF10];
	[tilespmem:s19+$0xA0] =	vst v2;
	v2 =	vmul.f32 v29, v30  }
0x104: {  	v38 =	vld [tilespmem:s13+$0xFFFFFF20];
	[tilespmem:s20+$0xB0] =	vst v1;
	v1 =	vmul.f32 v32, v30  }
0x105: {  	v41 =	vld [tilespmem:s13+$0xFFFFFF50];
	v4 =	vmax.f32 v34, $1.000000000e+00;
	[tilespmem:s20+$0xC0] =	vst v2;
	v2 =	vmul.f32 v33, v30  }
0x106: {  	(erf) = vrcp.f32 v4;
	[tilespmem:s20+$0xD0] =	vst v1;
	v1 =	vmul.f32 v3, v30;
	v3 =	vld [tilespmem:s13+$0xFFFFFF30];
	v39 =	vpop (erf)  }
0x107: {  	[tilespmem:s20+$0xE0] =	vst v2;
	v2 =	vld [tilespmem:s13+$0xFFFFFF40];
	v7 =	vmul.f32 v35, v39;
	v40 =	vpop (erf)  }
0x108: {  	v42 =	vld [tilespmem:s13+$0xFFFFFF60];
	[tilespmem:s20+$0xF0] =	vst v1;
	v1 =	vmul.f32 v40, v36  }
0x109: {  	s14 =	sadd.s32 $0x3, s14;
	v43 =	vld [tilespmem:s13+$0xFFFFFF70];
	v9 =	vmul.f32 v37, v40;
	[tilespmem:s13+$0x70] =	vst v7  }
0x10a: {  	v31 =	vmov s14;
	v44 =	vld [tilespmem:s13+$0xFFFFFF80];
	[tilespmem:s13+$0xFFFFFF00] =	vst v1;
	v1 =	vmul.f32 v38, v40  }
0x10b: {  	v45 =	vld [tilespmem:s13+$0xFFFFFFA0];
	[tilespmem:s13+$0xFFFFFF10] =	vst v9;
	v3 =	vmul.f32 v3, v40  }
0x10c: {  	[tilespmem:s13+$0xFFFFFF20] =	vst v1;
	v1 =	vmul.f32 v2, v40;
	v2 =	vld [tilespmem:s13+$0xFFFFFF90]  }
0x10d: {  	v46 =	vld [tilespmem:s13+$0xFFFFFFB0];
	[tilespmem:s13+$0xFFFFFF30] =	vst v3;
	v3 =	vmul.f32 v41, v40  }
0x10e: {  	v47 =	vld [tilespmem:s13+$0xFFFFFFC0];
	[tilespmem:s13+$0xFFFFFF40] =	vst v1;
	v1 =	vmul.f32 v42, v40  }
0x10f: {  	v5 =	vld.idx.msk [tilespmem:v31+s1+$0x0], $0xffff;
	v48 =	vpop (erf);
	[tilespmem:s13+$0xFFFFFF50] =	vst v3;
	v3 =	vmul.f32 v43, v40  }
0x110: {  	v49 =	vld [tilespmem:s13+$0xFFFFFFD0];
	[tilespmem:s13+$0xFFFFFF60] =	vst v1;
	v1 =	vmul.f32 v48, v44  }
0x111: {  	[tilespmem:s13+$0xFFFFFF70] =	vst v3;
	v2 =	vmul.f32 v2, v48;
	v3 =	vld [tilespmem:s13+$0xFFFFFFE0]  }
0x112: {  	v50 =	vld [tilespmem:s13+$0xFFFFFFF0];
	[tilespmem:s13+$0xFFFFFF80] =	vst v1;
	v1 =	vmul.f32 v45, v48  }
0x113: {  	v51 =	vld [tilespmem:s13+$0x0];
	[tilespmem:s13+$0xFFFFFF90] =	vst v2;
	v2 =	vmul.f32 v46, v48  }
0x114: {  	v52 =	vld [tilespmem:s13+$0x10];
	v5 =	vmax.f32 v5, $1.000000000e+00;
	[tilespmem:s13+$0xFFFFFFA0] =	vst v1;
	v1 =	vmul.f32 v47, v48  }
0x115: {  	v53 =	vld [tilespmem:s13+$0x20];
	(erf) = vrcp.f32 v5;
	[tilespmem:s13+$0xFFFFFFB0] =	vst v2;
	v2 =	vmul.f32 v49, v48  }
0x116: {  	[tilespmem:s13+$0xFFFFFFC0] =	vst v1;
	v1 =	vmul.f32 v3, v48;
	v3 =	vld [tilespmem:s13+$0x30]  }
0x117: {  	v54 =	vld [tilespmem:s13+$0x40];
	[tilespmem:s13+$0xFFFFFFD0] =	vst v2;
	v2 =	vmul.f32 v50, v48  }
0x118: {  	v55 =	vld [tilespmem:s13+$0x50];
	[tilespmem:s13+$0xFFFFFFE0] =	vst v1;
	v1 =	vmul.f32 v39, v51  }
0x119: {  	v56 =	vld [tilespmem:s13+$0x60];
	[tilespmem:s13+$0xFFFFFFF0] =	vst v2;
	v2 =	vmul.f32 v52, v39  }
0x11a: {  	v57 =	vld [tilespmem:s13+$0x80];
	[tilespmem:s13+$0x0] =	vst v1;
	v1 =	vmul.f32 v53, v39  }
0x11b: {  	[tilespmem:s13+$0x10] =	vst v2;
	v2 =	vmul.f32 v3, v39;
	v3 =	vld [tilespmem:s13+$0x90]  }
0x11c: {  	v58 =	vld [tilespmem:s13+$0xA0];
	[tilespmem:s13+$0x20] =	vst v1;
	v1 =	vmul.f32 v54, v39  }
0x11d: {  	v59 =	vld [tilespmem:s13+$0xB0];
	[tilespmem:s13+$0x30] =	vst v2;
	v2 =	vmul.f32 v55, v39  }
0x11e: {  	v60 =	vld [tilespmem:s13+$0xC0];
	v61 =	vpop (erf);
	[tilespmem:s13+$0x40] =	vst v1;
	v1 =	vmul.f32 v56, v39  }
0x11f: {  	v62 =	vld [tilespmem:s13+$0xD0];
	[tilespmem:s13+$0x50] =	vst v2;
	v2 =	vmul.f32 v61, v57  }
0x120: {  	[tilespmem:s13+$0x60] =	vst v1;
	v1 =	vmul.f32 v3, v61;
	v3 =	vld [tilespmem:s13+$0xE0]  }
0x121: {  	v63 =	vld [tilespmem:s13+$0xF0];
	[tilespmem:s13+$0x80] =	vst v2;
	v2 =	vmul.f32 v58, v61  }
0x122: {  	[tilespmem:s13+$0x90] =	vst v1;
	v1 =	vmul.f32 v59, v61  }
0x123: {  	[tilespmem:s13+$0xA0] =	vst v2;
	v2 =	vmul.f32 v60, v61  }
0x124: {  	[tilespmem:s13+$0xB0] =	vst v1;
	v1 =	vmul.f32 v62, v61  }
0x125: {  	[tilespmem:s13+$0xC0] =	vst v2;
	v2 =	vmul.f32 v3, v61  }
0x126: {  	s18 =	sadd.s32 $0x1, s18;
	[tilespmem:s13+$0xD0] =	vst v1;
	v1 =	vmul.f32 v63, v61  }
0x127: {  	p1 =	sne.s32 s18, $0xF;
	[tilespmem:s13+$0xE0] =	vst v2  }
.Ltmp3:
0x128: {  	[tilespmem:s13+$0xF0] =	vst v1;
	(pc) =	sbr.rel @p1 .LBB2_7-.Ltmp3, $4  }
0x129: {  	[spmem:s3] =	stream.indirect.scatter.add.f32 [tilespmem:s21], [sflag:$0x1], $0x80, s24, s29, $0xb8;
	[tilespmem:$0x1F808] =	vst v63  }
0x12a: {  	_ =	swait.ge [sflag:s22], $0x4000  }
0x12b: {  	[sflag:s22] =	ssyncset.done $0x0  }
0x12c: {  	[sflag:s22] =	ssyncadd.s32 $0xFFFFC000  }
0x12d: {  	v1 =	vld [tilespmem:$0x15388]  }
0x12e: {  	v2 =	vld [tilespmem:$0x16388]  }
0x12f: {  	v3 =	vld [tilespmem:$0x15B88]  }
0x130: {  	v4 =	vld [tilespmem:$0x15398]  }
0x131: {  	v5 =	vld [tilespmem:$0x16398]  }
0x132: {  	v6 =	vld [tilespmem:$0x15B98];
	v1 =	vmul.u32 $0x2710, v1  }
0x133: {  	v7 =	vld [tilespmem:$0x153A8]  }
0x134: {  	v3 =	vadd.s32 v1, v3  }
0x135: {  	[tilespmem:$0x1B408] =	vst v3;
	v3 =	vmul.u32 $0x2710, v4;
	v4 =	vld [tilespmem:$0x15BA8]  }
0x136: {  	v8 =	vld [tilespmem:$0x163A8];
	[tilespmem:$0x1B508] =	vst v2;
	v1 =	vadd.s32 v2, v1  }
0x137: {  	[tilespmem:$0x1B488] =	vst v1;
	v1 =	vld [tilespmem:$0x153B8];
	v2 =	vadd.s32 v3, v6  }
0x138: {  	v6 =	vld [tilespmem:$0x163B8];
	[tilespmem:$0x1B418] =	vst v2;
	v2 =	vadd.s32 v5, v3;
	v3 =	vmul.u32 $0x2710, v7  }
0x139: {  	[tilespmem:$0x1B518] =	vst v5;
	v7 =	vld [tilespmem:$0x15BB8]  }
0x13a: {  	[tilespmem:$0x1B498] =	vst v2;
	v2 =	vld [tilespmem:$0x153C8];
	v4 =	vadd.s32 v3, v4  }
0x13b: {  	v3 =	vadd.s32 v8, v3;
	[tilespmem:$0x1B428] =	vst v4;
	v4 =	vld [tilespmem:$0x15BC8]  }
0x13c: {  	v1 =	vmul.u32 $0x2710, v1;
	[tilespmem:$0x1B4A8] =	vst v3;
	v3 =	vld [tilespmem:$0x163C8]  }
0x13d: {  	[tilespmem:$0x1B528] =	vst v8  }
0x13e: {  	[tilespmem:$0x1B538] =	vst v6;
	v5 =	vadd.s32 v1, v7  }
0x13f: {  	v1 =	vadd.s32 v6, v1;
	[tilespmem:$0x1B438] =	vst v5;
	v2 =	vmul.u32 $0x2710, v2  }
0x140: {  	[tilespmem:$0x1B4B8] =	vst v1  }
0x141: {  	v1 =	vadd.s32 v2, v4;
	[tilespmem:$0x1B548] =	vst v3  }
0x142: {  	[tilespmem:$0x1B448] =	vst v1;
	v1 =	vadd.s32 v3, v2  }
0x143: {  	s8 =	simm.s32 $0x2;
	s13 =	simm.s32 $0x0;
	[tilespmem:$0x1B4C8] =	vst v1  }
0x144: {  	v1 =	vmov s8;
	[tilespmem:s10], [sflag:$0x1] =	stream.indirect.gather [hbm4b:s7+s6], $0x80, s9, s6, $0xb8;
	[tilespmem:$0x1F808] =	vst v63  }
0x145: {  	v2 =	vmov s13;
	v1 =	vand.u32 $0xFFFFFFFE, v1;
	_ =	swait.ge [sflag:s22], $0x2800  }
0x146: {  	v2 =	vand.u32 $0xFFFFFFFC, v2;
	v1 =	vbroadcast v1, $0x0;
	[sflag:s22] =	ssyncset.done $0x0  }
0x147: {  	v2 =	vbroadcast v2, $0x0;
	[sflag:s22] =	ssyncadd.s32 $0xFFFFD800  }
0x148: {  	[tilespmem:s12], [sflag:$0x1] =	stream.indirect.gather [spmem:s4], $0x1, s11, s6, $0xb8;
	[tilespmem:$0x1F808] =	vst v63  }
0x149: {  	_ =	swait.ge [sflag:s22], $0x50  }
0x14a: {  	[sflag:s22] =	ssyncset.done $0x0  }
0x14b: {  	[sflag:s22] =	ssyncadd.s32 $0xFFFFFFB0  }
0x14c: {  	s19 =	simm.s32 $0x1;
	v1 =	vld.idx.msk [tilespmem:v1+s12+$0x0], $0xffff  }
0x14d: {  	v3 =	vmov s19;
	v2 =	vld.idx.msk [tilespmem:v2+s12+$0x0], $0xffff  }
0x14e: {  	v3 =	vand.u32 $0xFFFFFFFD, v3  }
0x14f: {  	v3 =	vbroadcast v3, $0x0  }
0x150: {  	s20 =	simm.s32 $0x3  }
0x151: {  	v4 =	vmov s20;
	v1 =	vmax.f32 v1, $1.000000000e+00  }
0x152: {  	v2 =	vmax.f32 v2, $1.000000000e+00;
	(erf) = vrcp.f32 v1  }
0x153: {  	s18 =	simm.s32 $0x18D08;
	(erf) = vrcp.f32 v2  }
0x154: {  	v5 =	vld [tilespmem:s18+$0xFFFFFF00]  }
0x155: {  	s14 =	simm.s32 $0x4;
	v1 =	vld.idx.msk [tilespmem:v3+s12+$0x0], $0xffff  }
0x156: {  	v3 =	vld.idx.msk [tilespmem:v4+s12+$0x0], $0xffff;
	v2 =	vmov s14  }
0x157: {  	v4 =	vld [tilespmem:s18+$0x70];
	v2 =	vand.u32 $0xFFFFFFFC, v2  }
0x158: {  	v7 =	vld [tilespmem:s18+$0xFFFFFF10];
	v6 =	vbroadcast v2, $0x0  }
0x159: {  	v8 =	vld [tilespmem:s18+$0xFFFFFF20]  }
0x15a: {  	v9 =	vld [tilespmem:s18+$0xFFFFFF30]  }
0x15b: {  	v12 =	vld [tilespmem:s18+$0xFFFFFF50];
	v1 =	vmax.f32 v1, $1.000000000e+00;
	v2 =	vpop (erf)  }
0x15c: {  	v10 =	vld [tilespmem:s18+$0xFFFFFF40];
	(erf) = vrcp.f32 v1;
	v11 =	vpop (erf);
	v4 =	vmul.f32 v4, v2  }
0x15d: {  	v5 =	vmul.f32 v11, v5  }
0x15e: {  	v1 =	vld.idx.msk [tilespmem:v6+s12+$0x0], $0xffff;
	v6 =	vmul.f32 v7, v11;
	[tilespmem:s18+$0x70] =	vst v4  }
0x15f: {  	v13 =	vld [tilespmem:s18+$0xFFFFFF60];
	v4 =	vmul.f32 v8, v11;
	[tilespmem:s18+$0xFFFFFF00] =	vst v5  }
0x160: {  	v7 =	vmul.f32 v12, v11;
	v5 =	vld [tilespmem:s18+$0xFFFFFF70];
	[tilespmem:s18+$0xFFFFFF10] =	vst v6  }
0x161: {  	v6 =	vmul.f32 v9, v11;
	v9 =	vld [tilespmem:s18+$0xFFFFFF80];
	[tilespmem:s18+$0xFFFFFF20] =	vst v4;
	v4 =	vmul.f32 v10, v11  }
0x162: {  	v10 =	vld [tilespmem:s18+$0xFFFFFF90]  }
0x163: {  	v8 =	vld [tilespmem:s18+$0xFFFFFFA0];
	[tilespmem:s18+$0xFFFFFF50] =	vst v7  }
0x164: {  	v62 =	vmul.f32 v13, v11;
	[tilespmem:s18+$0xFFFFFF30] =	vst v6;
	v6 =	vld [tilespmem:s18+$0xFFFFFFB0]  }
0x165: {  	[tilespmem:s18+$0xFFFFFF40] =	vst v4;
	v63 =	vmul.f32 v5, v11;
	v5 =	vld [tilespmem:s18+$0xFFFFFFC0];
	v4 =	vpop (erf)  }
0x166: {  	[tilespmem:s18+$0xFFFFFF60] =	vst v62;
	v7 =	vld [tilespmem:s18+$0xFFFFFFD0];
	v11 =	vmul.f32 v4, v9  }
0x167: {  	s13 =	simm.s32 $0x8;
	s19 =	simm.s32 $0x18D08;
	s8 =	simm.s32 $0x6;
	v10 =	vmul.f32 v10, v4;
	v9 =	vld [tilespmem:s18+$0xFFFFFFE0];
	[tilespmem:s18+$0xFFFFFF70] =	vst v63  }
.LBB2_11:
0x168: {  	p1 =	slt.u32 s13, $0x4C;
	v12 =	vmov s8;
	[tilespmem:s18+$0xFFFFFF80] =	vst v11;
	v8 =	vmul.f32 v8, v4;
	v11 =	vld [tilespmem:s18+$0xFFFFFFF0]  }
0x169: {  	v12 =	vand.u32 $0xFFFFFFFE, v12;
	[tilespmem:s18+$0xFFFFFF90] =	vst v10;
	v6 =	vmul.f32 v6, v4;
	v10 =	vld [tilespmem:s18+$0x0]  }
0x16a: {  	v12 =	vbroadcast v12, $0x0;
	[tilespmem:s18+$0xFFFFFFA0] =	vst v8;
	v5 =	vmul.f32 v5, v4;
	v8 =	vld [tilespmem:s18+$0x10]  }
0x16b: {  	v3 =	vmax.f32 v3, $1.000000000e+00;
	[tilespmem:s18+$0xFFFFFFB0] =	vst v6;
	v6 =	vmul.f32 v7, v4;
	v7 =	vld [tilespmem:s18+$0x20]  }
0x16c: {  	[tilespmem:s18+$0xFFFFFFC0] =	vst v5;
	v5 =	vmul.f32 v9, v4;
	v9 =	vld [tilespmem:s18+$0x30];
	(erf) = vrcp.f32 v3  }
0x16d: {  	[tilespmem:s18+$0xFFFFFFD0] =	vst v6;
	v3 =	vmul.f32 v11, v4;
	v4 =	vld [tilespmem:s18+$0x40]  }
0x16e: {  	[tilespmem:s18+$0xFFFFFFE0] =	vst v5;
	v5 =	vmul.f32 v2, v10;
	v6 =	vld [tilespmem:s18+$0x50]  }
0x16f: {  	[tilespmem:s18+$0xFFFFFFF0] =	vst v3;
	v3 =	vmul.f32 v8, v2;
	v8 =	vld [tilespmem:s18+$0x60]  }
0x170: {  	s8 =	sadd.s32 $0x1, s14;
	v10 =	vld.idx.msk [tilespmem:v12+s12+$0x0], $0xffff;
	[tilespmem:s18+$0x0] =	vst v5;
	v5 =	vmul.f32 v7, v2  }
0x171: {  	v7 =	vmov s8;
	[tilespmem:s18+$0x10] =	vst v3;
	v3 =	vmul.f32 v9, v2;
	v9 =	vld [tilespmem:s18+$0x80]  }
0x172: {  	v7 =	vand.u32 $0xFFFFFFFD, v7;
	[tilespmem:s18+$0x20] =	vst v5;
	v4 =	vmul.f32 v4, v2;
	v5 =	vld [tilespmem:s18+$0x90]  }
0x173: {  	v11 =	vmov s13;
	v7 =	vbroadcast v7, $0x0;
	[tilespmem:s18+$0x30] =	vst v3;
	v3 =	vmul.f32 v6, v2;
	v6 =	vld [tilespmem:s18+$0xA0]  }
0x174: {  	v11 =	vand.u32 $0xFFFFFFFC, v11;
	s8 =	sadd.s32 $0x3, s14;
	s14 =	smov.u32 s13;
	[tilespmem:s18+$0x40] =	vst v4;
	v2 =	vmul.f32 v8, v2;
	v4 =	vld [tilespmem:s18+$0xB0]  }
0x175: {  	v8 =	vbroadcast v11, $0x0;
	v11 =	vmov s8;
	[tilespmem:s18+$0x50] =	vst v3;
	v12 =	vld [tilespmem:s18+$0xC0];
	v13 =	vpop (erf)  }
0x176: {  	v3 =	vmax.f32 v10, $1.000000000e+00;
	[tilespmem:s18+$0x60] =	vst v2;
	v2 =	vmul.f32 v13, v9;
	v9 =	vld [tilespmem:s18+$0xD0]  }
0x177: {  	v1 =	vmax.f32 v1, $1.000000000e+00;
	(erf) = vrcp.f32 v3;
	v3 =	vmul.f32 v5, v13;
	v5 =	vld [tilespmem:s18+$0xE0]  }
0x178: {  	(erf) = vrcp.f32 v1;
	[tilespmem:s18+$0x80] =	vst v2;
	v1 =	vmul.f32 v6, v13;
	v2 =	vld [tilespmem:s18+$0xF0]  }
0x179: {  	v6 =	vld.idx.msk [tilespmem:v7+s12+$0x0], $0xffff;
	[tilespmem:s18+$0x90] =	vst v3;
	v4 =	vmul.f32 v4, v13  }
0x17a: {  	v3 =	vld.idx.msk [tilespmem:v11+s12+$0x0], $0xffff;
	[tilespmem:s18+$0xA0] =	vst v1;
	v7 =	vmul.f32 v12, v13  }
0x17b: {  	s18 =	sadd.s32 $0x200, s18;
	v1 =	vld.idx.msk [tilespmem:v8+s12+$0x0], $0xffff;
	[tilespmem:s19+$0xB0] =	vst v4;
	v4 =	vmul.f32 v9, v13  }
0x17c: {  	v8 =	vld [tilespmem:s18+$0x70];
	[tilespmem:s19+$0xC0] =	vst v7;
	v5 =	vmul.f32 v5, v13  }
0x17d: {  	v7 =	vld [tilespmem:s18+$0xFFFFFF00];
	[tilespmem:s19+$0xD0] =	vst v4;
	v10 =	vmul.f32 v2, v13  }
0x17e: {  	v4 =	vld [tilespmem:s18+$0xFFFFFF10];
	[tilespmem:s19+$0xE0] =	vst v5  }
0x17f: {  	v6 =	vmax.f32 v6, $1.000000000e+00;
	v5 =	vld [tilespmem:s18+$0xFFFFFF20];
	[tilespmem:s19+$0xF0] =	vst v10;
	s19 =	smov.u32 s18  }
0x180: {  	v9 =	vld [tilespmem:s18+$0xFFFFFF30];
	(erf) = vrcp.f32 v6;
	v2 =	vpop (erf)  }
0x181: {  	v6 =	vld [tilespmem:s18+$0xFFFFFF40];
	v8 =	vmul.f32 v8, v2;
	v10 =	vpop (erf)  }
0x182: {  	v7 =	vmul.f32 v10, v7;
	v11 =	vld [tilespmem:s18+$0xFFFFFF50]  }
0x183: {  	v4 =	vmul.f32 v4, v10;
	v12 =	vld [tilespmem:s18+$0xFFFFFF60];
	[tilespmem:s18+$0x70] =	vst v8  }
0x184: {  	[tilespmem:s18+$0xFFFFFF00] =	vst v7;
	v5 =	vmul.f32 v5, v10;
	v7 =	vld [tilespmem:s18+$0xFFFFFF70]  }
0x185: {  	[tilespmem:s18+$0xFFFFFF10] =	vst v4;
	v4 =	vmul.f32 v9, v10;
	v9 =	vld [tilespmem:s18+$0xFFFFFF80]  }
0x186: {  	[tilespmem:s18+$0xFFFFFF20] =	vst v5;
	v5 =	vmul.f32 v6, v10;
	v13 =	vld [tilespmem:s18+$0xFFFFFF90]  }
.Ltmp4:
0x187: {  	[tilespmem:s18+$0xFFFFFF30] =	vst v4;
	v14 =	vmul.f32 v11, v10;
	v8 =	vld [tilespmem:s18+$0xFFFFFFA0];
	(pc) =	sbr.rel @p1 .LBB2_11-.Ltmp4, $4  }
0x188: {  	[tilespmem:s18+$0xFFFFFF40] =	vst v5;
	v11 =	vmul.f32 v12, v10;
	v6 =	vld [tilespmem:s18+$0xFFFFFFB0]  }
0x189: {  	[tilespmem:s18+$0xFFFFFF50] =	vst v14;
	v10 =	vmul.f32 v7, v10;
	v5 =	vld [tilespmem:s18+$0xFFFFFFC0];
	v4 =	vpop (erf)  }
0x18a: {  	[tilespmem:s18+$0xFFFFFF60] =	vst v11;
	v11 =	vmul.f32 v4, v9;
	v7 =	vld [tilespmem:s18+$0xFFFFFFD0]  }
0x18b: {  	s13 =	sadd.s32 $0x4, s13;
	s8 =	sadd.s32 $0x2, s14;
	[tilespmem:s18+$0xFFFFFF70] =	vst v10;
	v10 =	vmul.f32 v13, v4;
	v9 =	vld [tilespmem:s18+$0xFFFFFFE0]  }
0x18c: {  	v60 =	vmov s8;
	v12 =	vld [tilespmem:s18+$0xFFFFFFF0]  }
0x18d: {  	[tilespmem:s18+$0xFFFFFF80] =	vst v11;
	v13 =	vld [tilespmem:s18+$0x0];
	v11 =	vand.u32 $0xFFFFFFFE, v60  }
0x18e: {  	v14 =	vld [tilespmem:s18+$0x10];
	v3 =	vmax.f32 v3, $1.000000000e+00;
	v11 =	vbroadcast v11, $0x0  }
0x18f: {  	v15 =	vld [tilespmem:s18+$0x20];
	v8 =	vmul.f32 v8, v4;
	(erf) = vrcp.f32 v3  }
0x190: {  	v16 =	vld [tilespmem:s18+$0x30];
	[tilespmem:s18+$0xFFFFFF90] =	vst v10;
	v3 =	vmul.f32 v6, v4  }
0x191: {  	v61 =	vld [tilespmem:s18+$0x40];
	[tilespmem:s18+$0xFFFFFFA0] =	vst v8;
	v5 =	vmul.f32 v5, v4  }
0x192: {  	v62 =	vld [tilespmem:s18+$0x50];
	[tilespmem:s18+$0xFFFFFFB0] =	vst v3;
	v3 =	vmul.f32 v7, v4  }
0x193: {  	v22 =	vld [tilespmem:s18+$0x80];
	[tilespmem:s18+$0xFFFFFFC0] =	vst v5;
	v20 =	vmul.f32 v9, v4  }
0x194: {  	s13 =	sadd.s32 $0x1, s14;
	[tilespmem:s18+$0xFFFFFFD0] =	vst v3;
	v3 =	vmul.f32 v12, v4;
	v21 =	vld.idx.msk [tilespmem:v11+s12+$0x0], $0xffff  }
0x195: {  	v63 =	vld [tilespmem:s18+$0x60];
	v24 =	vmov s13;
	v23 =	vmul.f32 v2, v13;
	[tilespmem:s18+$0xFFFFFFE0] =	vst v20  }
0x196: {  	v25 =	vld [tilespmem:s18+$0x90];
	v10 =	vand.u32 $0xFFFFFFFD, v24;
	[tilespmem:s18+$0xFFFFFFF0] =	vst v3;
	v3 =	vmul.f32 v14, v2  }
0x197: {  	v26 =	vld [tilespmem:s18+$0xA0];
	v10 =	vbroadcast v10, $0x0;
	v27 =	vmul.f32 v15, v2;
	[tilespmem:s18+$0x0] =	vst v23  }
0x198: {  	v28 =	vld [tilespmem:s18+$0xB0];
	[tilespmem:s18+$0x10] =	vst v3;
	v3 =	vmul.f32 v16, v2;
	v30 =	vpop (erf)  }
0x199: {  	v29 =	vld [tilespmem:s18+$0xC0];
	[tilespmem:s18+$0x20] =	vst v27;
	v4 =	vmul.f32 v30, v22;
	v9 =	vmax.f32 v21, $1.000000000e+00  }
0x19a: {  	v32 =	vld [tilespmem:s18+$0xD0];
	v1 =	vmax.f32 v1, $1.000000000e+00;
	[tilespmem:s18+$0x30] =	vst v3;
	v3 =	vmul.f32 v61, v2;
	(erf) = vrcp.f32 v9  }
0x19b: {  	v33 =	vld [tilespmem:s18+$0xE0];
	s13 =	sadd.s32 $0x200, s18;
	[tilespmem:s18+$0x80] =	vst v4;
	(erf) = vrcp.f32 v1;
	v1 =	vmul.f32 v62, v2  }
0x19c: {  	v35 =	vld [tilespmem:s13+$0x70];
	[tilespmem:s18+$0x40] =	vst v3;
	v2 =	vmul.f32 v63, v2  }
0x19d: {  	v34 =	vld.idx.msk [tilespmem:v10+s12+$0x0], $0xffff;
	[tilespmem:s18+$0x50] =	vst v1;
	v1 =	vmul.f32 v25, v30  }
0x19e: {  	v3 =	vld [tilespmem:s18+$0xF0];
	[tilespmem:s18+$0x60] =	vst v2;
	v2 =	vmul.f32 v26, v30  }
0x19f: {  	v36 =	vld [tilespmem:s13+$0xFFFFFF00];
	[tilespmem:s18+$0x90] =	vst v1;
	v1 =	vmul.f32 v28, v30  }
0x1a0: {  	v37 =	vld [tilespmem:s13+$0xFFFFFF10];
	[tilespmem:s18+$0xA0] =	vst v2;
	v2 =	vmul.f32 v29, v30  }
0x1a1: {  	v38 =	vld [tilespmem:s13+$0xFFFFFF20];
	[tilespmem:s19+$0xB0] =	vst v1;
	v1 =	vmul.f32 v32, v30  }
0x1a2: {  	v41 =	vld [tilespmem:s13+$0xFFFFFF50];
	v4 =	vmax.f32 v34, $1.000000000e+00;
	[tilespmem:s19+$0xC0] =	vst v2;
	v2 =	vmul.f32 v33, v30  }
0x1a3: {  	(erf) = vrcp.f32 v4;
	[tilespmem:s19+$0xD0] =	vst v1;
	v1 =	vmul.f32 v3, v30;
	v3 =	vld [tilespmem:s13+$0xFFFFFF30];
	v39 =	vpop (erf)  }
0x1a4: {  	[tilespmem:s19+$0xE0] =	vst v2;
	v2 =	vld [tilespmem:s13+$0xFFFFFF40];
	v7 =	vmul.f32 v35, v39;
	v40 =	vpop (erf)  }
0x1a5: {  	v42 =	vld [tilespmem:s13+$0xFFFFFF60];
	[tilespmem:s19+$0xF0] =	vst v1;
	v1 =	vmul.f32 v40, v36  }
0x1a6: {  	s20 =	sadd.s32 $0x3, s14;
	v43 =	vld [tilespmem:s13+$0xFFFFFF70];
	v9 =	vmul.f32 v37, v40;
	[tilespmem:s13+$0x70] =	vst v7  }
0x1a7: {  	v31 =	vmov s20;
	v44 =	vld [tilespmem:s13+$0xFFFFFF80];
	[tilespmem:s13+$0xFFFFFF00] =	vst v1;
	v1 =	vmul.f32 v38, v40  }
0x1a8: {  	v45 =	vld [tilespmem:s13+$0xFFFFFFA0];
	[tilespmem:s13+$0xFFFFFF10] =	vst v9;
	v3 =	vmul.f32 v3, v40  }
0x1a9: {  	[tilespmem:s13+$0xFFFFFF20] =	vst v1;
	v1 =	vmul.f32 v2, v40;
	v2 =	vld [tilespmem:s13+$0xFFFFFF90]  }
0x1aa: {  	v46 =	vld [tilespmem:s13+$0xFFFFFFB0];
	[tilespmem:s13+$0xFFFFFF30] =	vst v3;
	v3 =	vmul.f32 v41, v40  }
0x1ab: {  	v47 =	vld [tilespmem:s13+$0xFFFFFFC0];
	[tilespmem:s13+$0xFFFFFF40] =	vst v1;
	v1 =	vmul.f32 v42, v40  }
0x1ac: {  	v5 =	vld.idx.msk [tilespmem:v31+s12+$0x0], $0xffff;
	v48 =	vpop (erf);
	[tilespmem:s13+$0xFFFFFF50] =	vst v3;
	v3 =	vmul.f32 v43, v40  }
0x1ad: {  	v49 =	vld [tilespmem:s13+$0xFFFFFFD0];
	[tilespmem:s13+$0xFFFFFF60] =	vst v1;
	v1 =	vmul.f32 v48, v44  }
0x1ae: {  	[tilespmem:s13+$0xFFFFFF70] =	vst v3;
	v2 =	vmul.f32 v2, v48;
	v3 =	vld [tilespmem:s13+$0xFFFFFFE0]  }
0x1af: {  	v50 =	vld [tilespmem:s13+$0xFFFFFFF0];
	[tilespmem:s13+$0xFFFFFF80] =	vst v1;
	v1 =	vmul.f32 v45, v48  }
0x1b0: {  	v51 =	vld [tilespmem:s13+$0x0];
	[tilespmem:s13+$0xFFFFFF90] =	vst v2;
	v2 =	vmul.f32 v46, v48  }
0x1b1: {  	v52 =	vld [tilespmem:s13+$0x10];
	v5 =	vmax.f32 v5, $1.000000000e+00;
	[tilespmem:s13+$0xFFFFFFA0] =	vst v1;
	v1 =	vmul.f32 v47, v48  }
0x1b2: {  	v53 =	vld [tilespmem:s13+$0x20];
	(erf) = vrcp.f32 v5;
	[tilespmem:s13+$0xFFFFFFB0] =	vst v2;
	v2 =	vmul.f32 v49, v48  }
0x1b3: {  	[tilespmem:s13+$0xFFFFFFC0] =	vst v1;
	v1 =	vmul.f32 v3, v48;
	v3 =	vld [tilespmem:s13+$0x30]  }
0x1b4: {  	v54 =	vld [tilespmem:s13+$0x40];
	[tilespmem:s13+$0xFFFFFFD0] =	vst v2;
	v2 =	vmul.f32 v50, v48  }
0x1b5: {  	v55 =	vld [tilespmem:s13+$0x50];
	[tilespmem:s13+$0xFFFFFFE0] =	vst v1;
	v1 =	vmul.f32 v39, v51  }
0x1b6: {  	v56 =	vld [tilespmem:s13+$0x60];
	[tilespmem:s13+$0xFFFFFFF0] =	vst v2;
	v2 =	vmul.f32 v52, v39  }
0x1b7: {  	v57 =	vld [tilespmem:s13+$0x80];
	[tilespmem:s13+$0x0] =	vst v1;
	v1 =	vmul.f32 v53, v39  }
0x1b8: {  	[tilespmem:s13+$0x10] =	vst v2;
	v2 =	vmul.f32 v3, v39;
	v3 =	vld [tilespmem:s13+$0x90]  }
0x1b9: {  	v58 =	vld [tilespmem:s13+$0xA0];
	[tilespmem:s13+$0x20] =	vst v1;
	v1 =	vmul.f32 v54, v39  }
0x1ba: {  	v59 =	vld [tilespmem:s13+$0xB0];
	[tilespmem:s13+$0x30] =	vst v2;
	v2 =	vmul.f32 v55, v39  }
0x1bb: {  	v60 =	vld [tilespmem:s13+$0xC0];
	v61 =	vpop (erf);
	[tilespmem:s13+$0x40] =	vst v1;
	v1 =	vmul.f32 v56, v39  }
0x1bc: {  	v62 =	vld [tilespmem:s13+$0xD0];
	[tilespmem:s13+$0x50] =	vst v2;
	v2 =	vmul.f32 v61, v57  }
0x1bd: {  	[tilespmem:s13+$0x60] =	vst v1;
	v1 =	vmul.f32 v3, v61;
	v3 =	vld [tilespmem:s13+$0xE0]  }
0x1be: {  	v63 =	vld [tilespmem:s13+$0xF0];
	[tilespmem:s13+$0x80] =	vst v2;
	v2 =	vmul.f32 v58, v61  }
0x1bf: {  	[tilespmem:s13+$0x90] =	vst v1;
	v1 =	vmul.f32 v59, v61  }
0x1c0: {  	[tilespmem:s13+$0xA0] =	vst v2;
	v2 =	vmul.f32 v60, v61  }
0x1c1: {  	[tilespmem:s13+$0xB0] =	vst v1;
	v1 =	vmul.f32 v62, v61  }
0x1c2: {  	[tilespmem:s13+$0xC0] =	vst v2;
	v2 =	vmul.f32 v3, v61  }
0x1c3: {  	s16 =	sadd.s32 $0x1, s16;
	[tilespmem:s13+$0xD0] =	vst v1;
	v1 =	vmul.f32 v63, v61  }
0x1c4: {  	p1 =	sne.s32 s16, $0x5;
	[tilespmem:s13+$0xE0] =	vst v2  }
.Ltmp5:
0x1c5: {  	[tilespmem:s13+$0xF0] =	vst v1;
	(pc) =	sbr.rel @p1 .LBB2_6-.Ltmp5, $4  }
0x1c6: {  	[spmem:s3] =	stream.indirect.scatter.add.f32 [tilespmem:s10], [sflag:$0x1], $0x80, s23, s6, $0xb8;
	[tilespmem:$0x1F808] =	vst v63  }
0x1c7: {  	_ =	swait.ge [sflag:s22], $0x2800  }
0x1c8: {  	[sflag:s22] =	ssyncset.done $0x0  }
0x1c9: {  	[sflag:s22] =	ssyncadd.s32 $0xFFFFD800  }
0x1ca: {  	s8 =	stileid.u32;
	[bflag:$0x0] =	sbarrier.arrive $0xFFFF  }
0x1cb: {  	s8 =	sshll.u32 s8, $0x6;
	s15 =	rddreg [dreg:$0x7]  }
0x1cc: {  	s14 =	rddreg [dreg:$0x10];
	s8 =	sor.u32 $0x1C01, s8;
	s13 =	sshrl.u32 s15, $0x3  }
0x1cd: {  	[hbm:s14], [sflag:s8] =	dma.local [spmem:s13], $0x2700  }
0x1ce: {  	_ =	swait.ge [sflag:s22], $0x2700  }
0x1cf: {  	[sflag:s22] =	ssyncset.done $0x0;
	s16 =	rddreg [dreg:$0xc]  }
0x1d0: {  	s14 =	rddreg [dreg:$0x11];
	[sflag:s22] =	ssyncadd.s32 $0xFFFFD900;
	s13 =	sshrl.u32 @!p0 s16, $0x3  }
0x1d1: {  	[hbm:s14], [sflag:s8] =	dma.local @!p0 [spmem:s13], $0x100  }
0x1d2: {  	s8 =	simm.s32 @!p0 $0x1  }
0x1d3: {  	_ =	swait.ge @!p0 [sflag:s8], $0x100  }
0x1d4: {  	s5 =	sadd.s32 $0x1, s5;
	s20 =	rddreg [dreg:$0x12]  }
0x1d5: {  	p1 =	sne.s32 s5, s20  }
.Ltmp6:
0x1d6: {  	_ = 	snop;
	(pc) =	sbr.rel @p1 .LBB2_1-.Ltmp6, $3  }
0x1d7: {  	_ =	sdelay $0x1  }
0x1d8: {  	[sflag:s8] =	ssyncset.done @!p0 $0x0  }
0x1d9: {  	s18 =	simm.s32 $0x16408;
	[sflag:s8] =	ssyncadd.s32 @!p0 $0xFFFFFF00  }
0x1da: {  	_ =	sfence.sel $0x180000  }
0x1db: {  	[bflag:$0x0] =	sbarrier.arrive $0xFFFF  }
0x1dc: {  	_ =	strace $0x9000004A  }
0x1dd: {  	[bflag:$0x2] =	sbarrier.arrive $0xFFFF  }
0x1de: {  	s0 =	rddreg [dreg:$0x6]  }
0x1df: {  	s0 =	sadd.s32 @!p0 $0x100000, s0  }
0x1e0: {  	[sflag:s0] =	ssyncadd.tile.s32 @!p0 $0x1;
	_ =	shalt  }
.Lfunc_end2:
_tile_overlayer_lowered:
.L_overlay_start_2:
0x1e1: {  	(tag) =	ssettag $0x2  }
0x1e2: {  	s0 =	rddreg [dreg:$0x0];
	s2 =	stileid.u32  }
0x1e3: {  	s1 =	rddreg [dreg:$0x1];
	p0 =	sne.s32 s2, $0x0  }
0x1e4: {  	s3 =	rddreg [dreg:$0x2];
	[bflag:$0x3] =	sbarrier.arrive $0xFFFF;
	s2 =	simm.s32 @!p0 $0x1C01  }
0x1e5: {  	[timem:s3], [sflag:s2] =	dma.local @!p0 [hbm:s0], s1  }
0x1e6: {  	s0 =	simm.s32 @!p0 $0x1  }
0x1e7: {  	_ =	swait.ge @!p0 [sflag:s0], s1  }
0x1e8: {  	s1 =	ssub.s32 @!p0 $0x0, s1;
	[sflag:s0] =	ssyncset.done @!p0 $0x0  }
0x1e9: {  	[sflag:s0] =	ssyncadd.s32 @!p0 s1  }
0x1ea: {  	[bflag:$0x3] =	sbarrier.arrive $0xFFFF  }
0x1eb: {  	_ =	shalt  }

</sc_bundles>
